<compile_context>
chip_gen: v7x
topology: tpu7x:2x2x1
jax: 0.10.2.dev20260603
libtpu: 0.0.44.dev20260713+nightly
codegen_flags: <defaults>
</compile_context>

<pallas_src>
import jax
from jax import lax
from jax.experimental import pallas as pl
from jax.experimental.pallas import tpu as pltpu
from jax.experimental.pallas import tpu_sc as plsc

_NUM_CORES = 2
_NUM_SUBCORES = 16
_NUM_WORKERS = _NUM_CORES * _NUM_SUBCORES
_CHUNK_ROWS = 32
_NBUF = 3


def _bcast_body(w_hbm, out_hbm, buf, gsem, ssem):
    seq_len, _ = w_hbm.shape
    batch = out_hbm.shape[0]
    rows = seq_len // _NUM_WORKERS
    n_chunks = rows // _CHUNK_ROWS
    wid = lax.axis_index("s") * _NUM_CORES + lax.axis_index("c")
    base = wid * rows

    def gather(i):
        return pltpu.make_async_copy(
            w_hbm.at[pl.ds(base + i * _CHUNK_ROWS, _CHUNK_ROWS), :],
            buf.at[i % _NBUF],
            gsem.at[i % _NBUF],
        )

    def scatter(i, b):
        return pltpu.make_async_copy(
            buf.at[i % _NBUF],
            out_hbm.at[b, pl.ds(base + i * _CHUNK_ROWS, _CHUNK_ROWS), :],
            ssem.at[i % _NBUF],
        )

    for j in range(_NBUF - 1):
        gather(j).start()
    for i in range(n_chunks):
        gather(i).wait()
        for b in range(batch):
            scatter(i, b).start()
        if i >= 1:
            for b in range(batch):
                scatter(i - 1, b).wait()
        if i + _NBUF - 1 < n_chunks:
            gather(i + _NBUF - 1).start()
    for b in range(batch):
        scatter(n_chunks - 1, b).wait()


def kernel(input_ids, W):
    batch, seq_len = input_ids.shape
    mesh = plsc.VectorSubcoreMesh(core_axis_name="c", subcore_axis_name="s")
    out = pl.kernel(
        _bcast_body,
        out_type=jax.ShapeDtypeStruct((batch, seq_len, W.shape[1]), W.dtype),
        mesh=mesh,
        scratch_types=[
            pltpu.VMEM((_NBUF, _CHUNK_ROWS, W.shape[1]), W.dtype),
            pltpu.SemaphoreType.DMA((_NBUF,)),
            pltpu.SemaphoreType.DMA((_NBUF,)),
        ],
        name="positional_embedding_sc_broadcast",
    )(W)
    return out

# --- scband reference (transcript-rebuilt; emitter-appended) ---
"""Pipeline reference for scband-positional-embedding-2594160247478 (READ-ONLY COPY).

The authoritative reference and input builder live on the scoring server;
editing this copy changes nothing except your own understanding.
"""

import jax, jax.numpy as jnp
import numpy as np


def setup_inputs(seed: int = 0) -> dict:
    key = jax.random.key(seed)
    k1, k2 = jax.random.split(key)
    input_ids = jax.random.randint(k1, (4, 8192), 0, 32000, dtype=jnp.int64)
    W = jax.random.normal(k2, (8192, 1024), dtype=jnp.float32) * 0.02
    return {"input_ids": input_ids, "W": W}


def reference(input_ids, W):
    # PositionalEmbedding.forward with input_ids provided (attention_mask=None)
    batch, seq_len = input_ids.shape
    positions = jnp.arange(seq_len)
    out = jnp.take(W, positions, axis=0)[None, :, :]  # [1, S, H]
    out = jnp.broadcast_to(out, (batch, seq_len, W.shape[1]))  # expand to [B, S, H]
    return out

if __name__ == "__main__":
    import jax
    _d = setup_inputs()
    print(jax.jit(kernel)(*tuple(_d.values())))

</pallas_src>

<mosaic_0001>
#map = affine_map<(d0, d1) -> (0, 0)>
#map1 = affine_map<(d0, d1) -> (0, 0, 0)>
module attributes {stable_mosaic.version = 14 : i64} {
  func.func @positional_embedding_sc_broadcast(%arg0: i32, %arg1: i32, %arg2: memref<8192x1024xf32, #tpu.memory_space<hbm>>, %arg3: memref<4x8192x1024xf32, #tpu.memory_space<hbm>>, %arg4: memref<3x32x1024xf32, #tpu.memory_space<vmem>>, %arg5: memref<3x!tpu.dma_semaphore, #tpu.memory_space<semaphore_mem>>, %arg6: memref<3x!tpu.dma_semaphore, #tpu.memory_space<semaphore_mem>>) attributes {dimension_semantics = [#tpu.dimension_semantics<core_parallel>, #tpu.dimension_semantics<subcore_parallel>], iteration_bounds = array<i64: 2, 16>, scalar_prefetch = 0 : i64, scratch_operands = 3 : i64, tpu.core_type = #tpu.core_type<sc_vector_subcore>, window_params = [{transform_indices = #map}, {transform_indices = #map1}]} {
    %mul3A = arith.constant 2 : i32
    %mul3A_0 = arith.muli %arg1, %mul3A : i32
    %add3A = arith.addi %mul3A_0, %arg0 : i32
    %mul3A_1 = arith.constant 256 : i32
    %mul3A_2 = arith.muli %add3A, %mul3A_1 : i32
    %add3A_3 = arith.constant 0 : i32
    %add3A_4 = arith.addi %mul3A_2, %add3A_3 : i32
    %dma_start3A = arith.constant 0 : i32
    %dma_start3A_5 = arith.constant 0 : i32
    %dma_start3A_6 = arith.constant 0 : i32
    %dma_start3A_7 = arith.constant 0 : i32
    %dma_start3A_8 = tpu.memref_slice %arg4[%dma_start3A, %dma_start3A_6, %dma_start3A_7] : memref<3x32x1024xf32, #tpu.memory_space<vmem>> -> memref<1x32x1024xf32, #tpu.memory_space<vmem>>
    %dma_start3A_9 = tpu.memref_squeeze %dma_start3A_8 : memref<1x32x1024xf32, #tpu.memory_space<vmem>> -> memref<32x1024xf32, #tpu.memory_space<vmem>>
    %dma_start3A_10 = arith.constant 0 : i32
    %dma_start3A_11 = tpu.memref_slice %arg2[%add3A_4, %dma_start3A_10] : memref<8192x1024xf32, #tpu.memory_space<hbm>> -> memref<32x1024xf32, #tpu.memory_space<hbm>>
    %dma_start3A_12 = tpu.memref_slice %arg5[%dma_start3A_5] : memref<3x!tpu.dma_semaphore, #tpu.memory_space<semaphore_mem>> -> memref<1x!tpu.dma_semaphore, #tpu.memory_space<semaphore_mem>>
    %dma_start3A_13 = tpu.memref_squeeze %dma_start3A_12 : memref<1x!tpu.dma_semaphore, #tpu.memory_space<semaphore_mem>> -> memref<!tpu.dma_semaphore, #tpu.memory_space<semaphore_mem>>
    %dma_start3A_14 = arith.constant 0 : i32
    %dma_start3A_15 = arith.constant 0 : i32
    %dma_start3A_16 = tpu.memref_slice %arg4[%dma_start3A, %dma_start3A_14, %dma_start3A_15] : memref<3x32x1024xf32, #tpu.memory_space<vmem>> -> memref<1x32x1024xf32, #tpu.memory_space<vmem>>
    %dma_start3A_17 = tpu.memref_squeeze %dma_start3A_16 : memref<1x32x1024xf32, #tpu.memory_space<vmem>> -> memref<32x1024xf32, #tpu.memory_space<vmem>>
    %dma_start3A_18 = arith.constant 0 : i32
    %dma_start3A_19 = tpu.memref_slice %arg2[%add3A_4, %dma_start3A_18] : memref<8192x1024xf32, #tpu.memory_space<hbm>> -> memref<32x1024xf32, #tpu.memory_space<hbm>>
    tpu.enqueue_dma source(%dma_start3A_19 : memref<32x1024xf32, #tpu.memory_space<hbm>>) target(%dma_start3A_17 : memref<32x1024xf32, #tpu.memory_space<vmem>>) target_semaphore(%dma_start3A_13 : memref<!tpu.dma_semaphore, #tpu.memory_space<semaphore_mem>>)
    %add3A_20 = arith.constant 32 : i32
    %add3A_21 = arith.addi %mul3A_2, %add3A_20 : i32
    %dma_start3A_22 = arith.constant 1 : i32
    %dma_start3A_23 = arith.constant 1 : i32
    %dma_start3A_24 = arith.constant 0 : i32
    %dma_start3A_25 = arith.constant 0 : i32
    %dma_start3A_26 = tpu.memref_slice %arg4[%dma_start3A_22, %dma_start3A_24, %dma_start3A_25] : memref<3x32x1024xf32, #tpu.memory_space<vmem>> -> memref<1x32x1024xf32, #tpu.memory_space<vmem>>
    %dma_start3A_27 = tpu.memref_squeeze %dma_start3A_26 : memref<1x32x1024xf32, #tpu.memory_space<vmem>> -> memref<32x1024xf32, #tpu.memory_space<vmem>>
    %dma_start3A_28 = arith.constant 0 : i32
    %dma_start3A_29 = tpu.memref_slice %arg2[%add3A_21, %dma_start3A_28] : memref<8192x1024xf32, #tpu.memory_space<hbm>> -> memref<32x1024xf32, #tpu.memory_space<hbm>>
    %dma_start3A_30 = tpu.memref_slice %arg5[%dma_start3A_23] : memref<3x!tpu.dma_semaphore, #tpu.memory_space<semaphore_mem>> -> memref<1x!tpu.dma_semaphore, #tpu.memory_space<semaphore_mem>>
    %dma_start3A_31 = tpu.memref_squeeze %dma_start3A_30 : memref<1x!tpu.dma_semaphore, #tpu.memory_space<semaphore_mem>> -> memref<!tpu.dma_semaphore, #tpu.memory_space<semaphore_mem>>
    %dma_start3A_32 = arith.constant 0 : i32
    %dma_start3A_33 = arith.constant 0 : i32
    %dma_start3A_34 = tpu.memref_slice %arg4[%dma_start3A_22, %dma_start3A_32, %dma_start3A_33] : memref<3x32x1024xf32, #tpu.memory_space<vmem>> -> memref<1x32x1024xf32, #tpu.memory_space<vmem>>
    %dma_start3A_35 = tpu.memref_squeeze %dma_start3A_34 : memref<1x32x1024xf32, #tpu.memory_space<vmem>> -> memref<32x1024xf32, #tpu.memory_space<vmem>>
    %dma_start3A_36 = arith.constant 0 : i32
    %dma_start3A_37 = tpu.memref_slice %arg2[%add3A_21, %dma_start3A_36] : memref<8192x1024xf32, #tpu.memory_space<hbm>> -> memref<32x1024xf32, #tpu.memory_space<hbm>>
    tpu.enqueue_dma source(%dma_start3A_37 : memref<32x1024xf32, #tpu.memory_space<hbm>>) target(%dma_start3A_35 : memref<32x1024xf32, #tpu.memory_space<vmem>>) target_semaphore(%dma_start3A_31 : memref<!tpu.dma_semaphore, #tpu.memory_space<semaphore_mem>>)
    %add3A_38 = arith.constant 0 : i32
    %add3A_39 = arith.addi %mul3A_2, %add3A_38 : i32
    %dma_wait3A = arith.constant 0 : i32
    %dma_wait3A_40 = arith.constant 0 : i32
    %dma_wait3A_41 = arith.constant 0 : i32
    %dma_wait3A_42 = arith.constant 0 : i32
    %dma_wait3A_43 = tpu.memref_slice %arg4[%dma_wait3A, %dma_wait3A_41, %dma_wait3A_42] : memref<3x32x1024xf32, #tpu.memory_space<vmem>> -> memref<1x32x1024xf32, #tpu.memory_space<vmem>>
    %dma_wait3A_44 = tpu.memref_squeeze %dma_wait3A_43 : memref<1x32x1024xf32, #tpu.memory_space<vmem>> -> memref<32x1024xf32, #tpu.memory_space<vmem>>
    %dma_wait3A_45 = arith.constant 0 : i32
    %dma_wait3A_46 = tpu.memref_slice %arg2[%add3A_39, %dma_wait3A_45] : memref<8192x1024xf32, #tpu.memory_space<hbm>> -> memref<32x1024xf32, #tpu.memory_space<hbm>>
    %dma_wait3A_47 = tpu.memref_slice %arg5[%dma_wait3A_40] : memref<3x!tpu.dma_semaphore, #tpu.memory_space<semaphore_mem>> -> memref<1x!tpu.dma_semaphore, #tpu.memory_space<semaphore_mem>>
    %dma_wait3A_48 = tpu.memref_squeeze %dma_wait3A_47 : memref<1x!tpu.dma_semaphore, #tpu.memory_space<semaphore_mem>> -> memref<!tpu.dma_semaphore, #tpu.memory_space<semaphore_mem>>
    %dma_wait3A_49 = arith.constant 0 : i32
    %dma_wait3A_50 = arith.constant 0 : i32
    %dma_wait3A_51 = tpu.memref_slice %arg4[%dma_wait3A, %dma_wait3A_49, %dma_wait3A_50] : memref<3x32x1024xf32, #tpu.memory_space<vmem>> -> memref<1x32x1024xf32, #tpu.memory_space<vmem>>
    %dma_wait3A_52 = tpu.memref_squeeze %dma_wait3A_51 : memref<1x32x1024xf32, #tpu.memory_space<vmem>> -> memref<32x1024xf32, #tpu.memory_space<vmem>>
    %dma_wait3A_53 = arith.constant 0 : i32
    %dma_wait3A_54 = tpu.memref_slice %arg2[%add3A_39, %dma_wait3A_53] : memref<8192x1024xf32, #tpu.memory_space<hbm>> -> memref<32x1024xf32, #tpu.memory_space<hbm>>
    tpu.wait_dma2 semaphore(%dma_wait3A_48 : memref<!tpu.dma_semaphore, #tpu.memory_space<semaphore_mem>>) src(%dma_wait3A_54 : memref<32x1024xf32, #tpu.memory_space<hbm>>) dst(%dma_wait3A_52 : memref<32x1024xf32, #tpu.memory_space<vmem>>)
    %add3A_55 = arith.constant 0 : i32
    %add3A_56 = arith.addi %mul3A_2, %add3A_55 : i32
    %dma_start3A_57 = arith.constant 0 : i32
    %dma_start3A_58 = arith.constant 0 : i32
    %dma_start3A_59 = arith.constant 0 : i32
    %dma_start3A_60 = arith.constant 0 : i32
    %dma_start3A_61 = arith.constant 0 : i32
    %dma_start3A_62 = tpu.memref_slice %arg4[%dma_start3A_57, %dma_start3A_60, %dma_start3A_61] : memref<3x32x1024xf32, #tpu.memory_space<vmem>> -> memref<1x32x1024xf32, #tpu.memory_space<vmem>>
    %dma_start3A_63 = tpu.memref_squeeze %dma_start3A_62 : memref<1x32x1024xf32, #tpu.memory_space<vmem>> -> memref<32x1024xf32, #tpu.memory_space<vmem>>
    %dma_start3A_64 = arith.constant 0 : i32
    %dma_start3A_65 = tpu.memref_slice %arg3[%dma_start3A_58, %add3A_56, %dma_start3A_64] : memref<4x8192x1024xf32, #tpu.memory_space<hbm>> -> memref<1x32x1024xf32, #tpu.memory_space<hbm>>
    %dma_start3A_66 = tpu.memref_squeeze %dma_start3A_65 : memref<1x32x1024xf32, #tpu.memory_space<hbm>> -> memref<32x1024xf32, #tpu.memory_space<hbm>>
    %dma_start3A_67 = tpu.memref_slice %arg6[%dma_start3A_59] : memref<3x!tpu.dma_semaphore, #tpu.memory_space<semaphore_mem>> -> memref<1x!tpu.dma_semaphore, #tpu.memory_space<semaphore_mem>>
    %dma_start3A_68 = tpu.memref_squeeze %dma_start3A_67 : memref<1x!tpu.dma_semaphore, #tpu.memory_space<semaphore_mem>> -> memref<!tpu.dma_semaphore, #tpu.memory_space<semaphore_mem>>
    %dma_start3A_69 = arith.constant 0 : i32
    %dma_start3A_70 = tpu.memref_slice %arg3[%dma_start3A_58, %add3A_56, %dma_start3A_69] : memref<4x8192x1024xf32, #tpu.memory_space<hbm>> -> memref<1x32x1024xf32, #tpu.memory_space<hbm>>
    %dma_start3A_71 = tpu.memref_squeeze %dma_start3A_70 : memref<1x32x1024xf32, #tpu.memory_space<hbm>> -> memref<32x1024xf32, #tpu.memory_space<hbm>>
    %dma_start3A_72 = arith.constant 0 : i32
    %dma_start3A_73 = arith.constant 0 : i32
    %dma_start3A_74 = tpu.memref_slice %arg4[%dma_start3A_57, %dma_start3A_72, %dma_start3A_73] : memref<3x32x1024xf32, #tpu.memory_space<vmem>> -> memref<1x32x1024xf32, #tpu.memory_space<vmem>>
    %dma_start3A_75 = tpu.memref_squeeze %dma_start3A_74 : memref<1x32x1024xf32, #tpu.memory_space<vmem>> -> memref<32x1024xf32, #tpu.memory_space<vmem>>
    tpu.enqueue_dma source(%dma_start3A_75 : memref<32x1024xf32, #tpu.memory_space<vmem>>) target(%dma_start3A_71 : memref<32x1024xf32, #tpu.memory_space<hbm>>) target_semaphore(%dma_start3A_68 : memref<!tpu.dma_semaphore, #tpu.memory_space<semaphore_mem>>)
    %add3A_76 = arith.constant 0 : i32
    %add3A_77 = arith.addi %mul3A_2, %add3A_76 : i32
    %dma_start3A_78 = arith.constant 0 : i32
    %dma_start3A_79 = arith.constant 1 : i32
    %dma_start3A_80 = arith.constant 0 : i32
    %dma_start3A_81 = arith.constant 0 : i32
    %dma_start3A_82 = arith.constant 0 : i32
    %dma_start3A_83 = tpu.memref_slice %arg4[%dma_start3A_78, %dma_start3A_81, %dma_start3A_82] : memref<3x32x1024xf32, #tpu.memory_space<vmem>> -> memref<1x32x1024xf32, #tpu.memory_space<vmem>>
    %dma_start3A_84 = tpu.memref_squeeze %dma_start3A_83 : memref<1x32x1024xf32, #tpu.memory_space<vmem>> -> memref<32x1024xf32, #tpu.memory_space<vmem>>
    %dma_start3A_85 = arith.constant 0 : i32
    %dma_start3A_86 = tpu.memref_slice %arg3[%dma_start3A_79, %add3A_77, %dma_start3A_85] : memref<4x8192x1024xf32, #tpu.memory_space<hbm>> -> memref<1x32x1024xf32, #tpu.memory_space<hbm>>
    %dma_start3A_87 = tpu.memref_squeeze %dma_start3A_86 : memref<1x32x1024xf32, #tpu.memory_space<hbm>> -> memref<32x1024xf32, #tpu.memory_space<hbm>>
    %dma_start3A_88 = tpu.memref_slice %arg6[%dma_start3A_80] : memref<3x!tpu.dma_semaphore, #tpu.memory_space<semaphore_mem>> -> memref<1x!tpu.dma_semaphore, #tpu.memory_space<semaphore_mem>>
    %dma_start3A_89 = tpu.memref_squeeze %dma_start3A_88 : memref<1x!tpu.dma_semaphore, #tpu.memory_space<semaphore_mem>> -> memref<!tpu.dma_semaphore, #tpu.memory_space<semaphore_mem>>
    %dma_start3A_90 = arith.constant 0 : i32
    %dma_start3A_91 = tpu.memref_slice %arg3[%dma_start3A_79, %add3A_77, %dma_start3A_90] : memref<4x8192x1024xf32, #tpu.memory_space<hbm>> -> memref<1x32x1024xf32, #tpu.memory_space<hbm>>
    %dma_start3A_92 = tpu.memref_squeeze %dma_start3A_91 : memref<1x32x1024xf32, #tpu.memory_space<hbm>> -> memref<32x1024xf32, #tpu.memory_space<hbm>>
    %dma_start3A_93 = arith.constant 0 : i32
    %dma_start3A_94 = arith.constant 0 : i32
    %dma_start3A_95 = tpu.memref_slice %arg4[%dma_start3A_78, %dma_start3A_93, %dma_start3A_94] : memref<3x32x1024xf32, #tpu.memory_space<vmem>> -> memref<1x32x1024xf32, #tpu.memory_space<vmem>>
    %dma_start3A_96 = tpu.memref_squeeze %dma_start3A_95 : memref<1x32x1024xf32, #tpu.memory_space<vmem>> -> memref<32x1024xf32, #tpu.memory_space<vmem>>
    tpu.enqueue_dma source(%dma_start3A_96 : memref<32x1024xf32, #tpu.memory_space<vmem>>) target(%dma_start3A_92 : memref<32x1024xf32, #tpu.memory_space<hbm>>) target_semaphore(%dma_start3A_89 : memref<!tpu.dma_semaphore, #tpu.memory_space<semaphore_mem>>)
    %add3A_97 = arith.constant 0 : i32
    %add3A_98 = arith.addi %mul3A_2, %add3A_97 : i32
    %dma_start3A_99 = arith.constant 0 : i32
    %dma_start3A_100 = arith.constant 2 : i32
    %dma_start3A_101 = arith.constant 0 : i32
    %dma_start3A_102 = arith.constant 0 : i32
    %dma_start3A_103 = arith.constant 0 : i32
    %dma_start3A_104 = tpu.memref_slice %arg4[%dma_start3A_99, %dma_start3A_102, %dma_start3A_103] : memref<3x32x1024xf32, #tpu.memory_space<vmem>> -> memref<1x32x1024xf32, #tpu.memory_space<vmem>>
    %dma_start3A_105 = tpu.memref_squeeze %dma_start3A_104 : memref<1x32x1024xf32, #tpu.memory_space<vmem>> -> memref<32x1024xf32, #tpu.memory_space<vmem>>
    %dma_start3A_106 = arith.constant 0 : i32
    %dma_start3A_107 = tpu.memref_slice %arg3[%dma_start3A_100, %add3A_98, %dma_start3A_106] : memref<4x8192x1024xf32, #tpu.memory_space<hbm>> -> memref<1x32x1024xf32, #tpu.memory_space<hbm>>
    %dma_start3A_108 = tpu.memref_squeeze %dma_start3A_107 : memref<1x32x1024xf32, #tpu.memory_space<hbm>> -> memref<32x1024xf32, #tpu.memory_space<hbm>>
    %dma_start3A_109 = tpu.memref_slice %arg6[%dma_start3A_101] : memref<3x!tpu.dma_semaphore, #tpu.memory_space<semaphore_mem>> -> memref<1x!tpu.dma_semaphore, #tpu.memory_space<semaphore_mem>>
    %dma_start3A_110 = tpu.memref_squeeze %dma_start3A_109 : memref<1x!tpu.dma_semaphore, #tpu.memory_space<semaphore_mem>> -> memref<!tpu.dma_semaphore, #tpu.memory_space<semaphore_mem>>
    %dma_start3A_111 = arith.constant 0 : i32
    %dma_start3A_112 = tpu.memref_slice %arg3[%dma_start3A_100, %add3A_98, %dma_start3A_111] : memref<4x8192x1024xf32, #tpu.memory_space<hbm>> -> memref<1x32x1024xf32, #tpu.memory_space<hbm>>
    %dma_start3A_113 = tpu.memref_squeeze %dma_start3A_112 : memref<1x32x1024xf32, #tpu.memory_space<hbm>> -> memref<32x1024xf32, #tpu.memory_space<hbm>>
    %dma_start3A_114 = arith.constant 0 : i32
    %dma_start3A_115 = arith.constant 0 : i32
    %dma_start3A_116 = tpu.memref_slice %arg4[%dma_start3A_99, %dma_start3A_114, %dma_start3A_115] : memref<3x32x1024xf32, #tpu.memory_space<vmem>> -> memref<1x32x1024xf32, #tpu.memory_space<vmem>>
    %dma_start3A_117 = tpu.memref_squeeze %dma_start3A_116 : memref<1x32x1024xf32, #tpu.memory_space<vmem>> -> memref<32x1024xf32, #tpu.memory_space<vmem>>
    tpu.enqueue_dma source(%dma_start3A_117 : memref<32x1024xf32, #tpu.memory_space<vmem>>) target(%dma_start3A_113 : memref<32x1024xf32, #tpu.memory_space<hbm>>) target_semaphore(%dma_start3A_110 : memref<!tpu.dma_semaphore, #tpu.memory_space<semaphore_mem>>)
    %add3A_118 = arith.constant 0 : i32
    %add3A_119 = arith.addi %mul3A_2, %add3A_118 : i32
    %dma_start3A_120 = arith.constant 0 : i32
    %dma_start3A_121 = arith.constant 3 : i32
    %dma_start3A_122 = arith.constant 0 : i32
    %dma_start3A_123 = arith.constant 0 : i32
    %dma_start3A_124 = arith.constant 0 : i32
    %dma_start3A_125 = tpu.memref_slice %arg4[%dma_start3A_120, %dma_start3A_123, %dma_start3A_124] : memref<3x32x1024xf32, #tpu.memory_space<vmem>> -> memref<1x32x1024xf32, #tpu.memory_space<vmem>>
    %dma_start3A_126 = tpu.memref_squeeze %dma_start3A_125 : memref<1x32x1024xf32, #tpu.memory_space<vmem>> -> memref<32x1024xf32, #tpu.memory_space<vmem>>
    %dma_start3A_127 = arith.constant 0 : i32
    %dma_start3A_128 = tpu.memref_slice %arg3[%dma_start3A_121, %add3A_119, %dma_start3A_127] : memref<4x8192x1024xf32, #tpu.memory_space<hbm>> -> memref<1x32x1024xf32, #tpu.memory_space<hbm>>
    %dma_start3A_129 = tpu.memref_squeeze %dma_start3A_128 : memref<1x32x1024xf32, #tpu.memory_space<hbm>> -> memref<32x1024xf32, #tpu.memory_space<hbm>>
    %dma_start3A_130 = tpu.memref_slice %arg6[%dma_start3A_122] : memref<3x!tpu.dma_semaphore, #tpu.memory_space<semaphore_mem>> -> memref<1x!tpu.dma_semaphore, #tpu.memory_space<semaphore_mem>>
    %dma_start3A_131 = tpu.memref_squeeze %dma_start3A_130 : memref<1x!tpu.dma_semaphore, #tpu.memory_space<semaphore_mem>> -> memref<!tpu.dma_semaphore, #tpu.memory_space<semaphore_mem>>
    %dma_start3A_132 = arith.constant 0 : i32
    %dma_start3A_133 = tpu.memref_slice %arg3[%dma_start3A_121, %add3A_119, %dma_start3A_132] : memref<4x8192x1024xf32, #tpu.memory_space<hbm>> -> memref<1x32x1024xf32, #tpu.memory_space<hbm>>
    %dma_start3A_134 = tpu.memref_squeeze %dma_start3A_133 : memref<1x32x1024xf32, #tpu.memory_space<hbm>> -> memref<32x1024xf32, #tpu.memory_space<hbm>>
    %dma_start3A_135 = arith.constant 0 : i32
    %dma_start3A_136 = arith.constant 0 : i32
    %dma_start3A_137 = tpu.memref_slice %arg4[%dma_start3A_120, %dma_start3A_135, %dma_start3A_136] : memref<3x32x1024xf32, #tpu.memory_space<vmem>> -> memref<1x32x1024xf32, #tpu.memory_space<vmem>>
    %dma_start3A_138 = tpu.memref_squeeze %dma_start3A_137 : memref<1x32x1024xf32, #tpu.memory_space<vmem>> -> memref<32x1024xf32, #tpu.memory_space<vmem>>
    tpu.enqueue_dma source(%dma_start3A_138 : memref<32x1024xf32, #tpu.memory_space<vmem>>) target(%dma_start3A_134 : memref<32x1024xf32, #tpu.memory_space<hbm>>) target_semaphore(%dma_start3A_131 : memref<!tpu.dma_semaphore, #tpu.memory_space<semaphore_mem>>)
    %add3A_139 = arith.constant 64 : i32
    %add3A_140 = arith.addi %mul3A_2, %add3A_139 : i32
    %dma_start3A_141 = arith.constant 2 : i32
    %dma_start3A_142 = arith.constant 2 : i32
    %dma_start3A_143 = arith.constant 0 : i32
    %dma_start3A_144 = arith.constant 0 : i32
    %dma_start3A_145 = tpu.memref_slice %arg4[%dma_start3A_141, %dma_start3A_143, %dma_start3A_144] : memref<3x32x1024xf32, #tpu.memory_space<vmem>> -> memref<1x32x1024xf32, #tpu.memory_space<vmem>>
    %dma_start3A_146 = tpu.memref_squeeze %dma_start3A_145 : memref<1x32x1024xf32, #tpu.memory_space<vmem>> -> memref<32x1024xf32, #tpu.memory_space<vmem>>
    %dma_start3A_147 = arith.constant 0 : i32
    %dma_start3A_148 = tpu.memref_slice %arg2[%add3A_140, %dma_start3A_147] : memref<8192x1024xf32, #tpu.memory_space<hbm>> -> memref<32x1024xf32, #tpu.memory_space<hbm>>
    %dma_start3A_149 = tpu.memref_slice %arg5[%dma_start3A_142] : memref<3x!tpu.dma_semaphore, #tpu.memory_space<semaphore_mem>> -> memref<1x!tpu.dma_semaphore, #tpu.memory_space<semaphore_mem>>
    %dma_start3A_150 = tpu.memref_squeeze %dma_start3A_149 : memref<1x!tpu.dma_semaphore, #tpu.memory_space<semaphore_mem>> -> memref<!tpu.dma_semaphore, #tpu.memory_space<semaphore_mem>>
    %dma_start3A_151 = arith.constant 0 : i32
    %dma_start3A_152 = arith.constant 0 : i32
    %dma_start3A_153 = tpu.memref_slice %arg4[%dma_start3A_141, %dma_start3A_151, %dma_start3A_152] : memref<3x32x1024xf32, #tpu.memory_space<vmem>> -> memref<1x32x1024xf32, #tpu.memory_space<vmem>>
    %dma_start3A_154 = tpu.memref_squeeze %dma_start3A_153 : memref<1x32x1024xf32, #tpu.memory_space<vmem>> -> memref<32x1024xf32, #tpu.memory_space<vmem>>
    %dma_start3A_155 = arith.constant 0 : i32
    %dma_start3A_156 = tpu.memref_slice %arg2[%add3A_140, %dma_start3A_155] : memref<8192x1024xf32, #tpu.memory_space<hbm>> -> memref<32x1024xf32, #tpu.memory_space<hbm>>
    tpu.enqueue_dma source(%dma_start3A_156 : memref<32x1024xf32, #tpu.memory_space<hbm>>) target(%dma_start3A_154 : memref<32x1024xf32, #tpu.memory_space<vmem>>) target_semaphore(%dma_start3A_150 : memref<!tpu.dma_semaphore, #tpu.memory_space<semaphore_mem>>)
    %add3A_157 = arith.constant 32 : i32
    %add3A_158 = arith.addi %mul3A_2, %add3A_157 : i32
    %dma_wait3A_159 = arith.constant 1 : i32
    %dma_wait3A_160 = arith.constant 1 : i32
    %dma_wait3A_161 = arith.constant 0 : i32
    %dma_wait3A_162 = arith.constant 0 : i32
    %dma_wait3A_163 = tpu.memref_slice %arg4[%dma_wait3A_159, %dma_wait3A_161, %dma_wait3A_162] : memref<3x32x1024xf32, #tpu.memory_space<vmem>> -> memref<1x32x1024xf32, #tpu.memory_space<vmem>>
    %dma_wait3A_164 = tpu.memref_squeeze %dma_wait3A_163 : memref<1x32x1024xf32, #tpu.memory_space<vmem>> -> memref<32x1024xf32, #tpu.memory_space<vmem>>
    %dma_wait3A_165 = arith.constant 0 : i32
    %dma_wait3A_166 = tpu.memref_slice %arg2[%add3A_158, %dma_wait3A_165] : memref<8192x1024xf32, #tpu.memory_space<hbm>> -> memref<32x1024xf32, #tpu.memory_space<hbm>>
    %dma_wait3A_167 = tpu.memref_slice %arg5[%dma_wait3A_160] : memref<3x!tpu.dma_semaphore, #tpu.memory_space<semaphore_mem>> -> memref<1x!tpu.dma_semaphore, #tpu.memory_space<semaphore_mem>>
    %dma_wait3A_168 = tpu.memref_squeeze %dma_wait3A_167 : memref<1x!tpu.dma_semaphore, #tpu.memory_space<semaphore_mem>> -> memref<!tpu.dma_semaphore, #tpu.memory_space<semaphore_mem>>
    %dma_wait3A_169 = arith.constant 0 : i32
    %dma_wait3A_170 = arith.constant 0 : i32
    %dma_wait3A_171 = tpu.memref_slice %arg4[%dma_wait3A_159, %dma_wait3A_169, %dma_wait3A_170] : memref<3x32x1024xf32, #tpu.memory_space<vmem>> -> memref<1x32x1024xf32, #tpu.memory_space<vmem>>
    %dma_wait3A_172 = tpu.memref_squeeze %dma_wait3A_171 : memref<1x32x1024xf32, #tpu.memory_space<vmem>> -> memref<32x1024xf32, #tpu.memory_space<vmem>>
    %dma_wait3A_173 = arith.constant 0 : i32
    %dma_wait3A_174 = tpu.memref_slice %arg2[%add3A_158, %dma_wait3A_173] : memref<8192x1024xf32, #tpu.memory_space<hbm>> -> memref<32x1024xf32, #tpu.memory_space<hbm>>
    tpu.wait_dma2 semaphore(%dma_wait3A_168 : memref<!tpu.dma_semaphore, #tpu.memory_space<semaphore_mem>>) src(%dma_wait3A_174 : memref<32x1024xf32, #tpu.memory_space<hbm>>) dst(%dma_wait3A_172 : memref<32x1024xf32, #tpu.memory_space<vmem>>)
    %add3A_175 = arith.constant 32 : i32
    %add3A_176 = arith.addi %mul3A_2, %add3A_175 : i32
    %dma_start3A_177 = arith.constant 1 : i32
    %dma_start3A_178 = arith.constant 0 : i32
    %dma_start3A_179 = arith.constant 1 : i32
    %dma_start3A_180 = arith.constant 0 : i32
    %dma_start3A_181 = arith.constant 0 : i32
    %dma_start3A_182 = tpu.memref_slice %arg4[%dma_start3A_177, %dma_start3A_180, %dma_start3A_181] : memref<3x32x1024xf32, #tpu.memory_space<vmem>> -> memref<1x32x1024xf32, #tpu.memory_space<vmem>>
    %dma_start3A_183 = tpu.memref_squeeze %dma_start3A_182 : memref<1x32x1024xf32, #tpu.memory_space<vmem>> -> memref<32x1024xf32, #tpu.memory_space<vmem>>
    %dma_start3A_184 = arith.constant 0 : i32
    %dma_start3A_185 = tpu.memref_slice %arg3[%dma_start3A_178, %add3A_176, %dma_start3A_184] : memref<4x8192x1024xf32, #tpu.memory_space<hbm>> -> memref<1x32x1024xf32, #tpu.memory_space<hbm>>
    %dma_start3A_186 = tpu.memref_squeeze %dma_start3A_185 : memref<1x32x1024xf32, #tpu.memory_space<hbm>> -> memref<32x1024xf32, #tpu.memory_space<hbm>>
    %dma_start3A_187 = tpu.memref_slice %arg6[%dma_start3A_179] : memref<3x!tpu.dma_semaphore, #tpu.memory_space<semaphore_mem>> -> memref<1x!tpu.dma_semaphore, #tpu.memory_space<semaphore_mem>>
    %dma_start3A_188 = tpu.memref_squeeze %dma_start3A_187 : memref<1x!tpu.dma_semaphore, #tpu.memory_space<semaphore_mem>> -> memref<!tpu.dma_semaphore, #tpu.memory_space<semaphore_mem>>
    %dma_start3A_189 = arith.constant 0 : i32
    %dma_start3A_190 = tpu.memref_slice %arg3[%dma_start3A_178, %add3A_176, %dma_start3A_189] : memref<4x8192x1024xf32, #tpu.memory_space<hbm>> -> memref<1x32x1024xf32, #tpu.memory_space<hbm>>
    %dma_start3A_191 = tpu.memref_squeeze %dma_start3A_190 : memref<1x32x1024xf32, #tpu.memory_space<hbm>> -> memref<32x1024xf32, #tpu.memory_space<hbm>>
    %dma_start3A_192 = arith.constant 0 : i32
    %dma_start3A_193 = arith.constant 0 : i32
    %dma_start3A_194 = tpu.memref_slice %arg4[%dma_start3A_177, %dma_start3A_192, %dma_start3A_193] : memref<3x32x1024xf32, #tpu.memory_space<vmem>> -> memref<1x32x1024xf32, #tpu.memory_space<vmem>>
    %dma_start3A_195 = tpu.memref_squeeze %dma_start3A_194 : memref<1x32x1024xf32, #tpu.memory_space<vmem>> -> memref<32x1024xf32, #tpu.memory_space<vmem>>
    tpu.enqueue_dma source(%dma_start3A_195 : memref<32x1024xf32, #tpu.memory_space<vmem>>) target(%dma_start3A_191 : memref<32x1024xf32, #tpu.memory_space<hbm>>) target_semaphore(%dma_start3A_188 : memref<!tpu.dma_semaphore, #tpu.memory_space<semaphore_mem>>)
    %add3A_196 = arith.constant 32 : i32
    %add3A_197 = arith.addi %mul3A_2, %add3A_196 : i32
    %dma_start3A_198 = arith.constant 1 : i32
    %dma_start3A_199 = arith.constant 1 : i32
    %dma_start3A_200 = arith.constant 1 : i32
    %dma_start3A_201 = arith.constant 0 : i32
    %dma_start3A_202 = arith.constant 0 : i32
    %dma_start3A_203 = tpu.memref_slice %arg4[%dma_start3A_198, %dma_start3A_201, %dma_start3A_202] : memref<3x32x1024xf32, #tpu.memory_space<vmem>> -> memref<1x32x1024xf32, #tpu.memory_space<vmem>>
    %dma_start3A_204 = tpu.memref_squeeze %dma_start3A_203 : memref<1x32x1024xf32, #tpu.memory_space<vmem>> -> memref<32x1024xf32, #tpu.memory_space<vmem>>
    %dma_start3A_205 = arith.constant 0 : i32
    %dma_start3A_206 = tpu.memref_slice %arg3[%dma_start3A_199, %add3A_197, %dma_start3A_205] : memref<4x8192x1024xf32, #tpu.memory_space<hbm>> -> memref<1x32x1024xf32, #tpu.memory_space<hbm>>
    %dma_start3A_207 = tpu.memref_squeeze %dma_start3A_206 : memref<1x32x1024xf32, #tpu.memory_space<hbm>> -> memref<32x1024xf32, #tpu.memory_space<hbm>>
    %dma_start3A_208 = tpu.memref_slice %arg6[%dma_start3A_200] : memref<3x!tpu.dma_semaphore, #tpu.memory_space<semaphore_mem>> -> memref<1x!tpu.dma_semaphore, #tpu.memory_space<semaphore_mem>>
    %dma_start3A_209 = tpu.memref_squeeze %dma_start3A_208 : memref<1x!tpu.dma_semaphore, #tpu.memory_space<semaphore_mem>> -> memref<!tpu.dma_semaphore, #tpu.memory_space<semaphore_mem>>
    %dma_start3A_210 = arith.constant 0 : i32
    %dma_start3A_211 = tpu.memref_slice %arg3[%dma_start3A_199, %add3A_197, %dma_start3A_210] : memref<4x8192x1024xf32, #tpu.memory_space<hbm>> -> memref<1x32x1024xf32, #tpu.memory_space<hbm>>
    %dma_start3A_212 = tpu.memref_squeeze %dma_start3A_211 : memref<1x32x1024xf32, #tpu.memory_space<hbm>> -> memref<32x1024xf32, #tpu.memory_space<hbm>>
    %dma_start3A_213 = arith.constant 0 : i32
    %dma_start3A_214 = arith.constant 0 : i32
    %dma_start3A_215 = tpu.memref_slice %arg4[%dma_start3A_198, %dma_start3A_213, %dma_start3A_214] : memref<3x32x1024xf32, #tpu.memory_space<vmem>> -> memref<1x32x1024xf32, #tpu.memory_space<vmem>>
    %dma_start3A_216 = tpu.memref_squeeze %dma_start3A_215 : memref<1x32x1024xf32, #tpu.memory_space<vmem>> -> memref<32x1024xf32, #tpu.memory_space<vmem>>
    tpu.enqueue_dma source(%dma_start3A_216 : memref<32x1024xf32, #tpu.memory_space<vmem>>) target(%dma_start3A_212 : memref<32x1024xf32, #tpu.memory_space<hbm>>) target_semaphore(%dma_start3A_209 : memref<!tpu.dma_semaphore, #tpu.memory_space<semaphore_mem>>)
    %add3A_217 = arith.constant 32 : i32
    %add3A_218 = arith.addi %mul3A_2, %add3A_217 : i32
    %dma_start3A_219 = arith.constant 1 : i32
    %dma_start3A_220 = arith.constant 2 : i32
    %dma_start3A_221 = arith.constant 1 : i32
    %dma_start3A_222 = arith.constant 0 : i32
    %dma_start3A_223 = arith.constant 0 : i32
    %dma_start3A_224 = tpu.memref_slice %arg4[%dma_start3A_219, %dma_start3A_222, %dma_start3A_223] : memref<3x32x1024xf32, #tpu.memory_space<vmem>> -> memref<1x32x1024xf32, #tpu.memory_space<vmem>>
    %dma_start3A_225 = tpu.memref_squeeze %dma_start3A_224 : memref<1x32x1024xf32, #tpu.memory_space<vmem>> -> memref<32x1024xf32, #tpu.memory_space<vmem>>
    %dma_start3A_226 = arith.constant 0 : i32
    %dma_start3A_227 = tpu.memref_slice %arg3[%dma_start3A_220, %add3A_218, %dma_start3A_226] : memref<4x8192x1024xf32, #tpu.memory_space<hbm>> -> memref<1x32x1024xf32, #tpu.memory_space<hbm>>
    %dma_start3A_228 = tpu.memref_squeeze %dma_start3A_227 : memref<1x32x1024xf32, #tpu.memory_space<hbm>> -> memref<32x1024xf32, #tpu.memory_space<hbm>>
    %dma_start3A_229 = tpu.memref_slice %arg6[%dma_start3A_221] : memref<3x!tpu.dma_semaphore, #tpu.memory_space<semaphore_mem>> -> memref<1x!tpu.dma_semaphore, #tpu.memory_space<semaphore_mem>>
    %dma_start3A_230 = tpu.memref_squeeze %dma_start3A_229 : memref<1x!tpu.dma_semaphore, #tpu.memory_space<semaphore_mem>> -> memref<!tpu.dma_semaphore, #tpu.memory_space<semaphore_mem>>
    %dma_start3A_231 = arith.constant 0 : i32
    %dma_start3A_232 = tpu.memref_slice %arg3[%dma_start3A_220, %add3A_218, %dma_start3A_231] : memref<4x8192x1024xf32, #tpu.memory_space<hbm>> -> memref<1x32x1024xf32, #tpu.memory_space<hbm>>
    %dma_start3A_233 = tpu.memref_squeeze %dma_start3A_232 : memref<1x32x1024xf32, #tpu.memory_space<hbm>> -> memref<32x1024xf32, #tpu.memory_space<hbm>>
    %dma_start3A_234 = arith.constant 0 : i32
    %dma_start3A_235 = arith.constant 0 : i32
    %dma_start3A_236 = tpu.memref_slice %arg4[%dma_start3A_219, %dma_start3A_234, %dma_start3A_235] : memref<3x32x1024xf32, #tpu.memory_space<vmem>> -> memref<1x32x1024xf32, #tpu.memory_space<vmem>>
    %dma_start3A_237 = tpu.memref_squeeze %dma_start3A_236 : memref<1x32x1024xf32, #tpu.memory_space<vmem>> -> memref<32x1024xf32, #tpu.memory_space<vmem>>
    tpu.enqueue_dma source(%dma_start3A_237 : memref<32x1024xf32, #tpu.memory_space<vmem>>) target(%dma_start3A_233 : memref<32x1024xf32, #tpu.memory_space<hbm>>) target_semaphore(%dma_start3A_230 : memref<!tpu.dma_semaphore, #tpu.memory_space<semaphore_mem>>)
    %add3A_238 = arith.constant 32 : i32
    %add3A_239 = arith.addi %mul3A_2, %add3A_238 : i32
    %dma_start3A_240 = arith.constant 1 : i32
    %dma_start3A_241 = arith.constant 3 : i32
    %dma_start3A_242 = arith.constant 1 : i32
    %dma_start3A_243 = arith.constant 0 : i32
    %dma_start3A_244 = arith.constant 0 : i32
    %dma_start3A_245 = tpu.memref_slice %arg4[%dma_start3A_240, %dma_start3A_243, %dma_start3A_244] : memref<3x32x1024xf32, #tpu.memory_space<vmem>> -> memref<1x32x1024xf32, #tpu.memory_space<vmem>>
    %dma_start3A_246 = tpu.memref_squeeze %dma_start3A_245 : memref<1x32x1024xf32, #tpu.memory_space<vmem>> -> memref<32x1024xf32, #tpu.memory_space<vmem>>
    %dma_start3A_247 = arith.constant 0 : i32
    %dma_start3A_248 = tpu.memref_slice %arg3[%dma_start3A_241, %add3A_239, %dma_start3A_247] : memref<4x8192x1024xf32, #tpu.memory_space<hbm>> -> memref<1x32x1024xf32, #tpu.memory_space<hbm>>
    %dma_start3A_249 = tpu.memref_squeeze %dma_start3A_248 : memref<1x32x1024xf32, #tpu.memory_space<hbm>> -> memref<32x1024xf32, #tpu.memory_space<hbm>>
    %dma_start3A_250 = tpu.memref_slice %arg6[%dma_start3A_242] : memref<3x!tpu.dma_semaphore, #tpu.memory_space<semaphore_mem>> -> memref<1x!tpu.dma_semaphore, #tpu.memory_space<semaphore_mem>>
    %dma_start3A_251 = tpu.memref_squeeze %dma_start3A_250 : memref<1x!tpu.dma_semaphore, #tpu.memory_space<semaphore_mem>> -> memref<!tpu.dma_semaphore, #tpu.memory_space<semaphore_mem>>
    %dma_start3A_252 = arith.constant 0 : i32
    %dma_start3A_253 = tpu.memref_slice %arg3[%dma_start3A_241, %add3A_239, %dma_start3A_252] : memref<4x8192x1024xf32, #tpu.memory_space<hbm>> -> memref<1x32x1024xf32, #tpu.memory_space<hbm>>
    %dma_start3A_254 = tpu.memref_squeeze %dma_start3A_253 : memref<1x32x1024xf32, #tpu.memory_space<hbm>> -> memref<32x1024xf32, #tpu.memory_space<hbm>>
    %dma_start3A_255 = arith.constant 0 : i32
    %dma_start3A_256 = arith.constant 0 : i32
    %dma_start3A_257 = tpu.memref_slice %arg4[%dma_start3A_240, %dma_start3A_255, %dma_start3A_256] : memref<3x32x1024xf32, #tpu.memory_space<vmem>> -> memref<1x32x1024xf32, #tpu.memory_space<vmem>>
    %dma_start3A_258 = tpu.memref_squeeze %dma_start3A_257 : memref<1x32x1024xf32, #tpu.memory_space<vmem>> -> memref<32x1024xf32, #tpu.memory_space<vmem>>
    tpu.enqueue_dma source(%dma_start3A_258 : memref<32x1024xf32, #tpu.memory_space<vmem>>) target(%dma_start3A_254 : memref<32x1024xf32, #tpu.memory_space<hbm>>) target_semaphore(%dma_start3A_251 : memref<!tpu.dma_semaphore, #tpu.memory_space<semaphore_mem>>)
    %add3A_259 = arith.constant 0 : i32
    %add3A_260 = arith.addi %mul3A_2, %add3A_259 : i32
    %dma_wait3A_261 = arith.constant 0 : i32
    %dma_wait3A_262 = arith.constant 0 : i32
    %dma_wait3A_263 = arith.constant 0 : i32
    %dma_wait3A_264 = arith.constant 0 : i32
    %dma_wait3A_265 = arith.constant 0 : i32
    %dma_wait3A_266 = tpu.memref_slice %arg4[%dma_wait3A_261, %dma_wait3A_264, %dma_wait3A_265] : memref<3x32x1024xf32, #tpu.memory_space<vmem>> -> memref<1x32x1024xf32, #tpu.memory_space<vmem>>
    %dma_wait3A_267 = tpu.memref_squeeze %dma_wait3A_266 : memref<1x32x1024xf32, #tpu.memory_space<vmem>> -> memref<32x1024xf32, #tpu.memory_space<vmem>>
    %dma_wait3A_268 = arith.constant 0 : i32
    %dma_wait3A_269 = tpu.memref_slice %arg3[%dma_wait3A_262, %add3A_260, %dma_wait3A_268] : memref<4x8192x1024xf32, #tpu.memory_space<hbm>> -> memref<1x32x1024xf32, #tpu.memory_space<hbm>>
    %dma_wait3A_270 = tpu.memref_squeeze %dma_wait3A_269 : memref<1x32x1024xf32, #tpu.memory_space<hbm>> -> memref<32x1024xf32, #tpu.memory_space<hbm>>
    %dma_wait3A_271 = tpu.memref_slice %arg6[%dma_wait3A_263] : memref<3x!tpu.dma_semaphore, #tpu.memory_space<semaphore_mem>> -> memref<1x!tpu.dma_semaphore, #tpu.memory_space<semaphore_mem>>
    %dma_wait3A_272 = tpu.memref_squeeze %dma_wait3A_271 : memref<1x!tpu.dma_semaphore, #tpu.memory_space<semaphore_mem>> -> memref<!tpu.dma_semaphore, #tpu.memory_space<semaphore_mem>>
    %dma_wait3A_273 = arith.constant 0 : i32
    %dma_wait3A_274 = tpu.memref_slice %arg3[%dma_wait3A_262, %add3A_260, %dma_wait3A_273] : memref<4x8192x1024xf32, #tpu.memory_space<hbm>> -> memref<1x32x1024xf32, #tpu.memory_space<hbm>>
    %dma_wait3A_275 = tpu.memref_squeeze %dma_wait3A_274 : memref<1x32x1024xf32, #tpu.memory_space<hbm>> -> memref<32x1024xf32, #tpu.memory_space<hbm>>
    %dma_wait3A_276 = arith.constant 0 : i32
    %dma_wait3A_277 = arith.constant 0 : i32
    %dma_wait3A_278 = tpu.memref_slice %arg4[%dma_wait3A_261, %dma_wait3A_276, %dma_wait3A_277] : memref<3x32x1024xf32, #tpu.memory_space<vmem>> -> memref<1x32x1024xf32, #tpu.memory_space<vmem>>
    %dma_wait3A_279 = tpu.memref_squeeze %dma_wait3A_278 : memref<1x32x1024xf32, #tpu.memory_space<vmem>> -> memref<32x1024xf32, #tpu.memory_space<vmem>>
    tpu.wait_dma2 semaphore(%dma_wait3A_272 : memref<!tpu.dma_semaphore, #tpu.memory_space<semaphore_mem>>) src(%dma_wait3A_279 : memref<32x1024xf32, #tpu.memory_space<vmem>>) dst(%dma_wait3A_275 : memref<32x1024xf32, #tpu.memory_space<hbm>>)
    %add3A_280 = arith.constant 0 : i32
    %add3A_281 = arith.addi %mul3A_2, %add3A_280 : i32
    %dma_wait3A_282 = arith.constant 0 : i32
    %dma_wait3A_283 = arith.constant 1 : i32
    %dma_wait3A_284 = arith.constant 0 : i32
    %dma_wait3A_285 = arith.constant 0 : i32
    %dma_wait3A_286 = arith.constant 0 : i32
    %dma_wait3A_287 = tpu.memref_slice %arg4[%dma_wait3A_282, %dma_wait3A_285, %dma_wait3A_286] : memref<3x32x1024xf32, #tpu.memory_space<vmem>> -> memref<1x32x1024xf32, #tpu.memory_space<vmem>>
    %dma_wait3A_288 = tpu.memref_squeeze %dma_wait3A_287 : memref<1x32x1024xf32, #tpu.memory_space<vmem>> -> memref<32x1024xf32, #tpu.memory_space<vmem>>
    %dma_wait3A_289 = arith.constant 0 : i32
    %dma_wait3A_290 = tpu.memref_slice %arg3[%dma_wait3A_283, %add3A_281, %dma_wait3A_289] : memref<4x8192x1024xf32, #tpu.memory_space<hbm>> -> memref<1x32x1024xf32, #tpu.memory_space<hbm>>
    %dma_wait3A_291 = tpu.memref_squeeze %dma_wait3A_290 : memref<1x32x1024xf32, #tpu.memory_space<hbm>> -> memref<32x1024xf32, #tpu.memory_space<hbm>>
    %dma_wait3A_292 = tpu.memref_slice %arg6[%dma_wait3A_284] : memref<3x!tpu.dma_semaphore, #tpu.memory_space<semaphore_mem>> -> memref<1x!tpu.dma_semaphore, #tpu.memory_space<semaphore_mem>>
    %dma_wait3A_293 = tpu.memref_squeeze %dma_wait3A_292 : memref<1x!tpu.dma_semaphore, #tpu.memory_space<semaphore_mem>> -> memref<!tpu.dma_semaphore, #tpu.memory_space<semaphore_mem>>
    %dma_wait3A_294 = arith.constant 0 : i32
    %dma_wait3A_295 = tpu.memref_slice %arg3[%dma_wait3A_283, %add3A_281, %dma_wait3A_294] : memref<4x8192x1024xf32, #tpu.memory_space<hbm>> -> memref<1x32x1024xf32, #tpu.memory_space<hbm>>
    %dma_wait3A_296 = tpu.memref_squeeze %dma_wait3A_295 : memref<1x32x1024xf32, #tpu.memory_space<hbm>> -> memref<32x1024xf32, #tpu.memory_space<hbm>>
    %dma_wait3A_297 = arith.constant 0 : i32
    %dma_wait3A_298 = arith.constant 0 : i32
    %dma_wait3A_299 = tpu.memref_slice %arg4[%dma_wait3A_282, %dma_wait3A_297, %dma_wait3A_298] : memref<3x32x1024xf32, #tpu.memory_space<vmem>> -> memref<1x32x1024xf32, #tpu.memory_space<vmem>>
    %dma_wait3A_300 = tpu.memref_squeeze %dma_wait3A_299 : memref<1x32x1024xf32, #tpu.memory_space<vmem>> -> memref<32x1024xf32, #tpu.memory_space<vmem>>
    tpu.wait_dma2 semaphore(%dma_wait3A_293 : memref<!tpu.dma_semaphore, #tpu.memory_space<semaphore_mem>>) src(%dma_wait3A_300 : memref<32x1024xf32, #tpu.memory_space<vmem>>) dst(%dma_wait3A_296 : memref<32x1024xf32, #tpu.memory_space<hbm>>)
    %add3A_301 = arith.constant 0 : i32
    %add3A_302 = arith.addi %mul3A_2, %add3A_301 : i32
    %dma_wait3A_303 = arith.constant 0 : i32
    %dma_wait3A_304 = arith.constant 2 : i32
    %dma_wait3A_305 = arith.constant 0 : i32
    %dma_wait3A_306 = arith.constant 0 : i32
    %dma_wait3A_307 = arith.constant 0 : i32
    %dma_wait3A_308 = tpu.memref_slice %arg4[%dma_wait3A_303, %dma_wait3A_306, %dma_wait3A_307] : memref<3x32x1024xf32, #tpu.memory_space<vmem>> -> memref<1x32x1024xf32, #tpu.memory_space<vmem>>
    %dma_wait3A_309 = tpu.memref_squeeze %dma_wait3A_308 : memref<1x32x1024xf32, #tpu.memory_space<vmem>> -> memref<32x1024xf32, #tpu.memory_space<vmem>>
    %dma_wait3A_310 = arith.constant 0 : i32
    %dma_wait3A_311 = tpu.memref_slice %arg3[%dma_wait3A_304, %add3A_302, %dma_wait3A_310] : memref<4x8192x1024xf32, #tpu.memory_space<hbm>> -> memref<1x32x1024xf32, #tpu.memory_space<hbm>>
    %dma_wait3A_312 = tpu.memref_squeeze %dma_wait3A_311 : memref<1x32x1024xf32, #tpu.memory_space<hbm>> -> memref<32x1024xf32, #tpu.memory_space<hbm>>
    %dma_wait3A_313 = tpu.memref_slice %arg6[%dma_wait3A_305] : memref<3x!tpu.dma_semaphore, #tpu.memory_space<semaphore_mem>> -> memref<1x!tpu.dma_semaphore, #tpu.memory_space<semaphore_mem>>
    %dma_wait3A_314 = tpu.memref_squeeze %dma_wait3A_313 : memref<1x!tpu.dma_semaphore, #tpu.memory_space<semaphore_mem>> -> memref<!tpu.dma_semaphore, #tpu.memory_space<semaphore_mem>>
    %dma_wait3A_315 = arith.constant 0 : i32
    %dma_wait3A_316 = tpu.memref_slice %arg3[%dma_wait3A_304, %add3A_302, %dma_wait3A_315] : memref<4x8192x1024xf32, #tpu.memory_space<hbm>> -> memref<1x32x1024xf32, #tpu.memory_space<hbm>>
    %dma_wait3A_317 = tpu.memref_squeeze %dma_wait3A_316 : memref<1x32x1024xf32, #tpu.memory_space<hbm>> -> memref<32x1024xf32, #tpu.memory_space<hbm>>
    %dma_wait3A_318 = arith.constant 0 : i32
    %dma_wait3A_319 = arith.constant 0 : i32
    %dma_wait3A_320 = tpu.memref_slice %arg4[%dma_wait3A_303, %dma_wait3A_318, %dma_wait3A_319] : memref<3x32x1024xf32, #tpu.memory_space<vmem>> -> memref<1x32x1024xf32, #tpu.memory_space<vmem>>
    %dma_wait3A_321 = tpu.memref_squeeze %dma_wait3A_320 : memref<1x32x1024xf32, #tpu.memory_space<vmem>> -> memref<32x1024xf32, #tpu.memory_space<vmem>>
    tpu.wait_dma2 semaphore(%dma_wait3A_314 : memref<!tpu.dma_semaphore, #tpu.memory_space<semaphore_mem>>) src(%dma_wait3A_321 : memref<32x1024xf32, #tpu.memory_space<vmem>>) dst(%dma_wait3A_317 : memref<32x1024xf32, #tpu.memory_space<hbm>>)
    %add3A_322 = arith.constant 0 : i32
    %add3A_323 = arith.addi %mul3A_2, %add3A_322 : i32
    %dma_wait3A_324 = arith.constant 0 : i32
    %dma_wait3A_325 = arith.constant 3 : i32
    %dma_wait3A_326 = arith.constant 0 : i32
    %dma_wait3A_327 = arith.constant 0 : i32
    %dma_wait3A_328 = arith.constant 0 : i32
    %dma_wait3A_329 = tpu.memref_slice %arg4[%dma_wait3A_324, %dma_wait3A_327, %dma_wait3A_328] : memref<3x32x1024xf32, #tpu.memory_space<vmem>> -> memref<1x32x1024xf32, #tpu.memory_space<vmem>>
    %dma_wait3A_330 = tpu.memref_squeeze %dma_wait3A_329 : memref<1x32x1024xf32, #tpu.memory_space<vmem>> -> memref<32x1024xf32, #tpu.memory_space<vmem>>
    %dma_wait3A_331 = arith.constant 0 : i32
    %dma_wait3A_332 = tpu.memref_slice %arg3[%dma_wait3A_325, %add3A_323, %dma_wait3A_331] : memref<4x8192x1024xf32, #tpu.memory_space<hbm>> -> memref<1x32x1024xf32, #tpu.memory_space<hbm>>
    %dma_wait3A_333 = tpu.memref_squeeze %dma_wait3A_332 : memref<1x32x1024xf32, #tpu.memory_space<hbm>> -> memref<32x1024xf32, #tpu.memory_space<hbm>>
    %dma_wait3A_334 = tpu.memref_slice %arg6[%dma_wait3A_326] : memref<3x!tpu.dma_semaphore, #tpu.memory_space<semaphore_mem>> -> memref<1x!tpu.dma_semaphore, #tpu.memory_space<semaphore_mem>>
    %dma_wait3A_335 = tpu.memref_squeeze %dma_wait3A_334 : memref<1x!tpu.dma_semaphore, #tpu.memory_space<semaphore_mem>> -> memref<!tpu.dma_semaphore, #tpu.memory_space<semaphore_mem>>
    %dma_wait3A_336 = arith.constant 0 : i32
    %dma_wait3A_337 = tpu.memref_slice %arg3[%dma_wait3A_325, %add3A_323, %dma_wait3A_336] : memref<4x8192x1024xf32, #tpu.memory_space<hbm>> -> memref<1x32x1024xf32, #tpu.memory_space<hbm>>
    %dma_wait3A_338 = tpu.memref_squeeze %dma_wait3A_337 : memref<1x32x1024xf32, #tpu.memory_space<hbm>> -> memref<32x1024xf32, #tpu.memory_space<hbm>>
    %dma_wait3A_339 = arith.constant 0 : i32
    %dma_wait3A_340 = arith.constant 0 : i32
    %dma_wait3A_341 = tpu.memref_slice %arg4[%dma_wait3A_324, %dma_wait3A_339, %dma_wait3A_340] : memref<3x32x1024xf32, #tpu.memory_space<vmem>> -> memref<1x32x1024xf32, #tpu.memory_space<vmem>>
    %dma_wait3A_342 = tpu.memref_squeeze %dma_wait3A_341 : memref<1x32x1024xf32, #tpu.memory_space<vmem>> -> memref<32x1024xf32, #tpu.memory_space<vmem>>
    tpu.wait_dma2 semaphore(%dma_wait3A_335 : memref<!tpu.dma_semaphore, #tpu.memory_space<semaphore_mem>>) src(%dma_wait3A_342 : memref<32x1024xf32, #tpu.memory_space<vmem>>) dst(%dma_wait3A_338 : memref<32x1024xf32, #tpu.memory_space<hbm>>)
    %add3A_343 = arith.constant 96 : i32
    %add3A_344 = arith.addi %mul3A_2, %add3A_343 : i32
    %dma_start3A_345 = arith.constant 0 : i32
    %dma_start3A_346 = arith.constant 0 : i32
    %dma_start3A_347 = arith.constant 0 : i32
    %dma_start3A_348 = arith.constant 0 : i32
    %dma_start3A_349 = tpu.memref_slice %arg4[%dma_start3A_345, %dma_start3A_347, %dma_start3A_348] : memref<3x32x1024xf32, #tpu.memory_space<vmem>> -> memref<1x32x1024xf32, #tpu.memory_space<vmem>>
    %dma_start3A_350 = tpu.memref_squeeze %dma_start3A_349 : memref<1x32x1024xf32, #tpu.memory_space<vmem>> -> memref<32x1024xf32, #tpu.memory_space<vmem>>
    %dma_start3A_351 = arith.constant 0 : i32
    %dma_start3A_352 = tpu.memref_slice %arg2[%add3A_344, %dma_start3A_351] : memref<8192x1024xf32, #tpu.memory_space<hbm>> -> memref<32x1024xf32, #tpu.memory_space<hbm>>
    %dma_start3A_353 = tpu.memref_slice %arg5[%dma_start3A_346] : memref<3x!tpu.dma_semaphore, #tpu.memory_space<semaphore_mem>> -> memref<1x!tpu.dma_semaphore, #tpu.memory_space<semaphore_mem>>
    %dma_start3A_354 = tpu.memref_squeeze %dma_start3A_353 : memref<1x!tpu.dma_semaphore, #tpu.memory_space<semaphore_mem>> -> memref<!tpu.dma_semaphore, #tpu.memory_space<semaphore_mem>>
    %dma_start3A_355 = arith.constant 0 : i32
    %dma_start3A_356 = arith.constant 0 : i32
    %dma_start3A_357 = tpu.memref_slice %arg4[%dma_start3A_345, %dma_start3A_355, %dma_start3A_356] : memref<3x32x1024xf32, #tpu.memory_space<vmem>> -> memref<1x32x1024xf32, #tpu.memory_space<vmem>>
    %dma_start3A_358 = tpu.memref_squeeze %dma_start3A_357 : memref<1x32x1024xf32, #tpu.memory_space<vmem>> -> memref<32x1024xf32, #tpu.memory_space<vmem>>
    %dma_start3A_359 = arith.constant 0 : i32
    %dma_start3A_360 = tpu.memref_slice %arg2[%add3A_344, %dma_start3A_359] : memref<8192x1024xf32, #tpu.memory_space<hbm>> -> memref<32x1024xf32, #tpu.memory_space<hbm>>
    tpu.enqueue_dma source(%dma_start3A_360 : memref<32x1024xf32, #tpu.memory_space<hbm>>) target(%dma_start3A_358 : memref<32x1024xf32, #tpu.memory_space<vmem>>) target_semaphore(%dma_start3A_354 : memref<!tpu.dma_semaphore, #tpu.memory_space<semaphore_mem>>)
    %add3A_361 = arith.constant 64 : i32
    %add3A_362 = arith.addi %mul3A_2, %add3A_361 : i32
    %dma_wait3A_363 = arith.constant 2 : i32
    %dma_wait3A_364 = arith.constant 2 : i32
    %dma_wait3A_365 = arith.constant 0 : i32
    %dma_wait3A_366 = arith.constant 0 : i32
    %dma_wait3A_367 = tpu.memref_slice %arg4[%dma_wait3A_363, %dma_wait3A_365, %dma_wait3A_366] : memref<3x32x1024xf32, #tpu.memory_space<vmem>> -> memref<1x32x1024xf32, #tpu.memory_space<vmem>>
    %dma_wait3A_368 = tpu.memref_squeeze %dma_wait3A_367 : memref<1x32x1024xf32, #tpu.memory_space<vmem>> -> memref<32x1024xf32, #tpu.memory_space<vmem>>
    %dma_wait3A_369 = arith.constant 0 : i32
    %dma_wait3A_370 = tpu.memref_slice %arg2[%add3A_362, %dma_wait3A_369] : memref<8192x1024xf32, #tpu.memory_space<hbm>> -> memref<32x1024xf32, #tpu.memory_space<hbm>>
    %dma_wait3A_371 = tpu.memref_slice %arg5[%dma_wait3A_364] : memref<3x!tpu.dma_semaphore, #tpu.memory_space<semaphore_mem>> -> memref<1x!tpu.dma_semaphore, #tpu.memory_space<semaphore_mem>>
    %dma_wait3A_372 = tpu.memref_squeeze %dma_wait3A_371 : memref<1x!tpu.dma_semaphore, #tpu.memory_space<semaphore_mem>> -> memref<!tpu.dma_semaphore, #tpu.memory_space<semaphore_mem>>
    %dma_wait3A_373 = arith.constant 0 : i32
    %dma_wait3A_374 = arith.constant 0 : i32
    %dma_wait3A_375 = tpu.memref_slice %arg4[%dma_wait3A_363, %dma_wait3A_373, %dma_wait3A_374] : memref<3x32x1024xf32, #tpu.memory_space<vmem>> -> memref<1x32x1024xf32, #tpu.memory_space<vmem>>
    %dma_wait3A_376 = tpu.memref_squeeze %dma_wait3A_375 : memref<1x32x1024xf32, #tpu.memory_space<vmem>> -> memref<32x1024xf32, #tpu.memory_space<vmem>>
    %dma_wait3A_377 = arith.constant 0 : i32
    %dma_wait3A_378 = tpu.memref_slice %arg2[%add3A_362, %dma_wait3A_377] : memref<8192x1024xf32, #tpu.memory_space<hbm>> -> memref<32x1024xf32, #tpu.memory_space<hbm>>
    tpu.wait_dma2 semaphore(%dma_wait3A_372 : memref<!tpu.dma_semaphore, #tpu.memory_space<semaphore_mem>>) src(%dma_wait3A_378 : memref<32x1024xf32, #tpu.memory_space<hbm>>) dst(%dma_wait3A_376 : memref<32x1024xf32, #tpu.memory_space<vmem>>)
    %add3A_379 = arith.constant 64 : i32
    %add3A_380 = arith.addi %mul3A_2, %add3A_379 : i32
    %dma_start3A_381 = arith.constant 2 : i32
    %dma_start3A_382 = arith.constant 0 : i32
    %dma_start3A_383 = arith.constant 2 : i32
    %dma_start3A_384 = arith.constant 0 : i32
    %dma_start3A_385 = arith.constant 0 : i32
    %dma_start3A_386 = tpu.memref_slice %arg4[%dma_start3A_381, %dma_start3A_384, %dma_start3A_385] : memref<3x32x1024xf32, #tpu.memory_space<vmem>> -> memref<1x32x1024xf32, #tpu.memory_space<vmem>>
    %dma_start3A_387 = tpu.memref_squeeze %dma_start3A_386 : memref<1x32x1024xf32, #tpu.memory_space<vmem>> -> memref<32x1024xf32, #tpu.memory_space<vmem>>
    %dma_start3A_388 = arith.constant 0 : i32
    %dma_start3A_389 = tpu.memref_slice %arg3[%dma_start3A_382, %add3A_380, %dma_start3A_388] : memref<4x8192x1024xf32, #tpu.memory_space<hbm>> -> memref<1x32x1024xf32, #tpu.memory_space<hbm>>
    %dma_start3A_390 = tpu.memref_squeeze %dma_start3A_389 : memref<1x32x1024xf32, #tpu.memory_space<hbm>> -> memref<32x1024xf32, #tpu.memory_space<hbm>>
    %dma_start3A_391 = tpu.memref_slice %arg6[%dma_start3A_383] : memref<3x!tpu.dma_semaphore, #tpu.memory_space<semaphore_mem>> -> memref<1x!tpu.dma_semaphore, #tpu.memory_space<semaphore_mem>>
    %dma_start3A_392 = tpu.memref_squeeze %dma_start3A_391 : memref<1x!tpu.dma_semaphore, #tpu.memory_space<semaphore_mem>> -> memref<!tpu.dma_semaphore, #tpu.memory_space<semaphore_mem>>
    %dma_start3A_393 = arith.constant 0 : i32
    %dma_start3A_394 = tpu.memref_slice %arg3[%dma_start3A_382, %add3A_380, %dma_start3A_393] : memref<4x8192x1024xf32, #tpu.memory_space<hbm>> -> memref<1x32x1024xf32, #tpu.memory_space<hbm>>
    %dma_start3A_395 = tpu.memref_squeeze %dma_start3A_394 : memref<1x32x1024xf32, #tpu.memory_space<hbm>> -> memref<32x1024xf32, #tpu.memory_space<hbm>>
    %dma_start3A_396 = arith.constant 0 : i32
    %dma_start3A_397 = arith.constant 0 : i32
    %dma_start3A_398 = tpu.memref_slice %arg4[%dma_start3A_381, %dma_start3A_396, %dma_start3A_397] : memref<3x32x1024xf32, #tpu.memory_space<vmem>> -> memref<1x32x1024xf32, #tpu.memory_space<vmem>>
    %dma_start3A_399 = tpu.memref_squeeze %dma_start3A_398 : memref<1x32x1024xf32, #tpu.memory_space<vmem>> -> memref<32x1024xf32, #tpu.memory_space<vmem>>
    tpu.enqueue_dma source(%dma_start3A_399 : memref<32x1024xf32, #tpu.memory_space<vmem>>) target(%dma_start3A_395 : memref<32x1024xf32, #tpu.memory_space<hbm>>) target_semaphore(%dma_start3A_392 : memref<!tpu.dma_semaphore, #tpu.memory_space<semaphore_mem>>)
    %add3A_400 = arith.constant 64 : i32
    %add3A_401 = arith.addi %mul3A_2, %add3A_400 : i32
    %dma_start3A_402 = arith.constant 2 : i32
    %dma_start3A_403 = arith.constant 1 : i32
    %dma_start3A_404 = arith.constant 2 : i32
    %dma_start3A_405 = arith.constant 0 : i32
    %dma_start3A_406 = arith.constant 0 : i32
    %dma_start3A_407 = tpu.memref_slice %arg4[%dma_start3A_402, %dma_start3A_405, %dma_start3A_406] : memref<3x32x1024xf32, #tpu.memory_space<vmem>> -> memref<1x32x1024xf32, #tpu.memory_space<vmem>>
    %dma_start3A_408 = tpu.memref_squeeze %dma_start3A_407 : memref<1x32x1024xf32, #tpu.memory_space<vmem>> -> memref<32x1024xf32, #tpu.memory_space<vmem>>
    %dma_start3A_409 = arith.constant 0 : i32
    %dma_start3A_410 = tpu.memref_slice %arg3[%dma_start3A_403, %add3A_401, %dma_start3A_409] : memref<4x8192x1024xf32, #tpu.memory_space<hbm>> -> memref<1x32x1024xf32, #tpu.memory_space<hbm>>
    %dma_start3A_411 = tpu.memref_squeeze %dma_start3A_410 : memref<1x32x1024xf32, #tpu.memory_space<hbm>> -> memref<32x1024xf32, #tpu.memory_space<hbm>>
    %dma_start3A_412 = tpu.memref_slice %arg6[%dma_start3A_404] : memref<3x!tpu.dma_semaphore, #tpu.memory_space<semaphore_mem>> -> memref<1x!tpu.dma_semaphore, #tpu.memory_space<semaphore_mem>>
    %dma_start3A_413 = tpu.memref_squeeze %dma_start3A_412 : memref<1x!tpu.dma_semaphore, #tpu.memory_space<semaphore_mem>> -> memref<!tpu.dma_semaphore, #tpu.memory_space<semaphore_mem>>
    %dma_start3A_414 = arith.constant 0 : i32
    %dma_start3A_415 = tpu.memref_slice %arg3[%dma_start3A_403, %add3A_401, %dma_start3A_414] : memref<4x8192x1024xf32, #tpu.memory_space<hbm>> -> memref<1x32x1024xf32, #tpu.memory_space<hbm>>
    %dma_start3A_416 = tpu.memref_squeeze %dma_start3A_415 : memref<1x32x1024xf32, #tpu.memory_space<hbm>> -> memref<32x1024xf32, #tpu.memory_space<hbm>>
    %dma_start3A_417 = arith.constant 0 : i32
    %dma_start3A_418 = arith.constant 0 : i32
    %dma_start3A_419 = tpu.memref_slice %arg4[%dma_start3A_402, %dma_start3A_417, %dma_start3A_418] : memref<3x32x1024xf32, #tpu.memory_space<vmem>> -> memref<1x32x1024xf32, #tpu.memory_space<vmem>>
    %dma_start3A_420 = tpu.memref_squeeze %dma_start3A_419 : memref<1x32x1024xf32, #tpu.memory_space<vmem>> -> memref<32x1024xf32, #tpu.memory_space<vmem>>
    tpu.enqueue_dma source(%dma_start3A_420 : memref<32x1024xf32, #tpu.memory_space<vmem>>) target(%dma_start3A_416 : memref<32x1024xf32, #tpu.memory_space<hbm>>) target_semaphore(%dma_start3A_413 : memref<!tpu.dma_semaphore, #tpu.memory_space<semaphore_mem>>)
    %add3A_421 = arith.constant 64 : i32
    %add3A_422 = arith.addi %mul3A_2, %add3A_421 : i32
    %dma_start3A_423 = arith.constant 2 : i32
    %dma_start3A_424 = arith.constant 2 : i32
    %dma_start3A_425 = arith.constant 2 : i32
    %dma_start3A_426 = arith.constant 0 : i32
    %dma_start3A_427 = arith.constant 0 : i32
    %dma_start3A_428 = tpu.memref_slice %arg4[%dma_start3A_423, %dma_start3A_426, %dma_start3A_427] : memref<3x32x1024xf32, #tpu.memory_space<vmem>> -> memref<1x32x1024xf32, #tpu.memory_space<vmem>>
    %dma_start3A_429 = tpu.memref_squeeze %dma_start3A_428 : memref<1x32x1024xf32, #tpu.memory_space<vmem>> -> memref<32x1024xf32, #tpu.memory_space<vmem>>
    %dma_start3A_430 = arith.constant 0 : i32
    %dma_start3A_431 = tpu.memref_slice %arg3[%dma_start3A_424, %add3A_422, %dma_start3A_430] : memref<4x8192x1024xf32, #tpu.memory_space<hbm>> -> memref<1x32x1024xf32, #tpu.memory_space<hbm>>
    %dma_start3A_432 = tpu.memref_squeeze %dma_start3A_431 : memref<1x32x1024xf32, #tpu.memory_space<hbm>> -> memref<32x1024xf32, #tpu.memory_space<hbm>>
    %dma_start3A_433 = tpu.memref_slice %arg6[%dma_start3A_425] : memref<3x!tpu.dma_semaphore, #tpu.memory_space<semaphore_mem>> -> memref<1x!tpu.dma_semaphore, #tpu.memory_space<semaphore_mem>>
    %dma_start3A_434 = tpu.memref_squeeze %dma_start3A_433 : memref<1x!tpu.dma_semaphore, #tpu.memory_space<semaphore_mem>> -> memref<!tpu.dma_semaphore, #tpu.memory_space<semaphore_mem>>
    %dma_start3A_435 = arith.constant 0 : i32
    %dma_start3A_436 = tpu.memref_slice %arg3[%dma_start3A_424, %add3A_422, %dma_start3A_435] : memref<4x8192x1024xf32, #tpu.memory_space<hbm>> -> memref<1x32x1024xf32, #tpu.memory_space<hbm>>
    %dma_start3A_437 = tpu.memref_squeeze %dma_start3A_436 : memref<1x32x1024xf32, #tpu.memory_space<hbm>> -> memref<32x1024xf32, #tpu.memory_space<hbm>>
    %dma_start3A_438 = arith.constant 0 : i32
    %dma_start3A_439 = arith.constant 0 : i32
    %dma_start3A_440 = tpu.memref_slice %arg4[%dma_start3A_423, %dma_start3A_438, %dma_start3A_439] : memref<3x32x1024xf32, #tpu.memory_space<vmem>> -> memref<1x32x1024xf32, #tpu.memory_space<vmem>>
    %dma_start3A_441 = tpu.memref_squeeze %dma_start3A_440 : memref<1x32x1024xf32, #tpu.memory_space<vmem>> -> memref<32x1024xf32, #tpu.memory_space<vmem>>
    tpu.enqueue_dma source(%dma_start3A_441 : memref<32x1024xf32, #tpu.memory_space<vmem>>) target(%dma_start3A_437 : memref<32x1024xf32, #tpu.memory_space<hbm>>) target_semaphore(%dma_start3A_434 : memref<!tpu.dma_semaphore, #tpu.memory_space<semaphore_mem>>)
    %add3A_442 = arith.constant 64 : i32
    %add3A_443 = arith.addi %mul3A_2, %add3A_442 : i32
    %dma_start3A_444 = arith.constant 2 : i32
    %dma_start3A_445 = arith.constant 3 : i32
    %dma_start3A_446 = arith.constant 2 : i32
    %dma_start3A_447 = arith.constant 0 : i32
    %dma_start3A_448 = arith.constant 0 : i32
    %dma_start3A_449 = tpu.memref_slice %arg4[%dma_start3A_444, %dma_start3A_447, %dma_start3A_448] : memref<3x32x1024xf32, #tpu.memory_space<vmem>> -> memref<1x32x1024xf32, #tpu.memory_space<vmem>>
    %dma_start3A_450 = tpu.memref_squeeze %dma_start3A_449 : memref<1x32x1024xf32, #tpu.memory_space<vmem>> -> memref<32x1024xf32, #tpu.memory_space<vmem>>
    %dma_start3A_451 = arith.constant 0 : i32
    %dma_start3A_452 = tpu.memref_slice %arg3[%dma_start3A_445, %add3A_443, %dma_start3A_451] : memref<4x8192x1024xf32, #tpu.memory_space<hbm>> -> memref<1x32x1024xf32, #tpu.memory_space<hbm>>
    %dma_start3A_453 = tpu.memref_squeeze %dma_start3A_452 : memref<1x32x1024xf32, #tpu.memory_space<hbm>> -> memref<32x1024xf32, #tpu.memory_space<hbm>>
    %dma_start3A_454 = tpu.memref_slice %arg6[%dma_start3A_446] : memref<3x!tpu.dma_semaphore, #tpu.memory_space<semaphore_mem>> -> memref<1x!tpu.dma_semaphore, #tpu.memory_space<semaphore_mem>>
    %dma_start3A_455 = tpu.memref_squeeze %dma_start3A_454 : memref<1x!tpu.dma_semaphore, #tpu.memory_space<semaphore_mem>> -> memref<!tpu.dma_semaphore, #tpu.memory_space<semaphore_mem>>
    %dma_start3A_456 = arith.constant 0 : i32
    %dma_start3A_457 = tpu.memref_slice %arg3[%dma_start3A_445, %add3A_443, %dma_start3A_456] : memref<4x8192x1024xf32, #tpu.memory_space<hbm>> -> memref<1x32x1024xf32, #tpu.memory_space<hbm>>
    %dma_start3A_458 = tpu.memref_squeeze %dma_start3A_457 : memref<1x32x1024xf32, #tpu.memory_space<hbm>> -> memref<32x1024xf32, #tpu.memory_space<hbm>>
    %dma_start3A_459 = arith.constant 0 : i32
    %dma_start3A_460 = arith.constant 0 : i32
    %dma_start3A_461 = tpu.memref_slice %arg4[%dma_start3A_444, %dma_start3A_459, %dma_start3A_460] : memref<3x32x1024xf32, #tpu.memory_space<vmem>> -> memref<1x32x1024xf32, #tpu.memory_space<vmem>>
    %dma_start3A_462 = tpu.memref_squeeze %dma_start3A_461 : memref<1x32x1024xf32, #tpu.memory_space<vmem>> -> memref<32x1024xf32, #tpu.memory_space<vmem>>
    tpu.enqueue_dma source(%dma_start3A_462 : memref<32x1024xf32, #tpu.memory_space<vmem>>) target(%dma_start3A_458 : memref<32x1024xf32, #tpu.memory_space<hbm>>) target_semaphore(%dma_start3A_455 : memref<!tpu.dma_semaphore, #tpu.memory_space<semaphore_mem>>)
    %add3A_463 = arith.constant 32 : i32
    %add3A_464 = arith.addi %mul3A_2, %add3A_463 : i32
    %dma_wait3A_465 = arith.constant 1 : i32
    %dma_wait3A_466 = arith.constant 0 : i32
    %dma_wait3A_467 = arith.constant 1 : i32
    %dma_wait3A_468 = arith.constant 0 : i32
    %dma_wait3A_469 = arith.constant 0 : i32
    %dma_wait3A_470 = tpu.memref_slice %arg4[%dma_wait3A_465, %dma_wait3A_468, %dma_wait3A_469] : memref<3x32x1024xf32, #tpu.memory_space<vmem>> -> memref<1x32x1024xf32, #tpu.memory_space<vmem>>
    %dma_wait3A_471 = tpu.memref_squeeze %dma_wait3A_470 : memref<1x32x1024xf32, #tpu.memory_space<vmem>> -> memref<32x1024xf32, #tpu.memory_space<vmem>>
    %dma_wait3A_472 = arith.constant 0 : i32
    %dma_wait3A_473 = tpu.memref_slice %arg3[%dma_wait3A_466, %add3A_464, %dma_wait3A_472] : memref<4x8192x1024xf32, #tpu.memory_space<hbm>> -> memref<1x32x1024xf32, #tpu.memory_space<hbm>>
    %dma_wait3A_474 = tpu.memref_squeeze %dma_wait3A_473 : memref<1x32x1024xf32, #tpu.memory_space<hbm>> -> memref<32x1024xf32, #tpu.memory_space<hbm>>
    %dma_wait3A_475 = tpu.memref_slice %arg6[%dma_wait3A_467] : memref<3x!tpu.dma_semaphore, #tpu.memory_space<semaphore_mem>> -> memref<1x!tpu.dma_semaphore, #tpu.memory_space<semaphore_mem>>
    %dma_wait3A_476 = tpu.memref_squeeze %dma_wait3A_475 : memref<1x!tpu.dma_semaphore, #tpu.memory_space<semaphore_mem>> -> memref<!tpu.dma_semaphore, #tpu.memory_space<semaphore_mem>>
    %dma_wait3A_477 = arith.constant 0 : i32
    %dma_wait3A_478 = tpu.memref_slice %arg3[%dma_wait3A_466, %add3A_464, %dma_wait3A_477] : memref<4x8192x1024xf32, #tpu.memory_space<hbm>> -> memref<1x32x1024xf32, #tpu.memory_space<hbm>>
    %dma_wait3A_479 = tpu.memref_squeeze %dma_wait3A_478 : memref<1x32x1024xf32, #tpu.memory_space<hbm>> -> memref<32x1024xf32, #tpu.memory_space<hbm>>
    %dma_wait3A_480 = arith.constant 0 : i32
    %dma_wait3A_481 = arith.constant 0 : i32
    %dma_wait3A_482 = tpu.memref_slice %arg4[%dma_wait3A_465, %dma_wait3A_480, %dma_wait3A_481] : memref<3x32x1024xf32, #tpu.memory_space<vmem>> -> memref<1x32x1024xf32, #tpu.memory_space<vmem>>
    %dma_wait3A_483 = tpu.memref_squeeze %dma_wait3A_482 : memref<1x32x1024xf32, #tpu.memory_space<vmem>> -> memref<32x1024xf32, #tpu.memory_space<vmem>>
    tpu.wait_dma2 semaphore(%dma_wait3A_476 : memref<!tpu.dma_semaphore, #tpu.memory_space<semaphore_mem>>) src(%dma_wait3A_483 : memref<32x1024xf32, #tpu.memory_space<vmem>>) dst(%dma_wait3A_479 : memref<32x1024xf32, #tpu.memory_space<hbm>>)
    %add3A_484 = arith.constant 32 : i32
    %add3A_485 = arith.addi %mul3A_2, %add3A_484 : i32
    %dma_wait3A_486 = arith.constant 1 : i32
    %dma_wait3A_487 = arith.constant 1 : i32
    %dma_wait3A_488 = arith.constant 1 : i32
    %dma_wait3A_489 = arith.constant 0 : i32
    %dma_wait3A_490 = arith.constant 0 : i32
    %dma_wait3A_491 = tpu.memref_slice %arg4[%dma_wait3A_486, %dma_wait3A_489, %dma_wait3A_490] : memref<3x32x1024xf32, #tpu.memory_space<vmem>> -> memref<1x32x1024xf32, #tpu.memory_space<vmem>>
    %dma_wait3A_492 = tpu.memref_squeeze %dma_wait3A_491 : memref<1x32x1024xf32, #tpu.memory_space<vmem>> -> memref<32x1024xf32, #tpu.memory_space<vmem>>
    %dma_wait3A_493 = arith.constant 0 : i32
    %dma_wait3A_494 = tpu.memref_slice %arg3[%dma_wait3A_487, %add3A_485, %dma_wait3A_493] : memref<4x8192x1024xf32, #tpu.memory_space<hbm>> -> memref<1x32x1024xf32, #tpu.memory_space<hbm>>
    %dma_wait3A_495 = tpu.memref_squeeze %dma_wait3A_494 : memref<1x32x1024xf32, #tpu.memory_space<hbm>> -> memref<32x1024xf32, #tpu.memory_space<hbm>>
    %dma_wait3A_496 = tpu.memref_slice %arg6[%dma_wait3A_488] : memref<3x!tpu.dma_semaphore, #tpu.memory_space<semaphore_mem>> -> memref<1x!tpu.dma_semaphore, #tpu.memory_space<semaphore_mem>>
    %dma_wait3A_497 = tpu.memref_squeeze %dma_wait3A_496 : memref<1x!tpu.dma_semaphore, #tpu.memory_space<semaphore_mem>> -> memref<!tpu.dma_semaphore, #tpu.memory_space<semaphore_mem>>
    %dma_wait3A_498 = arith.constant 0 : i32
    %dma_wait3A_499 = tpu.memref_slice %arg3[%dma_wait3A_487, %add3A_485, %dma_wait3A_498] : memref<4x8192x1024xf32, #tpu.memory_space<hbm>> -> memref<1x32x1024xf32, #tpu.memory_space<hbm>>
    %dma_wait3A_500 = tpu.memref_squeeze %dma_wait3A_499 : memref<1x32x1024xf32, #tpu.memory_space<hbm>> -> memref<32x1024xf32, #tpu.memory_space<hbm>>
    %dma_wait3A_501 = arith.constant 0 : i32
    %dma_wait3A_502 = arith.constant 0 : i32
    %dma_wait3A_503 = tpu.memref_slice %arg4[%dma_wait3A_486, %dma_wait3A_501, %dma_wait3A_502] : memref<3x32x1024xf32, #tpu.memory_space<vmem>> -> memref<1x32x1024xf32, #tpu.memory_space<vmem>>
    %dma_wait3A_504 = tpu.memref_squeeze %dma_wait3A_503 : memref<1x32x1024xf32, #tpu.memory_space<vmem>> -> memref<32x1024xf32, #tpu.memory_space<vmem>>
    tpu.wait_dma2 semaphore(%dma_wait3A_497 : memref<!tpu.dma_semaphore, #tpu.memory_space<semaphore_mem>>) src(%dma_wait3A_504 : memref<32x1024xf32, #tpu.memory_space<vmem>>) dst(%dma_wait3A_500 : memref<32x1024xf32, #tpu.memory_space<hbm>>)
    %add3A_505 = arith.constant 32 : i32
    %add3A_506 = arith.addi %mul3A_2, %add3A_505 : i32
    %dma_wait3A_507 = arith.constant 1 : i32
    %dma_wait3A_508 = arith.constant 2 : i32
    %dma_wait3A_509 = arith.constant 1 : i32
    %dma_wait3A_510 = arith.constant 0 : i32
    %dma_wait3A_511 = arith.constant 0 : i32
    %dma_wait3A_512 = tpu.memref_slice %arg4[%dma_wait3A_507, %dma_wait3A_510, %dma_wait3A_511] : memref<3x32x1024xf32, #tpu.memory_space<vmem>> -> memref<1x32x1024xf32, #tpu.memory_space<vmem>>
    %dma_wait3A_513 = tpu.memref_squeeze %dma_wait3A_512 : memref<1x32x1024xf32, #tpu.memory_space<vmem>> -> memref<32x1024xf32, #tpu.memory_space<vmem>>
    %dma_wait3A_514 = arith.constant 0 : i32
    %dma_wait3A_515 = tpu.memref_slice %arg3[%dma_wait3A_508, %add3A_506, %dma_wait3A_514] : memref<4x8192x1024xf32, #tpu.memory_space<hbm>> -> memref<1x32x1024xf32, #tpu.memory_space<hbm>>
    %dma_wait3A_516 = tpu.memref_squeeze %dma_wait3A_515 : memref<1x32x1024xf32, #tpu.memory_space<hbm>> -> memref<32x1024xf32, #tpu.memory_space<hbm>>
    %dma_wait3A_517 = tpu.memref_slice %arg6[%dma_wait3A_509] : memref<3x!tpu.dma_semaphore, #tpu.memory_space<semaphore_mem>> -> memref<1x!tpu.dma_semaphore, #tpu.memory_space<semaphore_mem>>
    %dma_wait3A_518 = tpu.memref_squeeze %dma_wait3A_517 : memref<1x!tpu.dma_semaphore, #tpu.memory_space<semaphore_mem>> -> memref<!tpu.dma_semaphore, #tpu.memory_space<semaphore_mem>>
    %dma_wait3A_519 = arith.constant 0 : i32
    %dma_wait3A_520 = tpu.memref_slice %arg3[%dma_wait3A_508, %add3A_506, %dma_wait3A_519] : memref<4x8192x1024xf32, #tpu.memory_space<hbm>> -> memref<1x32x1024xf32, #tpu.memory_space<hbm>>
    %dma_wait3A_521 = tpu.memref_squeeze %dma_wait3A_520 : memref<1x32x1024xf32, #tpu.memory_space<hbm>> -> memref<32x1024xf32, #tpu.memory_space<hbm>>
    %dma_wait3A_522 = arith.constant 0 : i32
    %dma_wait3A_523 = arith.constant 0 : i32
    %dma_wait3A_524 = tpu.memref_slice %arg4[%dma_wait3A_507, %dma_wait3A_522, %dma_wait3A_523] : memref<3x32x1024xf32, #tpu.memory_space<vmem>> -> memref<1x32x1024xf32, #tpu.memory_space<vmem>>
    %dma_wait3A_525 = tpu.memref_squeeze %dma_wait3A_524 : memref<1x32x1024xf32, #tpu.memory_space<vmem>> -> memref<32x1024xf32, #tpu.memory_space<vmem>>
    tpu.wait_dma2 semaphore(%dma_wait3A_518 : memref<!tpu.dma_semaphore, #tpu.memory_space<semaphore_mem>>) src(%dma_wait3A_525 : memref<32x1024xf32, #tpu.memory_space<vmem>>) dst(%dma_wait3A_521 : memref<32x1024xf32, #tpu.memory_space<hbm>>)
    %add3A_526 = arith.constant 32 : i32
    %add3A_527 = arith.addi %mul3A_2, %add3A_526 : i32
    %dma_wait3A_528 = arith.constant 1 : i32
    %dma_wait3A_529 = arith.constant 3 : i32
    %dma_wait3A_530 = arith.constant 1 : i32
    %dma_wait3A_531 = arith.constant 0 : i32
    %dma_wait3A_532 = arith.constant 0 : i32
    %dma_wait3A_533 = tpu.memref_slice %arg4[%dma_wait3A_528, %dma_wait3A_531, %dma_wait3A_532] : memref<3x32x1024xf32, #tpu.memory_space<vmem>> -> memref<1x32x1024xf32, #tpu.memory_space<vmem>>
    %dma_wait3A_534 = tpu.memref_squeeze %dma_wait3A_533 : memref<1x32x1024xf32, #tpu.memory_space<vmem>> -> memref<32x1024xf32, #tpu.memory_space<vmem>>
    %dma_wait3A_535 = arith.constant 0 : i32
    %dma_wait3A_536 = tpu.memref_slice %arg3[%dma_wait3A_529, %add3A_527, %dma_wait3A_535] : memref<4x8192x1024xf32, #tpu.memory_space<hbm>> -> memref<1x32x1024xf32, #tpu.memory_space<hbm>>
    %dma_wait3A_537 = tpu.memref_squeeze %dma_wait3A_536 : memref<1x32x1024xf32, #tpu.memory_space<hbm>> -> memref<32x1024xf32, #tpu.memory_space<hbm>>
    %dma_wait3A_538 = tpu.memref_slice %arg6[%dma_wait3A_530] : memref<3x!tpu.dma_semaphore, #tpu.memory_space<semaphore_mem>> -> memref<1x!tpu.dma_semaphore, #tpu.memory_space<semaphore_mem>>
    %dma_wait3A_539 = tpu.memref_squeeze %dma_wait3A_538 : memref<1x!tpu.dma_semaphore, #tpu.memory_space<semaphore_mem>> -> memref<!tpu.dma_semaphore, #tpu.memory_space<semaphore_mem>>
    %dma_wait3A_540 = arith.constant 0 : i32
    %dma_wait3A_541 = tpu.memref_slice %arg3[%dma_wait3A_529, %add3A_527, %dma_wait3A_540] : memref<4x8192x1024xf32, #tpu.memory_space<hbm>> -> memref<1x32x1024xf32, #tpu.memory_space<hbm>>
    %dma_wait3A_542 = tpu.memref_squeeze %dma_wait3A_541 : memref<1x32x1024xf32, #tpu.memory_space<hbm>> -> memref<32x1024xf32, #tpu.memory_space<hbm>>
    %dma_wait3A_543 = arith.constant 0 : i32
    %dma_wait3A_544 = arith.constant 0 : i32
    %dma_wait3A_545 = tpu.memref_slice %arg4[%dma_wait3A_528, %dma_wait3A_543, %dma_wait3A_544] : memref<3x32x1024xf32, #tpu.memory_space<vmem>> -> memref<1x32x1024xf32, #tpu.memory_space<vmem>>
    %dma_wait3A_546 = tpu.memref_squeeze %dma_wait3A_545 : memref<1x32x1024xf32, #tpu.memory_space<vmem>> -> memref<32x1024xf32, #tpu.memory_space<vmem>>
    tpu.wait_dma2 semaphore(%dma_wait3A_539 : memref<!tpu.dma_semaphore, #tpu.memory_space<semaphore_mem>>) src(%dma_wait3A_546 : memref<32x1024xf32, #tpu.memory_space<vmem>>) dst(%dma_wait3A_542 : memref<32x1024xf32, #tpu.memory_space<hbm>>)
    %add3A_547 = arith.constant 128 : i32
    %add3A_548 = arith.addi %mul3A_2, %add3A_547 : i32
    %dma_start3A_549 = arith.constant 1 : i32
    %dma_start3A_550 = arith.constant 1 : i32
    %dma_start3A_551 = arith.constant 0 : i32
    %dma_start3A_552 = arith.constant 0 : i32
    %dma_start3A_553 = tpu.memref_slice %arg4[%dma_start3A_549, %dma_start3A_551, %dma_start3A_552] : memref<3x32x1024xf32, #tpu.memory_space<vmem>> -> memref<1x32x1024xf32, #tpu.memory_space<vmem>>
    %dma_start3A_554 = tpu.memref_squeeze %dma_start3A_553 : memref<1x32x1024xf32, #tpu.memory_space<vmem>> -> memref<32x1024xf32, #tpu.memory_space<vmem>>
    %dma_start3A_555 = arith.constant 0 : i32
    %dma_start3A_556 = tpu.memref_slice %arg2[%add3A_548, %dma_start3A_555] : memref<8192x1024xf32, #tpu.memory_space<hbm>> -> memref<32x1024xf32, #tpu.memory_space<hbm>>
    %dma_start3A_557 = tpu.memref_slice %arg5[%dma_start3A_550] : memref<3x!tpu.dma_semaphore, #tpu.memory_space<semaphore_mem>> -> memref<1x!tpu.dma_semaphore, #tpu.memory_space<semaphore_mem>>
    %dma_start3A_558 = tpu.memref_squeeze %dma_start3A_557 : memref<1x!tpu.dma_semaphore, #tpu.memory_space<semaphore_mem>> -> memref<!tpu.dma_semaphore, #tpu.memory_space<semaphore_mem>>
    %dma_start3A_559 = arith.constant 0 : i32
    %dma_start3A_560 = arith.constant 0 : i32
    %dma_start3A_561 = tpu.memref_slice %arg4[%dma_start3A_549, %dma_start3A_559, %dma_start3A_560] : memref<3x32x1024xf32, #tpu.memory_space<vmem>> -> memref<1x32x1024xf32, #tpu.memory_space<vmem>>
    %dma_start3A_562 = tpu.memref_squeeze %dma_start3A_561 : memref<1x32x1024xf32, #tpu.memory_space<vmem>> -> memref<32x1024xf32, #tpu.memory_space<vmem>>
    %dma_start3A_563 = arith.constant 0 : i32
    %dma_start3A_564 = tpu.memref_slice %arg2[%add3A_548, %dma_start3A_563] : memref<8192x1024xf32, #tpu.memory_space<hbm>> -> memref<32x1024xf32, #tpu.memory_space<hbm>>
    tpu.enqueue_dma source(%dma_start3A_564 : memref<32x1024xf32, #tpu.memory_space<hbm>>) target(%dma_start3A_562 : memref<32x1024xf32, #tpu.memory_space<vmem>>) target_semaphore(%dma_start3A_558 : memref<!tpu.dma_semaphore, #tpu.memory_space<semaphore_mem>>)
    %add3A_565 = arith.constant 96 : i32
    %add3A_566 = arith.addi %mul3A_2, %add3A_565 : i32
    %dma_wait3A_567 = arith.constant 0 : i32
    %dma_wait3A_568 = arith.constant 0 : i32
    %dma_wait3A_569 = arith.constant 0 : i32
    %dma_wait3A_570 = arith.constant 0 : i32
    %dma_wait3A_571 = tpu.memref_slice %arg4[%dma_wait3A_567, %dma_wait3A_569, %dma_wait3A_570] : memref<3x32x1024xf32, #tpu.memory_space<vmem>> -> memref<1x32x1024xf32, #tpu.memory_space<vmem>>
    %dma_wait3A_572 = tpu.memref_squeeze %dma_wait3A_571 : memref<1x32x1024xf32, #tpu.memory_space<vmem>> -> memref<32x1024xf32, #tpu.memory_space<vmem>>
    %dma_wait3A_573 = arith.constant 0 : i32
    %dma_wait3A_574 = tpu.memref_slice %arg2[%add3A_566, %dma_wait3A_573] : memref<8192x1024xf32, #tpu.memory_space<hbm>> -> memref<32x1024xf32, #tpu.memory_space<hbm>>
    %dma_wait3A_575 = tpu.memref_slice %arg5[%dma_wait3A_568] : memref<3x!tpu.dma_semaphore, #tpu.memory_space<semaphore_mem>> -> memref<1x!tpu.dma_semaphore, #tpu.memory_space<semaphore_mem>>
    %dma_wait3A_576 = tpu.memref_squeeze %dma_wait3A_575 : memref<1x!tpu.dma_semaphore, #tpu.memory_space<semaphore_mem>> -> memref<!tpu.dma_semaphore, #tpu.memory_space<semaphore_mem>>
    %dma_wait3A_577 = arith.constant 0 : i32
    %dma_wait3A_578 = arith.constant 0 : i32
    %dma_wait3A_579 = tpu.memref_slice %arg4[%dma_wait3A_567, %dma_wait3A_577, %dma_wait3A_578] : memref<3x32x1024xf32, #tpu.memory_space<vmem>> -> memref<1x32x1024xf32, #tpu.memory_space<vmem>>
    %dma_wait3A_580 = tpu.memref_squeeze %dma_wait3A_579 : memref<1x32x1024xf32, #tpu.memory_space<vmem>> -> memref<32x1024xf32, #tpu.memory_space<vmem>>
    %dma_wait3A_581 = arith.constant 0 : i32
    %dma_wait3A_582 = tpu.memref_slice %arg2[%add3A_566, %dma_wait3A_581] : memref<8192x1024xf32, #tpu.memory_space<hbm>> -> memref<32x1024xf32, #tpu.memory_space<hbm>>
    tpu.wait_dma2 semaphore(%dma_wait3A_576 : memref<!tpu.dma_semaphore, #tpu.memory_space<semaphore_mem>>) src(%dma_wait3A_582 : memref<32x1024xf32, #tpu.memory_space<hbm>>) dst(%dma_wait3A_580 : memref<32x1024xf32, #tpu.memory_space<vmem>>)
    %add3A_583 = arith.constant 96 : i32
    %add3A_584 = arith.addi %mul3A_2, %add3A_583 : i32
    %dma_start3A_585 = arith.constant 0 : i32
    %dma_start3A_586 = arith.constant 0 : i32
    %dma_start3A_587 = arith.constant 0 : i32
    %dma_start3A_588 = arith.constant 0 : i32
    %dma_start3A_589 = arith.constant 0 : i32
    %dma_start3A_590 = tpu.memref_slice %arg4[%dma_start3A_585, %dma_start3A_588, %dma_start3A_589] : memref<3x32x1024xf32, #tpu.memory_space<vmem>> -> memref<1x32x1024xf32, #tpu.memory_space<vmem>>
    %dma_start3A_591 = tpu.memref_squeeze %dma_start3A_590 : memref<1x32x1024xf32, #tpu.memory_space<vmem>> -> memref<32x1024xf32, #tpu.memory_space<vmem>>
    %dma_start3A_592 = arith.constant 0 : i32
    %dma_start3A_593 = tpu.memref_slice %arg3[%dma_start3A_586, %add3A_584, %dma_start3A_592] : memref<4x8192x1024xf32, #tpu.memory_space<hbm>> -> memref<1x32x1024xf32, #tpu.memory_space<hbm>>
    %dma_start3A_594 = tpu.memref_squeeze %dma_start3A_593 : memref<1x32x1024xf32, #tpu.memory_space<hbm>> -> memref<32x1024xf32, #tpu.memory_space<hbm>>
    %dma_start3A_595 = tpu.memref_slice %arg6[%dma_start3A_587] : memref<3x!tpu.dma_semaphore, #tpu.memory_space<semaphore_mem>> -> memref<1x!tpu.dma_semaphore, #tpu.memory_space<semaphore_mem>>
    %dma_start3A_596 = tpu.memref_squeeze %dma_start3A_595 : memref<1x!tpu.dma_semaphore, #tpu.memory_space<semaphore_mem>> -> memref<!tpu.dma_semaphore, #tpu.memory_space<semaphore_mem>>
    %dma_start3A_597 = arith.constant 0 : i32
    %dma_start3A_598 = tpu.memref_slice %arg3[%dma_start3A_586, %add3A_584, %dma_start3A_597] : memref<4x8192x1024xf32, #tpu.memory_space<hbm>> -> memref<1x32x1024xf32, #tpu.memory_space<hbm>>
    %dma_start3A_599 = tpu.memref_squeeze %dma_start3A_598 : memref<1x32x1024xf32, #tpu.memory_space<hbm>> -> memref<32x1024xf32, #tpu.memory_space<hbm>>
    %dma_start3A_600 = arith.constant 0 : i32
    %dma_start3A_601 = arith.constant 0 : i32
    %dma_start3A_602 = tpu.memref_slice %arg4[%dma_start3A_585, %dma_start3A_600, %dma_start3A_601] : memref<3x32x1024xf32, #tpu.memory_space<vmem>> -> memref<1x32x1024xf32, #tpu.memory_space<vmem>>
    %dma_start3A_603 = tpu.memref_squeeze %dma_start3A_602 : memref<1x32x1024xf32, #tpu.memory_space<vmem>> -> memref<32x1024xf32, #tpu.memory_space<vmem>>
    tpu.enqueue_dma source(%dma_start3A_603 : memref<32x1024xf32, #tpu.memory_space<vmem>>) target(%dma_start3A_599 : memref<32x1024xf32, #tpu.memory_space<hbm>>) target_semaphore(%dma_start3A_596 : memref<!tpu.dma_semaphore, #tpu.memory_space<semaphore_mem>>)
    %add3A_604 = arith.constant 96 : i32
    %add3A_605 = arith.addi %mul3A_2, %add3A_604 : i32
    %dma_start3A_606 = arith.constant 0 : i32
    %dma_start3A_607 = arith.constant 1 : i32
    %dma_start3A_608 = arith.constant 0 : i32
    %dma_start3A_609 = arith.constant 0 : i32
    %dma_start3A_610 = arith.constant 0 : i32
    %dma_start3A_611 = tpu.memref_slice %arg4[%dma_start3A_606, %dma_start3A_609, %dma_start3A_610] : memref<3x32x1024xf32, #tpu.memory_space<vmem>> -> memref<1x32x1024xf32, #tpu.memory_space<vmem>>
    %dma_start3A_612 = tpu.memref_squeeze %dma_start3A_611 : memref<1x32x1024xf32, #tpu.memory_space<vmem>> -> memref<32x1024xf32, #tpu.memory_space<vmem>>
    %dma_start3A_613 = arith.constant 0 : i32
    %dma_start3A_614 = tpu.memref_slice %arg3[%dma_start3A_607, %add3A_605, %dma_start3A_613] : memref<4x8192x1024xf32, #tpu.memory_space<hbm>> -> memref<1x32x1024xf32, #tpu.memory_space<hbm>>
    %dma_start3A_615 = tpu.memref_squeeze %dma_start3A_614 : memref<1x32x1024xf32, #tpu.memory_space<hbm>> -> memref<32x1024xf32, #tpu.memory_space<hbm>>
    %dma_start3A_616 = tpu.memref_slice %arg6[%dma_start3A_608] : memref<3x!tpu.dma_semaphore, #tpu.memory_space<semaphore_mem>> -> memref<1x!tpu.dma_semaphore, #tpu.memory_space<semaphore_mem>>
    %dma_start3A_617 = tpu.memref_squeeze %dma_start3A_616 : memref<1x!tpu.dma_semaphore, #tpu.memory_space<semaphore_mem>> -> memref<!tpu.dma_semaphore, #tpu.memory_space<semaphore_mem>>
    %dma_start3A_618 = arith.constant 0 : i32
    %dma_start3A_619 = tpu.memref_slice %arg3[%dma_start3A_607, %add3A_605, %dma_start3A_618] : memref<4x8192x1024xf32, #tpu.memory_space<hbm>> -> memref<1x32x1024xf32, #tpu.memory_space<hbm>>
    %dma_start3A_620 = tpu.memref_squeeze %dma_start3A_619 : memref<1x32x1024xf32, #tpu.memory_space<hbm>> -> memref<32x1024xf32, #tpu.memory_space<hbm>>
    %dma_start3A_621 = arith.constant 0 : i32
    %dma_start3A_622 = arith.constant 0 : i32
    %dma_start3A_623 = tpu.memref_slice %arg4[%dma_start3A_606, %dma_start3A_621, %dma_start3A_622] : memref<3x32x1024xf32, #tpu.memory_space<vmem>> -> memref<1x32x1024xf32, #tpu.memory_space<vmem>>
    %dma_start3A_624 = tpu.memref_squeeze %dma_start3A_623 : memref<1x32x1024xf32, #tpu.memory_space<vmem>> -> memref<32x1024xf32, #tpu.memory_space<vmem>>
    tpu.enqueue_dma source(%dma_start3A_624 : memref<32x1024xf32, #tpu.memory_space<vmem>>) target(%dma_start3A_620 : memref<32x1024xf32, #tpu.memory_space<hbm>>) target_semaphore(%dma_start3A_617 : memref<!tpu.dma_semaphore, #tpu.memory_space<semaphore_mem>>)
    %add3A_625 = arith.constant 96 : i32
    %add3A_626 = arith.addi %mul3A_2, %add3A_625 : i32
    %dma_start3A_627 = arith.constant 0 : i32
    %dma_start3A_628 = arith.constant 2 : i32
    %dma_start3A_629 = arith.constant 0 : i32
    %dma_start3A_630 = arith.constant 0 : i32
    %dma_start3A_631 = arith.constant 0 : i32
    %dma_start3A_632 = tpu.memref_slice %arg4[%dma_start3A_627, %dma_start3A_630, %dma_start3A_631] : memref<3x32x1024xf32, #tpu.memory_space<vmem>> -> memref<1x32x1024xf32, #tpu.memory_space<vmem>>
    %dma_start3A_633 = tpu.memref_squeeze %dma_start3A_632 : memref<1x32x1024xf32, #tpu.memory_space<vmem>> -> memref<32x1024xf32, #tpu.memory_space<vmem>>
    %dma_start3A_634 = arith.constant 0 : i32
    %dma_start3A_635 = tpu.memref_slice %arg3[%dma_start3A_628, %add3A_626, %dma_start3A_634] : memref<4x8192x1024xf32, #tpu.memory_space<hbm>> -> memref<1x32x1024xf32, #tpu.memory_space<hbm>>
    %dma_start3A_636 = tpu.memref_squeeze %dma_start3A_635 : memref<1x32x1024xf32, #tpu.memory_space<hbm>> -> memref<32x1024xf32, #tpu.memory_space<hbm>>
    %dma_start3A_637 = tpu.memref_slice %arg6[%dma_start3A_629] : memref<3x!tpu.dma_semaphore, #tpu.memory_space<semaphore_mem>> -> memref<1x!tpu.dma_semaphore, #tpu.memory_space<semaphore_mem>>
    %dma_start3A_638 = tpu.memref_squeeze %dma_start3A_637 : memref<1x!tpu.dma_semaphore, #tpu.memory_space<semaphore_mem>> -> memref<!tpu.dma_semaphore, #tpu.memory_space<semaphore_mem>>
    %dma_start3A_639 = arith.constant 0 : i32
    %dma_start3A_640 = tpu.memref_slice %arg3[%dma_start3A_628, %add3A_626, %dma_start3A_639] : memref<4x8192x1024xf32, #tpu.memory_space<hbm>> -> memref<1x32x1024xf32, #tpu.memory_space<hbm>>
    %dma_start3A_641 = tpu.memref_squeeze %dma_start3A_640 : memref<1x32x1024xf32, #tpu.memory_space<hbm>> -> memref<32x1024xf32, #tpu.memory_space<hbm>>
    %dma_start3A_642 = arith.constant 0 : i32
    %dma_start3A_643 = arith.constant 0 : i32
    %dma_start3A_644 = tpu.memref_slice %arg4[%dma_start3A_627, %dma_start3A_642, %dma_start3A_643] : memref<3x32x1024xf32, #tpu.memory_space<vmem>> -> memref<1x32x1024xf32, #tpu.memory_space<vmem>>
    %dma_start3A_645 = tpu.memref_squeeze %dma_start3A_644 : memref<1x32x1024xf32, #tpu.memory_space<vmem>> -> memref<32x1024xf32, #tpu.memory_space<vmem>>
    tpu.enqueue_dma source(%dma_start3A_645 : memref<32x1024xf32, #tpu.memory_space<vmem>>) target(%dma_start3A_641 : memref<32x1024xf32, #tpu.memory_space<hbm>>) target_semaphore(%dma_start3A_638 : memref<!tpu.dma_semaphore, #tpu.memory_space<semaphore_mem>>)
    %add3A_646 = arith.constant 96 : i32
    %add3A_647 = arith.addi %mul3A_2, %add3A_646 : i32
    %dma_start3A_648 = arith.constant 0 : i32
    %dma_start3A_649 = arith.constant 3 : i32
    %dma_start3A_650 = arith.constant 0 : i32
    %dma_start3A_651 = arith.constant 0 : i32
    %dma_start3A_652 = arith.constant 0 : i32
    %dma_start3A_653 = tpu.memref_slice %arg4[%dma_start3A_648, %dma_start3A_651, %dma_start3A_652] : memref<3x32x1024xf32, #tpu.memory_space<vmem>> -> memref<1x32x1024xf32, #tpu.memory_space<vmem>>
    %dma_start3A_654 = tpu.memref_squeeze %dma_start3A_653 : memref<1x32x1024xf32, #tpu.memory_space<vmem>> -> memref<32x1024xf32, #tpu.memory_space<vmem>>
    %dma_start3A_655 = arith.constant 0 : i32
    %dma_start3A_656 = tpu.memref_slice %arg3[%dma_start3A_649, %add3A_647, %dma_start3A_655] : memref<4x8192x1024xf32, #tpu.memory_space<hbm>> -> memref<1x32x1024xf32, #tpu.memory_space<hbm>>
    %dma_start3A_657 = tpu.memref_squeeze %dma_start3A_656 : memref<1x32x1024xf32, #tpu.memory_space<hbm>> -> memref<32x1024xf32, #tpu.memory_space<hbm>>
    %dma_start3A_658 = tpu.memref_slice %arg6[%dma_start3A_650] : memref<3x!tpu.dma_semaphore, #tpu.memory_space<semaphore_mem>> -> memref<1x!tpu.dma_semaphore, #tpu.memory_space<semaphore_mem>>
    %dma_start3A_659 = tpu.memref_squeeze %dma_start3A_658 : memref<1x!tpu.dma_semaphore, #tpu.memory_space<semaphore_mem>> -> memref<!tpu.dma_semaphore, #tpu.memory_space<semaphore_mem>>
    %dma_start3A_660 = arith.constant 0 : i32
    %dma_start3A_661 = tpu.memref_slice %arg3[%dma_start3A_649, %add3A_647, %dma_start3A_660] : memref<4x8192x1024xf32, #tpu.memory_space<hbm>> -> memref<1x32x1024xf32, #tpu.memory_space<hbm>>
    %dma_start3A_662 = tpu.memref_squeeze %dma_start3A_661 : memref<1x32x1024xf32, #tpu.memory_space<hbm>> -> memref<32x1024xf32, #tpu.memory_space<hbm>>
    %dma_start3A_663 = arith.constant 0 : i32
    %dma_start3A_664 = arith.constant 0 : i32
    %dma_start3A_665 = tpu.memref_slice %arg4[%dma_start3A_648, %dma_start3A_663, %dma_start3A_664] : memref<3x32x1024xf32, #tpu.memory_space<vmem>> -> memref<1x32x1024xf32, #tpu.memory_space<vmem>>
    %dma_start3A_666 = tpu.memref_squeeze %dma_start3A_665 : memref<1x32x1024xf32, #tpu.memory_space<vmem>> -> memref<32x1024xf32, #tpu.memory_space<vmem>>
    tpu.enqueue_dma source(%dma_start3A_666 : memref<32x1024xf32, #tpu.memory_space<vmem>>) target(%dma_start3A_662 : memref<32x1024xf32, #tpu.memory_space<hbm>>) target_semaphore(%dma_start3A_659 : memref<!tpu.dma_semaphore, #tpu.memory_space<semaphore_mem>>)
    %add3A_667 = arith.constant 64 : i32
    %add3A_668 = arith.addi %mul3A_2, %add3A_667 : i32
    %dma_wait3A_669 = arith.constant 2 : i32
    %dma_wait3A_670 = arith.constant 0 : i32
    %dma_wait3A_671 = arith.constant 2 : i32
    %dma_wait3A_672 = arith.constant 0 : i32
    %dma_wait3A_673 = arith.constant 0 : i32
    %dma_wait3A_674 = tpu.memref_slice %arg4[%dma_wait3A_669, %dma_wait3A_672, %dma_wait3A_673] : memref<3x32x1024xf32, #tpu.memory_space<vmem>> -> memref<1x32x1024xf32, #tpu.memory_space<vmem>>
    %dma_wait3A_675 = tpu.memref_squeeze %dma_wait3A_674 : memref<1x32x1024xf32, #tpu.memory_space<vmem>> -> memref<32x1024xf32, #tpu.memory_space<vmem>>
    %dma_wait3A_676 = arith.constant 0 : i32
    %dma_wait3A_677 = tpu.memref_slice %arg3[%dma_wait3A_670, %add3A_668, %dma_wait3A_676] : memref<4x8192x1024xf32, #tpu.memory_space<hbm>> -> memref<1x32x1024xf32, #tpu.memory_space<hbm>>
    %dma_wait3A_678 = tpu.memref_squeeze %dma_wait3A_677 : memref<1x32x1024xf32, #tpu.memory_space<hbm>> -> memref<32x1024xf32, #tpu.memory_space<hbm>>
    %dma_wait3A_679 = tpu.memref_slice %arg6[%dma_wait3A_671] : memref<3x!tpu.dma_semaphore, #tpu.memory_space<semaphore_mem>> -> memref<1x!tpu.dma_semaphore, #tpu.memory_space<semaphore_mem>>
    %dma_wait3A_680 = tpu.memref_squeeze %dma_wait3A_679 : memref<1x!tpu.dma_semaphore, #tpu.memory_space<semaphore_mem>> -> memref<!tpu.dma_semaphore, #tpu.memory_space<semaphore_mem>>
    %dma_wait3A_681 = arith.constant 0 : i32
    %dma_wait3A_682 = tpu.memref_slice %arg3[%dma_wait3A_670, %add3A_668, %dma_wait3A_681] : memref<4x8192x1024xf32, #tpu.memory_space<hbm>> -> memref<1x32x1024xf32, #tpu.memory_space<hbm>>
    %dma_wait3A_683 = tpu.memref_squeeze %dma_wait3A_682 : memref<1x32x1024xf32, #tpu.memory_space<hbm>> -> memref<32x1024xf32, #tpu.memory_space<hbm>>
    %dma_wait3A_684 = arith.constant 0 : i32
    %dma_wait3A_685 = arith.constant 0 : i32
    %dma_wait3A_686 = tpu.memref_slice %arg4[%dma_wait3A_669, %dma_wait3A_684, %dma_wait3A_685] : memref<3x32x1024xf32, #tpu.memory_space<vmem>> -> memref<1x32x1024xf32, #tpu.memory_space<vmem>>
    %dma_wait3A_687 = tpu.memref_squeeze %dma_wait3A_686 : memref<1x32x1024xf32, #tpu.memory_space<vmem>> -> memref<32x1024xf32, #tpu.memory_space<vmem>>
    tpu.wait_dma2 semaphore(%dma_wait3A_680 : memref<!tpu.dma_semaphore, #tpu.memory_space<semaphore_mem>>) src(%dma_wait3A_687 : memref<32x1024xf32, #tpu.memory_space<vmem>>) dst(%dma_wait3A_683 : memref<32x1024xf32, #tpu.memory_space<hbm>>)
    %add3A_688 = arith.constant 64 : i32
    %add3A_689 = arith.addi %mul3A_2, %add3A_688 : i32
    %dma_wait3A_690 = arith.constant 2 : i32
    %dma_wait3A_691 = arith.constant 1 : i32
    %dma_wait3A_692 = arith.constant 2 : i32
    %dma_wait3A_693 = arith.constant 0 : i32
    %dma_wait3A_694 = arith.constant 0 : i32
    %dma_wait3A_695 = tpu.memref_slice %arg4[%dma_wait3A_690, %dma_wait3A_693, %dma_wait3A_694] : memref<3x32x1024xf32, #tpu.memory_space<vmem>> -> memref<1x32x1024xf32, #tpu.memory_space<vmem>>
    %dma_wait3A_696 = tpu.memref_squeeze %dma_wait3A_695 : memref<1x32x1024xf32, #tpu.memory_space<vmem>> -> memref<32x1024xf32, #tpu.memory_space<vmem>>
    %dma_wait3A_697 = arith.constant 0 : i32
    %dma_wait3A_698 = tpu.memref_slice %arg3[%dma_wait3A_691, %add3A_689, %dma_wait3A_697] : memref<4x8192x1024xf32, #tpu.memory_space<hbm>> -> memref<1x32x1024xf32, #tpu.memory_space<hbm>>
    %dma_wait3A_699 = tpu.memref_squeeze %dma_wait3A_698 : memref<1x32x1024xf32, #tpu.memory_space<hbm>> -> memref<32x1024xf32, #tpu.memory_space<hbm>>
    %dma_wait3A_700 = tpu.memref_slice %arg6[%dma_wait3A_692] : memref<3x!tpu.dma_semaphore, #tpu.memory_space<semaphore_mem>> -> memref<1x!tpu.dma_semaphore, #tpu.memory_space<semaphore_mem>>
    %dma_wait3A_701 = tpu.memref_squeeze %dma_wait3A_700 : memref<1x!tpu.dma_semaphore, #tpu.memory_space<semaphore_mem>> -> memref<!tpu.dma_semaphore, #tpu.memory_space<semaphore_mem>>
    %dma_wait3A_702 = arith.constant 0 : i32
    %dma_wait3A_703 = tpu.memref_slice %arg3[%dma_wait3A_691, %add3A_689, %dma_wait3A_702] : memref<4x8192x1024xf32, #tpu.memory_space<hbm>> -> memref<1x32x1024xf32, #tpu.memory_space<hbm>>
    %dma_wait3A_704 = tpu.memref_squeeze %dma_wait3A_703 : memref<1x32x1024xf32, #tpu.memory_space<hbm>> -> memref<32x1024xf32, #tpu.memory_space<hbm>>
    %dma_wait3A_705 = arith.constant 0 : i32
    %dma_wait3A_706 = arith.constant 0 : i32
    %dma_wait3A_707 = tpu.memref_slice %arg4[%dma_wait3A_690, %dma_wait3A_705, %dma_wait3A_706] : memref<3x32x1024xf32, #tpu.memory_space<vmem>> -> memref<1x32x1024xf32, #tpu.memory_space<vmem>>
    %dma_wait3A_708 = tpu.memref_squeeze %dma_wait3A_707 : memref<1x32x1024xf32, #tpu.memory_space<vmem>> -> memref<32x1024xf32, #tpu.memory_space<vmem>>
    tpu.wait_dma2 semaphore(%dma_wait3A_701 : memref<!tpu.dma_semaphore, #tpu.memory_space<semaphore_mem>>) src(%dma_wait3A_708 : memref<32x1024xf32, #tpu.memory_space<vmem>>) dst(%dma_wait3A_704 : memref<32x1024xf32, #tpu.memory_space<hbm>>)
    %add3A_709 = arith.constant 64 : i32
    %add3A_710 = arith.addi %mul3A_2, %add3A_709 : i32
    %dma_wait3A_711 = arith.constant 2 : i32
    %dma_wait3A_712 = arith.constant 2 : i32
    %dma_wait3A_713 = arith.constant 2 : i32
    %dma_wait3A_714 = arith.constant 0 : i32
    %dma_wait3A_715 = arith.constant 0 : i32
    %dma_wait3A_716 = tpu.memref_slice %arg4[%dma_wait3A_711, %dma_wait3A_714, %dma_wait3A_715] : memref<3x32x1024xf32, #tpu.memory_space<vmem>> -> memref<1x32x1024xf32, #tpu.memory_space<vmem>>
    %dma_wait3A_717 = tpu.memref_squeeze %dma_wait3A_716 : memref<1x32x1024xf32, #tpu.memory_space<vmem>> -> memref<32x1024xf32, #tpu.memory_space<vmem>>
    %dma_wait3A_718 = arith.constant 0 : i32
    %dma_wait3A_719 = tpu.memref_slice %arg3[%dma_wait3A_712, %add3A_710, %dma_wait3A_718] : memref<4x8192x1024xf32, #tpu.memory_space<hbm>> -> memref<1x32x1024xf32, #tpu.memory_space<hbm>>
    %dma_wait3A_720 = tpu.memref_squeeze %dma_wait3A_719 : memref<1x32x1024xf32, #tpu.memory_space<hbm>> -> memref<32x1024xf32, #tpu.memory_space<hbm>>
    %dma_wait3A_721 = tpu.memref_slice %arg6[%dma_wait3A_713] : memref<3x!tpu.dma_semaphore, #tpu.memory_space<semaphore_mem>> -> memref<1x!tpu.dma_semaphore, #tpu.memory_space<semaphore_mem>>
    %dma_wait3A_722 = tpu.memref_squeeze %dma_wait3A_721 : memref<1x!tpu.dma_semaphore, #tpu.memory_space<semaphore_mem>> -> memref<!tpu.dma_semaphore, #tpu.memory_space<semaphore_mem>>
    %dma_wait3A_723 = arith.constant 0 : i32
    %dma_wait3A_724 = tpu.memref_slice %arg3[%dma_wait3A_712, %add3A_710, %dma_wait3A_723] : memref<4x8192x1024xf32, #tpu.memory_space<hbm>> -> memref<1x32x1024xf32, #tpu.memory_space<hbm>>
    %dma_wait3A_725 = tpu.memref_squeeze %dma_wait3A_724 : memref<1x32x1024xf32, #tpu.memory_space<hbm>> -> memref<32x1024xf32, #tpu.memory_space<hbm>>
    %dma_wait3A_726 = arith.constant 0 : i32
    %dma_wait3A_727 = arith.constant 0 : i32
    %dma_wait3A_728 = tpu.memref_slice %arg4[%dma_wait3A_711, %dma_wait3A_726, %dma_wait3A_727] : memref<3x32x1024xf32, #tpu.memory_space<vmem>> -> memref<1x32x1024xf32, #tpu.memory_space<vmem>>
    %dma_wait3A_729 = tpu.memref_squeeze %dma_wait3A_728 : memref<1x32x1024xf32, #tpu.memory_space<vmem>> -> memref<32x1024xf32, #tpu.memory_space<vmem>>
    tpu.wait_dma2 semaphore(%dma_wait3A_722 : memref<!tpu.dma_semaphore, #tpu.memory_space<semaphore_mem>>) src(%dma_wait3A_729 : memref<32x1024xf32, #tpu.memory_space<vmem>>) dst(%dma_wait3A_725 : memref<32x1024xf32, #tpu.memory_space<hbm>>)
    %add3A_730 = arith.constant 64 : i32
    %add3A_731 = arith.addi %mul3A_2, %add3A_730 : i32
    %dma_wait3A_732 = arith.constant 2 : i32
    %dma_wait3A_733 = arith.constant 3 : i32
    %dma_wait3A_734 = arith.constant 2 : i32
    %dma_wait3A_735 = arith.constant 0 : i32
    %dma_wait3A_736 = arith.constant 0 : i32
    %dma_wait3A_737 = tpu.memref_slice %arg4[%dma_wait3A_732, %dma_wait3A_735, %dma_wait3A_736] : memref<3x32x1024xf32, #tpu.memory_space<vmem>> -> memref<1x32x1024xf32, #tpu.memory_space<vmem>>
    %dma_wait3A_738 = tpu.memref_squeeze %dma_wait3A_737 : memref<1x32x1024xf32, #tpu.memory_space<vmem>> -> memref<32x1024xf32, #tpu.memory_space<vmem>>
    %dma_wait3A_739 = arith.constant 0 : i32
    %dma_wait3A_740 = tpu.memref_slice %arg3[%dma_wait3A_733, %add3A_731, %dma_wait3A_739] : memref<4x8192x1024xf32, #tpu.memory_space<hbm>> -> memref<1x32x1024xf32, #tpu.memory_space<hbm>>
    %dma_wait3A_741 = tpu.memref_squeeze %dma_wait3A_740 : memref<1x32x1024xf32, #tpu.memory_space<hbm>> -> memref<32x1024xf32, #tpu.memory_space<hbm>>
    %dma_wait3A_742 = tpu.memref_slice %arg6[%dma_wait3A_734] : memref<3x!tpu.dma_semaphore, #tpu.memory_space<semaphore_mem>> -> memref<1x!tpu.dma_semaphore, #tpu.memory_space<semaphore_mem>>
    %dma_wait3A_743 = tpu.memref_squeeze %dma_wait3A_742 : memref<1x!tpu.dma_semaphore, #tpu.memory_space<semaphore_mem>> -> memref<!tpu.dma_semaphore, #tpu.memory_space<semaphore_mem>>
    %dma_wait3A_744 = arith.constant 0 : i32
    %dma_wait3A_745 = tpu.memref_slice %arg3[%dma_wait3A_733, %add3A_731, %dma_wait3A_744] : memref<4x8192x1024xf32, #tpu.memory_space<hbm>> -> memref<1x32x1024xf32, #tpu.memory_space<hbm>>
    %dma_wait3A_746 = tpu.memref_squeeze %dma_wait3A_745 : memref<1x32x1024xf32, #tpu.memory_space<hbm>> -> memref<32x1024xf32, #tpu.memory_space<hbm>>
    %dma_wait3A_747 = arith.constant 0 : i32
    %dma_wait3A_748 = arith.constant 0 : i32
    %dma_wait3A_749 = tpu.memref_slice %arg4[%dma_wait3A_732, %dma_wait3A_747, %dma_wait3A_748] : memref<3x32x1024xf32, #tpu.memory_space<vmem>> -> memref<1x32x1024xf32, #tpu.memory_space<vmem>>
    %dma_wait3A_750 = tpu.memref_squeeze %dma_wait3A_749 : memref<1x32x1024xf32, #tpu.memory_space<vmem>> -> memref<32x1024xf32, #tpu.memory_space<vmem>>
    tpu.wait_dma2 semaphore(%dma_wait3A_743 : memref<!tpu.dma_semaphore, #tpu.memory_space<semaphore_mem>>) src(%dma_wait3A_750 : memref<32x1024xf32, #tpu.memory_space<vmem>>) dst(%dma_wait3A_746 : memref<32x1024xf32, #tpu.memory_space<hbm>>)
    %add3A_751 = arith.constant 160 : i32
    %add3A_752 = arith.addi %mul3A_2, %add3A_751 : i32
    %dma_start3A_753 = arith.constant 2 : i32
    %dma_start3A_754 = arith.constant 2 : i32
    %dma_start3A_755 = arith.constant 0 : i32
    %dma_start3A_756 = arith.constant 0 : i32
    %dma_start3A_757 = tpu.memref_slice %arg4[%dma_start3A_753, %dma_start3A_755, %dma_start3A_756] : memref<3x32x1024xf32, #tpu.memory_space<vmem>> -> memref<1x32x1024xf32, #tpu.memory_space<vmem>>
    %dma_start3A_758 = tpu.memref_squeeze %dma_start3A_757 : memref<1x32x1024xf32, #tpu.memory_space<vmem>> -> memref<32x1024xf32, #tpu.memory_space<vmem>>
    %dma_start3A_759 = arith.constant 0 : i32
    %dma_start3A_760 = tpu.memref_slice %arg2[%add3A_752, %dma_start3A_759] : memref<8192x1024xf32, #tpu.memory_space<hbm>> -> memref<32x1024xf32, #tpu.memory_space<hbm>>
    %dma_start3A_761 = tpu.memref_slice %arg5[%dma_start3A_754] : memref<3x!tpu.dma_semaphore, #tpu.memory_space<semaphore_mem>> -> memref<1x!tpu.dma_semaphore, #tpu.memory_space<semaphore_mem>>
    %dma_start3A_762 = tpu.memref_squeeze %dma_start3A_761 : memref<1x!tpu.dma_semaphore, #tpu.memory_space<semaphore_mem>> -> memref<!tpu.dma_semaphore, #tpu.memory_space<semaphore_mem>>
    %dma_start3A_763 = arith.constant 0 : i32
    %dma_start3A_764 = arith.constant 0 : i32
    %dma_start3A_765 = tpu.memref_slice %arg4[%dma_start3A_753, %dma_start3A_763, %dma_start3A_764] : memref<3x32x1024xf32, #tpu.memory_space<vmem>> -> memref<1x32x1024xf32, #tpu.memory_space<vmem>>
    %dma_start3A_766 = tpu.memref_squeeze %dma_start3A_765 : memref<1x32x1024xf32, #tpu.memory_space<vmem>> -> memref<32x1024xf32, #tpu.memory_space<vmem>>
    %dma_start3A_767 = arith.constant 0 : i32
    %dma_start3A_768 = tpu.memref_slice %arg2[%add3A_752, %dma_start3A_767] : memref<8192x1024xf32, #tpu.memory_space<hbm>> -> memref<32x1024xf32, #tpu.memory_space<hbm>>
    tpu.enqueue_dma source(%dma_start3A_768 : memref<32x1024xf32, #tpu.memory_space<hbm>>) target(%dma_start3A_766 : memref<32x1024xf32, #tpu.memory_space<vmem>>) target_semaphore(%dma_start3A_762 : memref<!tpu.dma_semaphore, #tpu.memory_space<semaphore_mem>>)
    %add3A_769 = arith.constant 128 : i32
    %add3A_770 = arith.addi %mul3A_2, %add3A_769 : i32
    %dma_wait3A_771 = arith.constant 1 : i32
    %dma_wait3A_772 = arith.constant 1 : i32
    %dma_wait3A_773 = arith.constant 0 : i32
    %dma_wait3A_774 = arith.constant 0 : i32
    %dma_wait3A_775 = tpu.memref_slice %arg4[%dma_wait3A_771, %dma_wait3A_773, %dma_wait3A_774] : memref<3x32x1024xf32, #tpu.memory_space<vmem>> -> memref<1x32x1024xf32, #tpu.memory_space<vmem>>
    %dma_wait3A_776 = tpu.memref_squeeze %dma_wait3A_775 : memref<1x32x1024xf32, #tpu.memory_space<vmem>> -> memref<32x1024xf32, #tpu.memory_space<vmem>>
    %dma_wait3A_777 = arith.constant 0 : i32
    %dma_wait3A_778 = tpu.memref_slice %arg2[%add3A_770, %dma_wait3A_777] : memref<8192x1024xf32, #tpu.memory_space<hbm>> -> memref<32x1024xf32, #tpu.memory_space<hbm>>
    %dma_wait3A_779 = tpu.memref_slice %arg5[%dma_wait3A_772] : memref<3x!tpu.dma_semaphore, #tpu.memory_space<semaphore_mem>> -> memref<1x!tpu.dma_semaphore, #tpu.memory_space<semaphore_mem>>
    %dma_wait3A_780 = tpu.memref_squeeze %dma_wait3A_779 : memref<1x!tpu.dma_semaphore, #tpu.memory_space<semaphore_mem>> -> memref<!tpu.dma_semaphore, #tpu.memory_space<semaphore_mem>>
    %dma_wait3A_781 = arith.constant 0 : i32
    %dma_wait3A_782 = arith.constant 0 : i32
    %dma_wait3A_783 = tpu.memref_slice %arg4[%dma_wait3A_771, %dma_wait3A_781, %dma_wait3A_782] : memref<3x32x1024xf32, #tpu.memory_space<vmem>> -> memref<1x32x1024xf32, #tpu.memory_space<vmem>>
    %dma_wait3A_784 = tpu.memref_squeeze %dma_wait3A_783 : memref<1x32x1024xf32, #tpu.memory_space<vmem>> -> memref<32x1024xf32, #tpu.memory_space<vmem>>
    %dma_wait3A_785 = arith.constant 0 : i32
    %dma_wait3A_786 = tpu.memref_slice %arg2[%add3A_770, %dma_wait3A_785] : memref<8192x1024xf32, #tpu.memory_space<hbm>> -> memref<32x1024xf32, #tpu.memory_space<hbm>>
    tpu.wait_dma2 semaphore(%dma_wait3A_780 : memref<!tpu.dma_semaphore, #tpu.memory_space<semaphore_mem>>) src(%dma_wait3A_786 : memref<32x1024xf32, #tpu.memory_space<hbm>>) dst(%dma_wait3A_784 : memref<32x1024xf32, #tpu.memory_space<vmem>>)
    %add3A_787 = arith.constant 128 : i32
    %add3A_788 = arith.addi %mul3A_2, %add3A_787 : i32
    %dma_start3A_789 = arith.constant 1 : i32
    %dma_start3A_790 = arith.constant 0 : i32
    %dma_start3A_791 = arith.constant 1 : i32
    %dma_start3A_792 = arith.constant 0 : i32
    %dma_start3A_793 = arith.constant 0 : i32
    %dma_start3A_794 = tpu.memref_slice %arg4[%dma_start3A_789, %dma_start3A_792, %dma_start3A_793] : memref<3x32x1024xf32, #tpu.memory_space<vmem>> -> memref<1x32x1024xf32, #tpu.memory_space<vmem>>
    %dma_start3A_795 = tpu.memref_squeeze %dma_start3A_794 : memref<1x32x1024xf32, #tpu.memory_space<vmem>> -> memref<32x1024xf32, #tpu.memory_space<vmem>>
    %dma_start3A_796 = arith.constant 0 : i32
    %dma_start3A_797 = tpu.memref_slice %arg3[%dma_start3A_790, %add3A_788, %dma_start3A_796] : memref<4x8192x1024xf32, #tpu.memory_space<hbm>> -> memref<1x32x1024xf32, #tpu.memory_space<hbm>>
    %dma_start3A_798 = tpu.memref_squeeze %dma_start3A_797 : memref<1x32x1024xf32, #tpu.memory_space<hbm>> -> memref<32x1024xf32, #tpu.memory_space<hbm>>
    %dma_start3A_799 = tpu.memref_slice %arg6[%dma_start3A_791] : memref<3x!tpu.dma_semaphore, #tpu.memory_space<semaphore_mem>> -> memref<1x!tpu.dma_semaphore, #tpu.memory_space<semaphore_mem>>
    %dma_start3A_800 = tpu.memref_squeeze %dma_start3A_799 : memref<1x!tpu.dma_semaphore, #tpu.memory_space<semaphore_mem>> -> memref<!tpu.dma_semaphore, #tpu.memory_space<semaphore_mem>>
    %dma_start3A_801 = arith.constant 0 : i32
    %dma_start3A_802 = tpu.memref_slice %arg3[%dma_start3A_790, %add3A_788, %dma_start3A_801] : memref<4x8192x1024xf32, #tpu.memory_space<hbm>> -> memref<1x32x1024xf32, #tpu.memory_space<hbm>>
    %dma_start3A_803 = tpu.memref_squeeze %dma_start3A_802 : memref<1x32x1024xf32, #tpu.memory_space<hbm>> -> memref<32x1024xf32, #tpu.memory_space<hbm>>
    %dma_start3A_804 = arith.constant 0 : i32
    %dma_start3A_805 = arith.constant 0 : i32
    %dma_start3A_806 = tpu.memref_slice %arg4[%dma_start3A_789, %dma_start3A_804, %dma_start3A_805] : memref<3x32x1024xf32, #tpu.memory_space<vmem>> -> memref<1x32x1024xf32, #tpu.memory_space<vmem>>
    %dma_start3A_807 = tpu.memref_squeeze %dma_start3A_806 : memref<1x32x1024xf32, #tpu.memory_space<vmem>> -> memref<32x1024xf32, #tpu.memory_space<vmem>>
    tpu.enqueue_dma source(%dma_start3A_807 : memref<32x1024xf32, #tpu.memory_space<vmem>>) target(%dma_start3A_803 : memref<32x1024xf32, #tpu.memory_space<hbm>>) target_semaphore(%dma_start3A_800 : memref<!tpu.dma_semaphore, #tpu.memory_space<semaphore_mem>>)
    %add3A_808 = arith.constant 128 : i32
    %add3A_809 = arith.addi %mul3A_2, %add3A_808 : i32
    %dma_start3A_810 = arith.constant 1 : i32
    %dma_start3A_811 = arith.constant 1 : i32
    %dma_start3A_812 = arith.constant 1 : i32
    %dma_start3A_813 = arith.constant 0 : i32
    %dma_start3A_814 = arith.constant 0 : i32
    %dma_start3A_815 = tpu.memref_slice %arg4[%dma_start3A_810, %dma_start3A_813, %dma_start3A_814] : memref<3x32x1024xf32, #tpu.memory_space<vmem>> -> memref<1x32x1024xf32, #tpu.memory_space<vmem>>
    %dma_start3A_816 = tpu.memref_squeeze %dma_start3A_815 : memref<1x32x1024xf32, #tpu.memory_space<vmem>> -> memref<32x1024xf32, #tpu.memory_space<vmem>>
    %dma_start3A_817 = arith.constant 0 : i32
    %dma_start3A_818 = tpu.memref_slice %arg3[%dma_start3A_811, %add3A_809, %dma_start3A_817] : memref<4x8192x1024xf32, #tpu.memory_space<hbm>> -> memref<1x32x1024xf32, #tpu.memory_space<hbm>>
    %dma_start3A_819 = tpu.memref_squeeze %dma_start3A_818 : memref<1x32x1024xf32, #tpu.memory_space<hbm>> -> memref<32x1024xf32, #tpu.memory_space<hbm>>
    %dma_start3A_820 = tpu.memref_slice %arg6[%dma_start3A_812] : memref<3x!tpu.dma_semaphore, #tpu.memory_space<semaphore_mem>> -> memref<1x!tpu.dma_semaphore, #tpu.memory_space<semaphore_mem>>
    %dma_start3A_821 = tpu.memref_squeeze %dma_start3A_820 : memref<1x!tpu.dma_semaphore, #tpu.memory_space<semaphore_mem>> -> memref<!tpu.dma_semaphore, #tpu.memory_space<semaphore_mem>>
    %dma_start3A_822 = arith.constant 0 : i32
    %dma_start3A_823 = tpu.memref_slice %arg3[%dma_start3A_811, %add3A_809, %dma_start3A_822] : memref<4x8192x1024xf32, #tpu.memory_space<hbm>> -> memref<1x32x1024xf32, #tpu.memory_space<hbm>>
    %dma_start3A_824 = tpu.memref_squeeze %dma_start3A_823 : memref<1x32x1024xf32, #tpu.memory_space<hbm>> -> memref<32x1024xf32, #tpu.memory_space<hbm>>
    %dma_start3A_825 = arith.constant 0 : i32
    %dma_start3A_826 = arith.constant 0 : i32
    %dma_start3A_827 = tpu.memref_slice %arg4[%dma_start3A_810, %dma_start3A_825, %dma_start3A_826] : memref<3x32x1024xf32, #tpu.memory_space<vmem>> -> memref<1x32x1024xf32, #tpu.memory_space<vmem>>
    %dma_start3A_828 = tpu.memref_squeeze %dma_start3A_827 : memref<1x32x1024xf32, #tpu.memory_space<vmem>> -> memref<32x1024xf32, #tpu.memory_space<vmem>>
    tpu.enqueue_dma source(%dma_start3A_828 : memref<32x1024xf32, #tpu.memory_space<vmem>>) target(%dma_start3A_824 : memref<32x1024xf32, #tpu.memory_space<hbm>>) target_semaphore(%dma_start3A_821 : memref<!tpu.dma_semaphore, #tpu.memory_space<semaphore_mem>>)
    %add3A_829 = arith.constant 128 : i32
    %add3A_830 = arith.addi %mul3A_2, %add3A_829 : i32
    %dma_start3A_831 = arith.constant 1 : i32
    %dma_start3A_832 = arith.constant 2 : i32
    %dma_start3A_833 = arith.constant 1 : i32
    %dma_start3A_834 = arith.constant 0 : i32
    %dma_start3A_835 = arith.constant 0 : i32
    %dma_start3A_836 = tpu.memref_slice %arg4[%dma_start3A_831, %dma_start3A_834, %dma_start3A_835] : memref<3x32x1024xf32, #tpu.memory_space<vmem>> -> memref<1x32x1024xf32, #tpu.memory_space<vmem>>
    %dma_start3A_837 = tpu.memref_squeeze %dma_start3A_836 : memref<1x32x1024xf32, #tpu.memory_space<vmem>> -> memref<32x1024xf32, #tpu.memory_space<vmem>>
    %dma_start3A_838 = arith.constant 0 : i32
    %dma_start3A_839 = tpu.memref_slice %arg3[%dma_start3A_832, %add3A_830, %dma_start3A_838] : memref<4x8192x1024xf32, #tpu.memory_space<hbm>> -> memref<1x32x1024xf32, #tpu.memory_space<hbm>>
    %dma_start3A_840 = tpu.memref_squeeze %dma_start3A_839 : memref<1x32x1024xf32, #tpu.memory_space<hbm>> -> memref<32x1024xf32, #tpu.memory_space<hbm>>
    %dma_start3A_841 = tpu.memref_slice %arg6[%dma_start3A_833] : memref<3x!tpu.dma_semaphore, #tpu.memory_space<semaphore_mem>> -> memref<1x!tpu.dma_semaphore, #tpu.memory_space<semaphore_mem>>
    %dma_start3A_842 = tpu.memref_squeeze %dma_start3A_841 : memref<1x!tpu.dma_semaphore, #tpu.memory_space<semaphore_mem>> -> memref<!tpu.dma_semaphore, #tpu.memory_space<semaphore_mem>>
    %dma_start3A_843 = arith.constant 0 : i32
    %dma_start3A_844 = tpu.memref_slice %arg3[%dma_start3A_832, %add3A_830, %dma_start3A_843] : memref<4x8192x1024xf32, #tpu.memory_space<hbm>> -> memref<1x32x1024xf32, #tpu.memory_space<hbm>>
    %dma_start3A_845 = tpu.memref_squeeze %dma_start3A_844 : memref<1x32x1024xf32, #tpu.memory_space<hbm>> -> memref<32x1024xf32, #tpu.memory_space<hbm>>
    %dma_start3A_846 = arith.constant 0 : i32
    %dma_start3A_847 = arith.constant 0 : i32
    %dma_start3A_848 = tpu.memref_slice %arg4[%dma_start3A_831, %dma_start3A_846, %dma_start3A_847] : memref<3x32x1024xf32, #tpu.memory_space<vmem>> -> memref<1x32x1024xf32, #tpu.memory_space<vmem>>
    %dma_start3A_849 = tpu.memref_squeeze %dma_start3A_848 : memref<1x32x1024xf32, #tpu.memory_space<vmem>> -> memref<32x1024xf32, #tpu.memory_space<vmem>>
    tpu.enqueue_dma source(%dma_start3A_849 : memref<32x1024xf32, #tpu.memory_space<vmem>>) target(%dma_start3A_845 : memref<32x1024xf32, #tpu.memory_space<hbm>>) target_semaphore(%dma_start3A_842 : memref<!tpu.dma_semaphore, #tpu.memory_space<semaphore_mem>>)
    %add3A_850 = arith.constant 128 : i32
    %add3A_851 = arith.addi %mul3A_2, %add3A_850 : i32
    %dma_start3A_852 = arith.constant 1 : i32
    %dma_start3A_853 = arith.constant 3 : i32
    %dma_start3A_854 = arith.constant 1 : i32
    %dma_start3A_855 = arith.constant 0 : i32
    %dma_start3A_856 = arith.constant 0 : i32
    %dma_start3A_857 = tpu.memref_slice %arg4[%dma_start3A_852, %dma_start3A_855, %dma_start3A_856] : memref<3x32x1024xf32, #tpu.memory_space<vmem>> -> memref<1x32x1024xf32, #tpu.memory_space<vmem>>
    %dma_start3A_858 = tpu.memref_squeeze %dma_start3A_857 : memref<1x32x1024xf32, #tpu.memory_space<vmem>> -> memref<32x1024xf32, #tpu.memory_space<vmem>>
    %dma_start3A_859 = arith.constant 0 : i32
    %dma_start3A_860 = tpu.memref_slice %arg3[%dma_start3A_853, %add3A_851, %dma_start3A_859] : memref<4x8192x1024xf32, #tpu.memory_space<hbm>> -> memref<1x32x1024xf32, #tpu.memory_space<hbm>>
    %dma_start3A_861 = tpu.memref_squeeze %dma_start3A_860 : memref<1x32x1024xf32, #tpu.memory_space<hbm>> -> memref<32x1024xf32, #tpu.memory_space<hbm>>
    %dma_start3A_862 = tpu.memref_slice %arg6[%dma_start3A_854] : memref<3x!tpu.dma_semaphore, #tpu.memory_space<semaphore_mem>> -> memref<1x!tpu.dma_semaphore, #tpu.memory_space<semaphore_mem>>
    %dma_start3A_863 = tpu.memref_squeeze %dma_start3A_862 : memref<1x!tpu.dma_semaphore, #tpu.memory_space<semaphore_mem>> -> memref<!tpu.dma_semaphore, #tpu.memory_space<semaphore_mem>>
    %dma_start3A_864 = arith.constant 0 : i32
    %dma_start3A_865 = tpu.memref_slice %arg3[%dma_start3A_853, %add3A_851, %dma_start3A_864] : memref<4x8192x1024xf32, #tpu.memory_space<hbm>> -> memref<1x32x1024xf32, #tpu.memory_space<hbm>>
    %dma_start3A_866 = tpu.memref_squeeze %dma_start3A_865 : memref<1x32x1024xf32, #tpu.memory_space<hbm>> -> memref<32x1024xf32, #tpu.memory_space<hbm>>
    %dma_start3A_867 = arith.constant 0 : i32
    %dma_start3A_868 = arith.constant 0 : i32
    %dma_start3A_869 = tpu.memref_slice %arg4[%dma_start3A_852, %dma_start3A_867, %dma_start3A_868] : memref<3x32x1024xf32, #tpu.memory_space<vmem>> -> memref<1x32x1024xf32, #tpu.memory_space<vmem>>
    %dma_start3A_870 = tpu.memref_squeeze %dma_start3A_869 : memref<1x32x1024xf32, #tpu.memory_space<vmem>> -> memref<32x1024xf32, #tpu.memory_space<vmem>>
    tpu.enqueue_dma source(%dma_start3A_870 : memref<32x1024xf32, #tpu.memory_space<vmem>>) target(%dma_start3A_866 : memref<32x1024xf32, #tpu.memory_space<hbm>>) target_semaphore(%dma_start3A_863 : memref<!tpu.dma_semaphore, #tpu.memory_space<semaphore_mem>>)
    %add3A_871 = arith.constant 96 : i32
    %add3A_872 = arith.addi %mul3A_2, %add3A_871 : i32
    %dma_wait3A_873 = arith.constant 0 : i32
    %dma_wait3A_874 = arith.constant 0 : i32
    %dma_wait3A_875 = arith.constant 0 : i32
    %dma_wait3A_876 = arith.constant 0 : i32
    %dma_wait3A_877 = arith.constant 0 : i32
    %dma_wait3A_878 = tpu.memref_slice %arg4[%dma_wait3A_873, %dma_wait3A_876, %dma_wait3A_877] : memref<3x32x1024xf32, #tpu.memory_space<vmem>> -> memref<1x32x1024xf32, #tpu.memory_space<vmem>>
    %dma_wait3A_879 = tpu.memref_squeeze %dma_wait3A_878 : memref<1x32x1024xf32, #tpu.memory_space<vmem>> -> memref<32x1024xf32, #tpu.memory_space<vmem>>
    %dma_wait3A_880 = arith.constant 0 : i32
    %dma_wait3A_881 = tpu.memref_slice %arg3[%dma_wait3A_874, %add3A_872, %dma_wait3A_880] : memref<4x8192x1024xf32, #tpu.memory_space<hbm>> -> memref<1x32x1024xf32, #tpu.memory_space<hbm>>
    %dma_wait3A_882 = tpu.memref_squeeze %dma_wait3A_881 : memref<1x32x1024xf32, #tpu.memory_space<hbm>> -> memref<32x1024xf32, #tpu.memory_space<hbm>>
    %dma_wait3A_883 = tpu.memref_slice %arg6[%dma_wait3A_875] : memref<3x!tpu.dma_semaphore, #tpu.memory_space<semaphore_mem>> -> memref<1x!tpu.dma_semaphore, #tpu.memory_space<semaphore_mem>>
    %dma_wait3A_884 = tpu.memref_squeeze %dma_wait3A_883 : memref<1x!tpu.dma_semaphore, #tpu.memory_space<semaphore_mem>> -> memref<!tpu.dma_semaphore, #tpu.memory_space<semaphore_mem>>
    %dma_wait3A_885 = arith.constant 0 : i32
    %dma_wait3A_886 = tpu.memref_slice %arg3[%dma_wait3A_874, %add3A_872, %dma_wait3A_885] : memref<4x8192x1024xf32, #tpu.memory_space<hbm>> -> memref<1x32x1024xf32, #tpu.memory_space<hbm>>
    %dma_wait3A_887 = tpu.memref_squeeze %dma_wait3A_886 : memref<1x32x1024xf32, #tpu.memory_space<hbm>> -> memref<32x1024xf32, #tpu.memory_space<hbm>>
    %dma_wait3A_888 = arith.constant 0 : i32
    %dma_wait3A_889 = arith.constant 0 : i32
    %dma_wait3A_890 = tpu.memref_slice %arg4[%dma_wait3A_873, %dma_wait3A_888, %dma_wait3A_889] : memref<3x32x1024xf32, #tpu.memory_space<vmem>> -> memref<1x32x1024xf32, #tpu.memory_space<vmem>>
    %dma_wait3A_891 = tpu.memref_squeeze %dma_wait3A_890 : memref<1x32x1024xf32, #tpu.memory_space<vmem>> -> memref<32x1024xf32, #tpu.memory_space<vmem>>
    tpu.wait_dma2 semaphore(%dma_wait3A_884 : memref<!tpu.dma_semaphore, #tpu.memory_space<semaphore_mem>>) src(%dma_wait3A_891 : memref<32x1024xf32, #tpu.memory_space<vmem>>) dst(%dma_wait3A_887 : memref<32x1024xf32, #tpu.memory_space<hbm>>)
    %add3A_892 = arith.constant 96 : i32
    %add3A_893 = arith.addi %mul3A_2, %add3A_892 : i32
    %dma_wait3A_894 = arith.constant 0 : i32
    %dma_wait3A_895 = arith.constant 1 : i32
    %dma_wait3A_896 = arith.constant 0 : i32
    %dma_wait3A_897 = arith.constant 0 : i32
    %dma_wait3A_898 = arith.constant 0 : i32
    %dma_wait3A_899 = tpu.memref_slice %arg4[%dma_wait3A_894, %dma_wait3A_897, %dma_wait3A_898] : memref<3x32x1024xf32, #tpu.memory_space<vmem>> -> memref<1x32x1024xf32, #tpu.memory_space<vmem>>
    %dma_wait3A_900 = tpu.memref_squeeze %dma_wait3A_899 : memref<1x32x1024xf32, #tpu.memory_space<vmem>> -> memref<32x1024xf32, #tpu.memory_space<vmem>>
    %dma_wait3A_901 = arith.constant 0 : i32
    %dma_wait3A_902 = tpu.memref_slice %arg3[%dma_wait3A_895, %add3A_893, %dma_wait3A_901] : memref<4x8192x1024xf32, #tpu.memory_space<hbm>> -> memref<1x32x1024xf32, #tpu.memory_space<hbm>>
    %dma_wait3A_903 = tpu.memref_squeeze %dma_wait3A_902 : memref<1x32x1024xf32, #tpu.memory_space<hbm>> -> memref<32x1024xf32, #tpu.memory_space<hbm>>
    %dma_wait3A_904 = tpu.memref_slice %arg6[%dma_wait3A_896] : memref<3x!tpu.dma_semaphore, #tpu.memory_space<semaphore_mem>> -> memref<1x!tpu.dma_semaphore, #tpu.memory_space<semaphore_mem>>
    %dma_wait3A_905 = tpu.memref_squeeze %dma_wait3A_904 : memref<1x!tpu.dma_semaphore, #tpu.memory_space<semaphore_mem>> -> memref<!tpu.dma_semaphore, #tpu.memory_space<semaphore_mem>>
    %dma_wait3A_906 = arith.constant 0 : i32
    %dma_wait3A_907 = tpu.memref_slice %arg3[%dma_wait3A_895, %add3A_893, %dma_wait3A_906] : memref<4x8192x1024xf32, #tpu.memory_space<hbm>> -> memref<1x32x1024xf32, #tpu.memory_space<hbm>>
    %dma_wait3A_908 = tpu.memref_squeeze %dma_wait3A_907 : memref<1x32x1024xf32, #tpu.memory_space<hbm>> -> memref<32x1024xf32, #tpu.memory_space<hbm>>
    %dma_wait3A_909 = arith.constant 0 : i32
    %dma_wait3A_910 = arith.constant 0 : i32
    %dma_wait3A_911 = tpu.memref_slice %arg4[%dma_wait3A_894, %dma_wait3A_909, %dma_wait3A_910] : memref<3x32x1024xf32, #tpu.memory_space<vmem>> -> memref<1x32x1024xf32, #tpu.memory_space<vmem>>
    %dma_wait3A_912 = tpu.memref_squeeze %dma_wait3A_911 : memref<1x32x1024xf32, #tpu.memory_space<vmem>> -> memref<32x1024xf32, #tpu.memory_space<vmem>>
    tpu.wait_dma2 semaphore(%dma_wait3A_905 : memref<!tpu.dma_semaphore, #tpu.memory_space<semaphore_mem>>) src(%dma_wait3A_912 : memref<32x1024xf32, #tpu.memory_space<vmem>>) dst(%dma_wait3A_908 : memref<32x1024xf32, #tpu.memory_space<hbm>>)
    %add3A_913 = arith.constant 96 : i32
    %add3A_914 = arith.addi %mul3A_2, %add3A_913 : i32
    %dma_wait3A_915 = arith.constant 0 : i32
    %dma_wait3A_916 = arith.constant 2 : i32
    %dma_wait3A_917 = arith.constant 0 : i32
    %dma_wait3A_918 = arith.constant 0 : i32
    %dma_wait3A_919 = arith.constant 0 : i32
    %dma_wait3A_920 = tpu.memref_slice %arg4[%dma_wait3A_915, %dma_wait3A_918, %dma_wait3A_919] : memref<3x32x1024xf32, #tpu.memory_space<vmem>> -> memref<1x32x1024xf32, #tpu.memory_space<vmem>>
    %dma_wait3A_921 = tpu.memref_squeeze %dma_wait3A_920 : memref<1x32x1024xf32, #tpu.memory_space<vmem>> -> memref<32x1024xf32, #tpu.memory_space<vmem>>
    %dma_wait3A_922 = arith.constant 0 : i32
    %dma_wait3A_923 = tpu.memref_slice %arg3[%dma_wait3A_916, %add3A_914, %dma_wait3A_922] : memref<4x8192x1024xf32, #tpu.memory_space<hbm>> -> memref<1x32x1024xf32, #tpu.memory_space<hbm>>
    %dma_wait3A_924 = tpu.memref_squeeze %dma_wait3A_923 : memref<1x32x1024xf32, #tpu.memory_space<hbm>> -> memref<32x1024xf32, #tpu.memory_space<hbm>>
    %dma_wait3A_925 = tpu.memref_slice %arg6[%dma_wait3A_917] : memref<3x!tpu.dma_semaphore, #tpu.memory_space<semaphore_mem>> -> memref<1x!tpu.dma_semaphore, #tpu.memory_space<semaphore_mem>>
    %dma_wait3A_926 = tpu.memref_squeeze %dma_wait3A_925 : memref<1x!tpu.dma_semaphore, #tpu.memory_space<semaphore_mem>> -> memref<!tpu.dma_semaphore, #tpu.memory_space<semaphore_mem>>
    %dma_wait3A_927 = arith.constant 0 : i32
    %dma_wait3A_928 = tpu.memref_slice %arg3[%dma_wait3A_916, %add3A_914, %dma_wait3A_927] : memref<4x8192x1024xf32, #tpu.memory_space<hbm>> -> memref<1x32x1024xf32, #tpu.memory_space<hbm>>
    %dma_wait3A_929 = tpu.memref_squeeze %dma_wait3A_928 : memref<1x32x1024xf32, #tpu.memory_space<hbm>> -> memref<32x1024xf32, #tpu.memory_space<hbm>>
    %dma_wait3A_930 = arith.constant 0 : i32
    %dma_wait3A_931 = arith.constant 0 : i32
    %dma_wait3A_932 = tpu.memref_slice %arg4[%dma_wait3A_915, %dma_wait3A_930, %dma_wait3A_931] : memref<3x32x1024xf32, #tpu.memory_space<vmem>> -> memref<1x32x1024xf32, #tpu.memory_space<vmem>>
    %dma_wait3A_933 = tpu.memref_squeeze %dma_wait3A_932 : memref<1x32x1024xf32, #tpu.memory_space<vmem>> -> memref<32x1024xf32, #tpu.memory_space<vmem>>
    tpu.wait_dma2 semaphore(%dma_wait3A_926 : memref<!tpu.dma_semaphore, #tpu.memory_space<semaphore_mem>>) src(%dma_wait3A_933 : memref<32x1024xf32, #tpu.memory_space<vmem>>) dst(%dma_wait3A_929 : memref<32x1024xf32, #tpu.memory_space<hbm>>)
    %add3A_934 = arith.constant 96 : i32
    %add3A_935 = arith.addi %mul3A_2, %add3A_934 : i32
    %dma_wait3A_936 = arith.constant 0 : i32
    %dma_wait3A_937 = arith.constant 3 : i32
    %dma_wait3A_938 = arith.constant 0 : i32
    %dma_wait3A_939 = arith.constant 0 : i32
    %dma_wait3A_940 = arith.constant 0 : i32
    %dma_wait3A_941 = tpu.memref_slice %arg4[%dma_wait3A_936, %dma_wait3A_939, %dma_wait3A_940] : memref<3x32x1024xf32, #tpu.memory_space<vmem>> -> memref<1x32x1024xf32, #tpu.memory_space<vmem>>
    %dma_wait3A_942 = tpu.memref_squeeze %dma_wait3A_941 : memref<1x32x1024xf32, #tpu.memory_space<vmem>> -> memref<32x1024xf32, #tpu.memory_space<vmem>>
    %dma_wait3A_943 = arith.constant 0 : i32
    %dma_wait3A_944 = tpu.memref_slice %arg3[%dma_wait3A_937, %add3A_935, %dma_wait3A_943] : memref<4x8192x1024xf32, #tpu.memory_space<hbm>> -> memref<1x32x1024xf32, #tpu.memory_space<hbm>>
    %dma_wait3A_945 = tpu.memref_squeeze %dma_wait3A_944 : memref<1x32x1024xf32, #tpu.memory_space<hbm>> -> memref<32x1024xf32, #tpu.memory_space<hbm>>
    %dma_wait3A_946 = tpu.memref_slice %arg6[%dma_wait3A_938] : memref<3x!tpu.dma_semaphore, #tpu.memory_space<semaphore_mem>> -> memref<1x!tpu.dma_semaphore, #tpu.memory_space<semaphore_mem>>
    %dma_wait3A_947 = tpu.memref_squeeze %dma_wait3A_946 : memref<1x!tpu.dma_semaphore, #tpu.memory_space<semaphore_mem>> -> memref<!tpu.dma_semaphore, #tpu.memory_space<semaphore_mem>>
    %dma_wait3A_948 = arith.constant 0 : i32
    %dma_wait3A_949 = tpu.memref_slice %arg3[%dma_wait3A_937, %add3A_935, %dma_wait3A_948] : memref<4x8192x1024xf32, #tpu.memory_space<hbm>> -> memref<1x32x1024xf32, #tpu.memory_space<hbm>>
    %dma_wait3A_950 = tpu.memref_squeeze %dma_wait3A_949 : memref<1x32x1024xf32, #tpu.memory_space<hbm>> -> memref<32x1024xf32, #tpu.memory_space<hbm>>
    %dma_wait3A_951 = arith.constant 0 : i32
    %dma_wait3A_952 = arith.constant 0 : i32
    %dma_wait3A_953 = tpu.memref_slice %arg4[%dma_wait3A_936, %dma_wait3A_951, %dma_wait3A_952] : memref<3x32x1024xf32, #tpu.memory_space<vmem>> -> memref<1x32x1024xf32, #tpu.memory_space<vmem>>
    %dma_wait3A_954 = tpu.memref_squeeze %dma_wait3A_953 : memref<1x32x1024xf32, #tpu.memory_space<vmem>> -> memref<32x1024xf32, #tpu.memory_space<vmem>>
    tpu.wait_dma2 semaphore(%dma_wait3A_947 : memref<!tpu.dma_semaphore, #tpu.memory_space<semaphore_mem>>) src(%dma_wait3A_954 : memref<32x1024xf32, #tpu.memory_space<vmem>>) dst(%dma_wait3A_950 : memref<32x1024xf32, #tpu.memory_space<hbm>>)
    %add3A_955 = arith.constant 192 : i32
    %add3A_956 = arith.addi %mul3A_2, %add3A_955 : i32
    %dma_start3A_957 = arith.constant 0 : i32
    %dma_start3A_958 = arith.constant 0 : i32
    %dma_start3A_959 = arith.constant 0 : i32
    %dma_start3A_960 = arith.constant 0 : i32
    %dma_start3A_961 = tpu.memref_slice %arg4[%dma_start3A_957, %dma_start3A_959, %dma_start3A_960] : memref<3x32x1024xf32, #tpu.memory_space<vmem>> -> memref<1x32x1024xf32, #tpu.memory_space<vmem>>
    %dma_start3A_962 = tpu.memref_squeeze %dma_start3A_961 : memref<1x32x1024xf32, #tpu.memory_space<vmem>> -> memref<32x1024xf32, #tpu.memory_space<vmem>>
    %dma_start3A_963 = arith.constant 0 : i32
    %dma_start3A_964 = tpu.memref_slice %arg2[%add3A_956, %dma_start3A_963] : memref<8192x1024xf32, #tpu.memory_space<hbm>> -> memref<32x1024xf32, #tpu.memory_space<hbm>>
    %dma_start3A_965 = tpu.memref_slice %arg5[%dma_start3A_958] : memref<3x!tpu.dma_semaphore, #tpu.memory_space<semaphore_mem>> -> memref<1x!tpu.dma_semaphore, #tpu.memory_space<semaphore_mem>>
    %dma_start3A_966 = tpu.memref_squeeze %dma_start3A_965 : memref<1x!tpu.dma_semaphore, #tpu.memory_space<semaphore_mem>> -> memref<!tpu.dma_semaphore, #tpu.memory_space<semaphore_mem>>
    %dma_start3A_967 = arith.constant 0 : i32
    %dma_start3A_968 = arith.constant 0 : i32
    %dma_start3A_969 = tpu.memref_slice %arg4[%dma_start3A_957, %dma_start3A_967, %dma_start3A_968] : memref<3x32x1024xf32, #tpu.memory_space<vmem>> -> memref<1x32x1024xf32, #tpu.memory_space<vmem>>
    %dma_start3A_970 = tpu.memref_squeeze %dma_start3A_969 : memref<1x32x1024xf32, #tpu.memory_space<vmem>> -> memref<32x1024xf32, #tpu.memory_space<vmem>>
    %dma_start3A_971 = arith.constant 0 : i32
    %dma_start3A_972 = tpu.memref_slice %arg2[%add3A_956, %dma_start3A_971] : memref<8192x1024xf32, #tpu.memory_space<hbm>> -> memref<32x1024xf32, #tpu.memory_space<hbm>>
    tpu.enqueue_dma source(%dma_start3A_972 : memref<32x1024xf32, #tpu.memory_space<hbm>>) target(%dma_start3A_970 : memref<32x1024xf32, #tpu.memory_space<vmem>>) target_semaphore(%dma_start3A_966 : memref<!tpu.dma_semaphore, #tpu.memory_space<semaphore_mem>>)
    %add3A_973 = arith.constant 160 : i32
    %add3A_974 = arith.addi %mul3A_2, %add3A_973 : i32
    %dma_wait3A_975 = arith.constant 2 : i32
    %dma_wait3A_976 = arith.constant 2 : i32
    %dma_wait3A_977 = arith.constant 0 : i32
    %dma_wait3A_978 = arith.constant 0 : i32
    %dma_wait3A_979 = tpu.memref_slice %arg4[%dma_wait3A_975, %dma_wait3A_977, %dma_wait3A_978] : memref<3x32x1024xf32, #tpu.memory_space<vmem>> -> memref<1x32x1024xf32, #tpu.memory_space<vmem>>
    %dma_wait3A_980 = tpu.memref_squeeze %dma_wait3A_979 : memref<1x32x1024xf32, #tpu.memory_space<vmem>> -> memref<32x1024xf32, #tpu.memory_space<vmem>>
    %dma_wait3A_981 = arith.constant 0 : i32
    %dma_wait3A_982 = tpu.memref_slice %arg2[%add3A_974, %dma_wait3A_981] : memref<8192x1024xf32, #tpu.memory_space<hbm>> -> memref<32x1024xf32, #tpu.memory_space<hbm>>
    %dma_wait3A_983 = tpu.memref_slice %arg5[%dma_wait3A_976] : memref<3x!tpu.dma_semaphore, #tpu.memory_space<semaphore_mem>> -> memref<1x!tpu.dma_semaphore, #tpu.memory_space<semaphore_mem>>
    %dma_wait3A_984 = tpu.memref_squeeze %dma_wait3A_983 : memref<1x!tpu.dma_semaphore, #tpu.memory_space<semaphore_mem>> -> memref<!tpu.dma_semaphore, #tpu.memory_space<semaphore_mem>>
    %dma_wait3A_985 = arith.constant 0 : i32
    %dma_wait3A_986 = arith.constant 0 : i32
    %dma_wait3A_987 = tpu.memref_slice %arg4[%dma_wait3A_975, %dma_wait3A_985, %dma_wait3A_986] : memref<3x32x1024xf32, #tpu.memory_space<vmem>> -> memref<1x32x1024xf32, #tpu.memory_space<vmem>>
    %dma_wait3A_988 = tpu.memref_squeeze %dma_wait3A_987 : memref<1x32x1024xf32, #tpu.memory_space<vmem>> -> memref<32x1024xf32, #tpu.memory_space<vmem>>
    %dma_wait3A_989 = arith.constant 0 : i32
    %dma_wait3A_990 = tpu.memref_slice %arg2[%add3A_974, %dma_wait3A_989] : memref<8192x1024xf32, #tpu.memory_space<hbm>> -> memref<32x1024xf32, #tpu.memory_space<hbm>>
    tpu.wait_dma2 semaphore(%dma_wait3A_984 : memref<!tpu.dma_semaphore, #tpu.memory_space<semaphore_mem>>) src(%dma_wait3A_990 : memref<32x1024xf32, #tpu.memory_space<hbm>>) dst(%dma_wait3A_988 : memref<32x1024xf32, #tpu.memory_space<vmem>>)
    %add3A_991 = arith.constant 160 : i32
    %add3A_992 = arith.addi %mul3A_2, %add3A_991 : i32
    %dma_start3A_993 = arith.constant 2 : i32
    %dma_start3A_994 = arith.constant 0 : i32
    %dma_start3A_995 = arith.constant 2 : i32
    %dma_start3A_996 = arith.constant 0 : i32
    %dma_start3A_997 = arith.constant 0 : i32
    %dma_start3A_998 = tpu.memref_slice %arg4[%dma_start3A_993, %dma_start3A_996, %dma_start3A_997] : memref<3x32x1024xf32, #tpu.memory_space<vmem>> -> memref<1x32x1024xf32, #tpu.memory_space<vmem>>
    %dma_start3A_999 = tpu.memref_squeeze %dma_start3A_998 : memref<1x32x1024xf32, #tpu.memory_space<vmem>> -> memref<32x1024xf32, #tpu.memory_space<vmem>>
    %dma_start3A_1000 = arith.constant 0 : i32
    %dma_start3A_1001 = tpu.memref_slice %arg3[%dma_start3A_994, %add3A_992, %dma_start3A_1000] : memref<4x8192x1024xf32, #tpu.memory_space<hbm>> -> memref<1x32x1024xf32, #tpu.memory_space<hbm>>
    %dma_start3A_1002 = tpu.memref_squeeze %dma_start3A_1001 : memref<1x32x1024xf32, #tpu.memory_space<hbm>> -> memref<32x1024xf32, #tpu.memory_space<hbm>>
    %dma_start3A_1003 = tpu.memref_slice %arg6[%dma_start3A_995] : memref<3x!tpu.dma_semaphore, #tpu.memory_space<semaphore_mem>> -> memref<1x!tpu.dma_semaphore, #tpu.memory_space<semaphore_mem>>
    %dma_start3A_1004 = tpu.memref_squeeze %dma_start3A_1003 : memref<1x!tpu.dma_semaphore, #tpu.memory_space<semaphore_mem>> -> memref<!tpu.dma_semaphore, #tpu.memory_space<semaphore_mem>>
    %dma_start3A_1005 = arith.constant 0 : i32
    %dma_start3A_1006 = tpu.memref_slice %arg3[%dma_start3A_994, %add3A_992, %dma_start3A_1005] : memref<4x8192x1024xf32, #tpu.memory_space<hbm>> -> memref<1x32x1024xf32, #tpu.memory_space<hbm>>
    %dma_start3A_1007 = tpu.memref_squeeze %dma_start3A_1006 : memref<1x32x1024xf32, #tpu.memory_space<hbm>> -> memref<32x1024xf32, #tpu.memory_space<hbm>>
    %dma_start3A_1008 = arith.constant 0 : i32
    %dma_start3A_1009 = arith.constant 0 : i32
    %dma_start3A_1010 = tpu.memref_slice %arg4[%dma_start3A_993, %dma_start3A_1008, %dma_start3A_1009] : memref<3x32x1024xf32, #tpu.memory_space<vmem>> -> memref<1x32x1024xf32, #tpu.memory_space<vmem>>
    %dma_start3A_1011 = tpu.memref_squeeze %dma_start3A_1010 : memref<1x32x1024xf32, #tpu.memory_space<vmem>> -> memref<32x1024xf32, #tpu.memory_space<vmem>>
    tpu.enqueue_dma source(%dma_start3A_1011 : memref<32x1024xf32, #tpu.memory_space<vmem>>) target(%dma_start3A_1007 : memref<32x1024xf32, #tpu.memory_space<hbm>>) target_semaphore(%dma_start3A_1004 : memref<!tpu.dma_semaphore, #tpu.memory_space<semaphore_mem>>)
    %add3A_1012 = arith.constant 160 : i32
    %add3A_1013 = arith.addi %mul3A_2, %add3A_1012 : i32
    %dma_start3A_1014 = arith.constant 2 : i32
    %dma_start3A_1015 = arith.constant 1 : i32
    %dma_start3A_1016 = arith.constant 2 : i32
    %dma_start3A_1017 = arith.constant 0 : i32
    %dma_start3A_1018 = arith.constant 0 : i32
    %dma_start3A_1019 = tpu.memref_slice %arg4[%dma_start3A_1014, %dma_start3A_1017, %dma_start3A_1018] : memref<3x32x1024xf32, #tpu.memory_space<vmem>> -> memref<1x32x1024xf32, #tpu.memory_space<vmem>>
    %dma_start3A_1020 = tpu.memref_squeeze %dma_start3A_1019 : memref<1x32x1024xf32, #tpu.memory_space<vmem>> -> memref<32x1024xf32, #tpu.memory_space<vmem>>
    %dma_start3A_1021 = arith.constant 0 : i32
    %dma_start3A_1022 = tpu.memref_slice %arg3[%dma_start3A_1015, %add3A_1013, %dma_start3A_1021] : memref<4x8192x1024xf32, #tpu.memory_space<hbm>> -> memref<1x32x1024xf32, #tpu.memory_space<hbm>>
    %dma_start3A_1023 = tpu.memref_squeeze %dma_start3A_1022 : memref<1x32x1024xf32, #tpu.memory_space<hbm>> -> memref<32x1024xf32, #tpu.memory_space<hbm>>
    %dma_start3A_1024 = tpu.memref_slice %arg6[%dma_start3A_1016] : memref<3x!tpu.dma_semaphore, #tpu.memory_space<semaphore_mem>> -> memref<1x!tpu.dma_semaphore, #tpu.memory_space<semaphore_mem>>
    %dma_start3A_1025 = tpu.memref_squeeze %dma_start3A_1024 : memref<1x!tpu.dma_semaphore, #tpu.memory_space<semaphore_mem>> -> memref<!tpu.dma_semaphore, #tpu.memory_space<semaphore_mem>>
    %dma_start3A_1026 = arith.constant 0 : i32
    %dma_start3A_1027 = tpu.memref_slice %arg3[%dma_start3A_1015, %add3A_1013, %dma_start3A_1026] : memref<4x8192x1024xf32, #tpu.memory_space<hbm>> -> memref<1x32x1024xf32, #tpu.memory_space<hbm>>
    %dma_start3A_1028 = tpu.memref_squeeze %dma_start3A_1027 : memref<1x32x1024xf32, #tpu.memory_space<hbm>> -> memref<32x1024xf32, #tpu.memory_space<hbm>>
    %dma_start3A_1029 = arith.constant 0 : i32
    %dma_start3A_1030 = arith.constant 0 : i32
    %dma_start3A_1031 = tpu.memref_slice %arg4[%dma_start3A_1014, %dma_start3A_1029, %dma_start3A_1030] : memref<3x32x1024xf32, #tpu.memory_space<vmem>> -> memref<1x32x1024xf32, #tpu.memory_space<vmem>>
    %dma_start3A_1032 = tpu.memref_squeeze %dma_start3A_1031 : memref<1x32x1024xf32, #tpu.memory_space<vmem>> -> memref<32x1024xf32, #tpu.memory_space<vmem>>
    tpu.enqueue_dma source(%dma_start3A_1032 : memref<32x1024xf32, #tpu.memory_space<vmem>>) target(%dma_start3A_1028 : memref<32x1024xf32, #tpu.memory_space<hbm>>) target_semaphore(%dma_start3A_1025 : memref<!tpu.dma_semaphore, #tpu.memory_space<semaphore_mem>>)
    %add3A_1033 = arith.constant 160 : i32
    %add3A_1034 = arith.addi %mul3A_2, %add3A_1033 : i32
    %dma_start3A_1035 = arith.constant 2 : i32
    %dma_start3A_1036 = arith.constant 2 : i32
    %dma_start3A_1037 = arith.constant 2 : i32
    %dma_start3A_1038 = arith.constant 0 : i32
    %dma_start3A_1039 = arith.constant 0 : i32
    %dma_start3A_1040 = tpu.memref_slice %arg4[%dma_start3A_1035, %dma_start3A_1038, %dma_start3A_1039] : memref<3x32x1024xf32, #tpu.memory_space<vmem>> -> memref<1x32x1024xf32, #tpu.memory_space<vmem>>
    %dma_start3A_1041 = tpu.memref_squeeze %dma_start3A_1040 : memref<1x32x1024xf32, #tpu.memory_space<vmem>> -> memref<32x1024xf32, #tpu.memory_space<vmem>>
    %dma_start3A_1042 = arith.constant 0 : i32
    %dma_start3A_1043 = tpu.memref_slice %arg3[%dma_start3A_1036, %add3A_1034, %dma_start3A_1042] : memref<4x8192x1024xf32, #tpu.memory_space<hbm>> -> memref<1x32x1024xf32, #tpu.memory_space<hbm>>
    %dma_start3A_1044 = tpu.memref_squeeze %dma_start3A_1043 : memref<1x32x1024xf32, #tpu.memory_space<hbm>> -> memref<32x1024xf32, #tpu.memory_space<hbm>>
    %dma_start3A_1045 = tpu.memref_slice %arg6[%dma_start3A_1037] : memref<3x!tpu.dma_semaphore, #tpu.memory_space<semaphore_mem>> -> memref<1x!tpu.dma_semaphore, #tpu.memory_space<semaphore_mem>>
    %dma_start3A_1046 = tpu.memref_squeeze %dma_start3A_1045 : memref<1x!tpu.dma_semaphore, #tpu.memory_space<semaphore_mem>> -> memref<!tpu.dma_semaphore, #tpu.memory_space<semaphore_mem>>
    %dma_start3A_1047 = arith.constant 0 : i32
    %dma_start3A_1048 = tpu.memref_slice %arg3[%dma_start3A_1036, %add3A_1034, %dma_start3A_1047] : memref<4x8192x1024xf32, #tpu.memory_space<hbm>> -> memref<1x32x1024xf32, #tpu.memory_space<hbm>>
    %dma_start3A_1049 = tpu.memref_squeeze %dma_start3A_1048 : memref<1x32x1024xf32, #tpu.memory_space<hbm>> -> memref<32x1024xf32, #tpu.memory_space<hbm>>
    %dma_start3A_1050 = arith.constant 0 : i32
    %dma_start3A_1051 = arith.constant 0 : i32
    %dma_start3A_1052 = tpu.memref_slice %arg4[%dma_start3A_1035, %dma_start3A_1050, %dma_start3A_1051] : memref<3x32x1024xf32, #tpu.memory_space<vmem>> -> memref<1x32x1024xf32, #tpu.memory_space<vmem>>
    %dma_start3A_1053 = tpu.memref_squeeze %dma_start3A_1052 : memref<1x32x1024xf32, #tpu.memory_space<vmem>> -> memref<32x1024xf32, #tpu.memory_space<vmem>>
    tpu.enqueue_dma source(%dma_start3A_1053 : memref<32x1024xf32, #tpu.memory_space<vmem>>) target(%dma_start3A_1049 : memref<32x1024xf32, #tpu.memory_space<hbm>>) target_semaphore(%dma_start3A_1046 : memref<!tpu.dma_semaphore, #tpu.memory_space<semaphore_mem>>)
    %add3A_1054 = arith.constant 160 : i32
    %add3A_1055 = arith.addi %mul3A_2, %add3A_1054 : i32
    %dma_start3A_1056 = arith.constant 2 : i32
    %dma_start3A_1057 = arith.constant 3 : i32
    %dma_start3A_1058 = arith.constant 2 : i32
    %dma_start3A_1059 = arith.constant 0 : i32
    %dma_start3A_1060 = arith.constant 0 : i32
    %dma_start3A_1061 = tpu.memref_slice %arg4[%dma_start3A_1056, %dma_start3A_1059, %dma_start3A_1060] : memref<3x32x1024xf32, #tpu.memory_space<vmem>> -> memref<1x32x1024xf32, #tpu.memory_space<vmem>>
    %dma_start3A_1062 = tpu.memref_squeeze %dma_start3A_1061 : memref<1x32x1024xf32, #tpu.memory_space<vmem>> -> memref<32x1024xf32, #tpu.memory_space<vmem>>
    %dma_start3A_1063 = arith.constant 0 : i32
    %dma_start3A_1064 = tpu.memref_slice %arg3[%dma_start3A_1057, %add3A_1055, %dma_start3A_1063] : memref<4x8192x1024xf32, #tpu.memory_space<hbm>> -> memref<1x32x1024xf32, #tpu.memory_space<hbm>>
    %dma_start3A_1065 = tpu.memref_squeeze %dma_start3A_1064 : memref<1x32x1024xf32, #tpu.memory_space<hbm>> -> memref<32x1024xf32, #tpu.memory_space<hbm>>
    %dma_start3A_1066 = tpu.memref_slice %arg6[%dma_start3A_1058] : memref<3x!tpu.dma_semaphore, #tpu.memory_space<semaphore_mem>> -> memref<1x!tpu.dma_semaphore, #tpu.memory_space<semaphore_mem>>
    %dma_start3A_1067 = tpu.memref_squeeze %dma_start3A_1066 : memref<1x!tpu.dma_semaphore, #tpu.memory_space<semaphore_mem>> -> memref<!tpu.dma_semaphore, #tpu.memory_space<semaphore_mem>>
    %dma_start3A_1068 = arith.constant 0 : i32
    %dma_start3A_1069 = tpu.memref_slice %arg3[%dma_start3A_1057, %add3A_1055, %dma_start3A_1068] : memref<4x8192x1024xf32, #tpu.memory_space<hbm>> -> memref<1x32x1024xf32, #tpu.memory_space<hbm>>
    %dma_start3A_1070 = tpu.memref_squeeze %dma_start3A_1069 : memref<1x32x1024xf32, #tpu.memory_space<hbm>> -> memref<32x1024xf32, #tpu.memory_space<hbm>>
    %dma_start3A_1071 = arith.constant 0 : i32
    %dma_start3A_1072 = arith.constant 0 : i32
    %dma_start3A_1073 = tpu.memref_slice %arg4[%dma_start3A_1056, %dma_start3A_1071, %dma_start3A_1072] : memref<3x32x1024xf32, #tpu.memory_space<vmem>> -> memref<1x32x1024xf32, #tpu.memory_space<vmem>>
    %dma_start3A_1074 = tpu.memref_squeeze %dma_start3A_1073 : memref<1x32x1024xf32, #tpu.memory_space<vmem>> -> memref<32x1024xf32, #tpu.memory_space<vmem>>
    tpu.enqueue_dma source(%dma_start3A_1074 : memref<32x1024xf32, #tpu.memory_space<vmem>>) target(%dma_start3A_1070 : memref<32x1024xf32, #tpu.memory_space<hbm>>) target_semaphore(%dma_start3A_1067 : memref<!tpu.dma_semaphore, #tpu.memory_space<semaphore_mem>>)
    %add3A_1075 = arith.constant 128 : i32
    %add3A_1076 = arith.addi %mul3A_2, %add3A_1075 : i32
    %dma_wait3A_1077 = arith.constant 1 : i32
    %dma_wait3A_1078 = arith.constant 0 : i32
    %dma_wait3A_1079 = arith.constant 1 : i32
    %dma_wait3A_1080 = arith.constant 0 : i32
    %dma_wait3A_1081 = arith.constant 0 : i32
    %dma_wait3A_1082 = tpu.memref_slice %arg4[%dma_wait3A_1077, %dma_wait3A_1080, %dma_wait3A_1081] : memref<3x32x1024xf32, #tpu.memory_space<vmem>> -> memref<1x32x1024xf32, #tpu.memory_space<vmem>>
    %dma_wait3A_1083 = tpu.memref_squeeze %dma_wait3A_1082 : memref<1x32x1024xf32, #tpu.memory_space<vmem>> -> memref<32x1024xf32, #tpu.memory_space<vmem>>
    %dma_wait3A_1084 = arith.constant 0 : i32
    %dma_wait3A_1085 = tpu.memref_slice %arg3[%dma_wait3A_1078, %add3A_1076, %dma_wait3A_1084] : memref<4x8192x1024xf32, #tpu.memory_space<hbm>> -> memref<1x32x1024xf32, #tpu.memory_space<hbm>>
    %dma_wait3A_1086 = tpu.memref_squeeze %dma_wait3A_1085 : memref<1x32x1024xf32, #tpu.memory_space<hbm>> -> memref<32x1024xf32, #tpu.memory_space<hbm>>
    %dma_wait3A_1087 = tpu.memref_slice %arg6[%dma_wait3A_1079] : memref<3x!tpu.dma_semaphore, #tpu.memory_space<semaphore_mem>> -> memref<1x!tpu.dma_semaphore, #tpu.memory_space<semaphore_mem>>
    %dma_wait3A_1088 = tpu.memref_squeeze %dma_wait3A_1087 : memref<1x!tpu.dma_semaphore, #tpu.memory_space<semaphore_mem>> -> memref<!tpu.dma_semaphore, #tpu.memory_space<semaphore_mem>>
    %dma_wait3A_1089 = arith.constant 0 : i32
    %dma_wait3A_1090 = tpu.memref_slice %arg3[%dma_wait3A_1078, %add3A_1076, %dma_wait3A_1089] : memref<4x8192x1024xf32, #tpu.memory_space<hbm>> -> memref<1x32x1024xf32, #tpu.memory_space<hbm>>
    %dma_wait3A_1091 = tpu.memref_squeeze %dma_wait3A_1090 : memref<1x32x1024xf32, #tpu.memory_space<hbm>> -> memref<32x1024xf32, #tpu.memory_space<hbm>>
    %dma_wait3A_1092 = arith.constant 0 : i32
    %dma_wait3A_1093 = arith.constant 0 : i32
    %dma_wait3A_1094 = tpu.memref_slice %arg4[%dma_wait3A_1077, %dma_wait3A_1092, %dma_wait3A_1093] : memref<3x32x1024xf32, #tpu.memory_space<vmem>> -> memref<1x32x1024xf32, #tpu.memory_space<vmem>>
    %dma_wait3A_1095 = tpu.memref_squeeze %dma_wait3A_1094 : memref<1x32x1024xf32, #tpu.memory_space<vmem>> -> memref<32x1024xf32, #tpu.memory_space<vmem>>
    tpu.wait_dma2 semaphore(%dma_wait3A_1088 : memref<!tpu.dma_semaphore, #tpu.memory_space<semaphore_mem>>) src(%dma_wait3A_1095 : memref<32x1024xf32, #tpu.memory_space<vmem>>) dst(%dma_wait3A_1091 : memref<32x1024xf32, #tpu.memory_space<hbm>>)
    %add3A_1096 = arith.constant 128 : i32
    %add3A_1097 = arith.addi %mul3A_2, %add3A_1096 : i32
    %dma_wait3A_1098 = arith.constant 1 : i32
    %dma_wait3A_1099 = arith.constant 1 : i32
    %dma_wait3A_1100 = arith.constant 1 : i32
    %dma_wait3A_1101 = arith.constant 0 : i32
    %dma_wait3A_1102 = arith.constant 0 : i32
    %dma_wait3A_1103 = tpu.memref_slice %arg4[%dma_wait3A_1098, %dma_wait3A_1101, %dma_wait3A_1102] : memref<3x32x1024xf32, #tpu.memory_space<vmem>> -> memref<1x32x1024xf32, #tpu.memory_space<vmem>>
    %dma_wait3A_1104 = tpu.memref_squeeze %dma_wait3A_1103 : memref<1x32x1024xf32, #tpu.memory_space<vmem>> -> memref<32x1024xf32, #tpu.memory_space<vmem>>
    %dma_wait3A_1105 = arith.constant 0 : i32
    %dma_wait3A_1106 = tpu.memref_slice %arg3[%dma_wait3A_1099, %add3A_1097, %dma_wait3A_1105] : memref<4x8192x1024xf32, #tpu.memory_space<hbm>> -> memref<1x32x1024xf32, #tpu.memory_space<hbm>>
    %dma_wait3A_1107 = tpu.memref_squeeze %dma_wait3A_1106 : memref<1x32x1024xf32, #tpu.memory_space<hbm>> -> memref<32x1024xf32, #tpu.memory_space<hbm>>
    %dma_wait3A_1108 = tpu.memref_slice %arg6[%dma_wait3A_1100] : memref<3x!tpu.dma_semaphore, #tpu.memory_space<semaphore_mem>> -> memref<1x!tpu.dma_semaphore, #tpu.memory_space<semaphore_mem>>
    %dma_wait3A_1109 = tpu.memref_squeeze %dma_wait3A_1108 : memref<1x!tpu.dma_semaphore, #tpu.memory_space<semaphore_mem>> -> memref<!tpu.dma_semaphore, #tpu.memory_space<semaphore_mem>>
    %dma_wait3A_1110 = arith.constant 0 : i32
    %dma_wait3A_1111 = tpu.memref_slice %arg3[%dma_wait3A_1099, %add3A_1097, %dma_wait3A_1110] : memref<4x8192x1024xf32, #tpu.memory_space<hbm>> -> memref<1x32x1024xf32, #tpu.memory_space<hbm>>
    %dma_wait3A_1112 = tpu.memref_squeeze %dma_wait3A_1111 : memref<1x32x1024xf32, #tpu.memory_space<hbm>> -> memref<32x1024xf32, #tpu.memory_space<hbm>>
    %dma_wait3A_1113 = arith.constant 0 : i32
    %dma_wait3A_1114 = arith.constant 0 : i32
    %dma_wait3A_1115 = tpu.memref_slice %arg4[%dma_wait3A_1098, %dma_wait3A_1113, %dma_wait3A_1114] : memref<3x32x1024xf32, #tpu.memory_space<vmem>> -> memref<1x32x1024xf32, #tpu.memory_space<vmem>>
    %dma_wait3A_1116 = tpu.memref_squeeze %dma_wait3A_1115 : memref<1x32x1024xf32, #tpu.memory_space<vmem>> -> memref<32x1024xf32, #tpu.memory_space<vmem>>
    tpu.wait_dma2 semaphore(%dma_wait3A_1109 : memref<!tpu.dma_semaphore, #tpu.memory_space<semaphore_mem>>) src(%dma_wait3A_1116 : memref<32x1024xf32, #tpu.memory_space<vmem>>) dst(%dma_wait3A_1112 : memref<32x1024xf32, #tpu.memory_space<hbm>>)
    %add3A_1117 = arith.constant 128 : i32
    %add3A_1118 = arith.addi %mul3A_2, %add3A_1117 : i32
    %dma_wait3A_1119 = arith.constant 1 : i32
    %dma_wait3A_1120 = arith.constant 2 : i32
    %dma_wait3A_1121 = arith.constant 1 : i32
    %dma_wait3A_1122 = arith.constant 0 : i32
    %dma_wait3A_1123 = arith.constant 0 : i32
    %dma_wait3A_1124 = tpu.memref_slice %arg4[%dma_wait3A_1119, %dma_wait3A_1122, %dma_wait3A_1123] : memref<3x32x1024xf32, #tpu.memory_space<vmem>> -> memref<1x32x1024xf32, #tpu.memory_space<vmem>>
    %dma_wait3A_1125 = tpu.memref_squeeze %dma_wait3A_1124 : memref<1x32x1024xf32, #tpu.memory_space<vmem>> -> memref<32x1024xf32, #tpu.memory_space<vmem>>
    %dma_wait3A_1126 = arith.constant 0 : i32
    %dma_wait3A_1127 = tpu.memref_slice %arg3[%dma_wait3A_1120, %add3A_1118, %dma_wait3A_1126] : memref<4x8192x1024xf32, #tpu.memory_space<hbm>> -> memref<1x32x1024xf32, #tpu.memory_space<hbm>>
    %dma_wait3A_1128 = tpu.memref_squeeze %dma_wait3A_1127 : memref<1x32x1024xf32, #tpu.memory_space<hbm>> -> memref<32x1024xf32, #tpu.memory_space<hbm>>
    %dma_wait3A_1129 = tpu.memref_slice %arg6[%dma_wait3A_1121] : memref<3x!tpu.dma_semaphore, #tpu.memory_space<semaphore_mem>> -> memref<1x!tpu.dma_semaphore, #tpu.memory_space<semaphore_mem>>
    %dma_wait3A_1130 = tpu.memref_squeeze %dma_wait3A_1129 : memref<1x!tpu.dma_semaphore, #tpu.memory_space<semaphore_mem>> -> memref<!tpu.dma_semaphore, #tpu.memory_space<semaphore_mem>>
    %dma_wait3A_1131 = arith.constant 0 : i32
    %dma_wait3A_1132 = tpu.memref_slice %arg3[%dma_wait3A_1120, %add3A_1118, %dma_wait3A_1131] : memref<4x8192x1024xf32, #tpu.memory_space<hbm>> -> memref<1x32x1024xf32, #tpu.memory_space<hbm>>
    %dma_wait3A_1133 = tpu.memref_squeeze %dma_wait3A_1132 : memref<1x32x1024xf32, #tpu.memory_space<hbm>> -> memref<32x1024xf32, #tpu.memory_space<hbm>>
    %dma_wait3A_1134 = arith.constant 0 : i32
    %dma_wait3A_1135 = arith.constant 0 : i32
    %dma_wait3A_1136 = tpu.memref_slice %arg4[%dma_wait3A_1119, %dma_wait3A_1134, %dma_wait3A_1135] : memref<3x32x1024xf32, #tpu.memory_space<vmem>> -> memref<1x32x1024xf32, #tpu.memory_space<vmem>>
    %dma_wait3A_1137 = tpu.memref_squeeze %dma_wait3A_1136 : memref<1x32x1024xf32, #tpu.memory_space<vmem>> -> memref<32x1024xf32, #tpu.memory_space<vmem>>
    tpu.wait_dma2 semaphore(%dma_wait3A_1130 : memref<!tpu.dma_semaphore, #tpu.memory_space<semaphore_mem>>) src(%dma_wait3A_1137 : memref<32x1024xf32, #tpu.memory_space<vmem>>) dst(%dma_wait3A_1133 : memref<32x1024xf32, #tpu.memory_space<hbm>>)
    %add3A_1138 = arith.constant 128 : i32
    %add3A_1139 = arith.addi %mul3A_2, %add3A_1138 : i32
    %dma_wait3A_1140 = arith.constant 1 : i32
    %dma_wait3A_1141 = arith.constant 3 : i32
    %dma_wait3A_1142 = arith.constant 1 : i32
    %dma_wait3A_1143 = arith.constant 0 : i32
    %dma_wait3A_1144 = arith.constant 0 : i32
    %dma_wait3A_1145 = tpu.memref_slice %arg4[%dma_wait3A_1140, %dma_wait3A_1143, %dma_wait3A_1144] : memref<3x32x1024xf32, #tpu.memory_space<vmem>> -> memref<1x32x1024xf32, #tpu.memory_space<vmem>>
    %dma_wait3A_1146 = tpu.memref_squeeze %dma_wait3A_1145 : memref<1x32x1024xf32, #tpu.memory_space<vmem>> -> memref<32x1024xf32, #tpu.memory_space<vmem>>
    %dma_wait3A_1147 = arith.constant 0 : i32
    %dma_wait3A_1148 = tpu.memref_slice %arg3[%dma_wait3A_1141, %add3A_1139, %dma_wait3A_1147] : memref<4x8192x1024xf32, #tpu.memory_space<hbm>> -> memref<1x32x1024xf32, #tpu.memory_space<hbm>>
    %dma_wait3A_1149 = tpu.memref_squeeze %dma_wait3A_1148 : memref<1x32x1024xf32, #tpu.memory_space<hbm>> -> memref<32x1024xf32, #tpu.memory_space<hbm>>
    %dma_wait3A_1150 = tpu.memref_slice %arg6[%dma_wait3A_1142] : memref<3x!tpu.dma_semaphore, #tpu.memory_space<semaphore_mem>> -> memref<1x!tpu.dma_semaphore, #tpu.memory_space<semaphore_mem>>
    %dma_wait3A_1151 = tpu.memref_squeeze %dma_wait3A_1150 : memref<1x!tpu.dma_semaphore, #tpu.memory_space<semaphore_mem>> -> memref<!tpu.dma_semaphore, #tpu.memory_space<semaphore_mem>>
    %dma_wait3A_1152 = arith.constant 0 : i32
    %dma_wait3A_1153 = tpu.memref_slice %arg3[%dma_wait3A_1141, %add3A_1139, %dma_wait3A_1152] : memref<4x8192x1024xf32, #tpu.memory_space<hbm>> -> memref<1x32x1024xf32, #tpu.memory_space<hbm>>
    %dma_wait3A_1154 = tpu.memref_squeeze %dma_wait3A_1153 : memref<1x32x1024xf32, #tpu.memory_space<hbm>> -> memref<32x1024xf32, #tpu.memory_space<hbm>>
    %dma_wait3A_1155 = arith.constant 0 : i32
    %dma_wait3A_1156 = arith.constant 0 : i32
    %dma_wait3A_1157 = tpu.memref_slice %arg4[%dma_wait3A_1140, %dma_wait3A_1155, %dma_wait3A_1156] : memref<3x32x1024xf32, #tpu.memory_space<vmem>> -> memref<1x32x1024xf32, #tpu.memory_space<vmem>>
    %dma_wait3A_1158 = tpu.memref_squeeze %dma_wait3A_1157 : memref<1x32x1024xf32, #tpu.memory_space<vmem>> -> memref<32x1024xf32, #tpu.memory_space<vmem>>
    tpu.wait_dma2 semaphore(%dma_wait3A_1151 : memref<!tpu.dma_semaphore, #tpu.memory_space<semaphore_mem>>) src(%dma_wait3A_1158 : memref<32x1024xf32, #tpu.memory_space<vmem>>) dst(%dma_wait3A_1154 : memref<32x1024xf32, #tpu.memory_space<hbm>>)
    %add3A_1159 = arith.constant 224 : i32
    %add3A_1160 = arith.addi %mul3A_2, %add3A_1159 : i32
    %dma_start3A_1161 = arith.constant 1 : i32
    %dma_start3A_1162 = arith.constant 1 : i32
    %dma_start3A_1163 = arith.constant 0 : i32
    %dma_start3A_1164 = arith.constant 0 : i32
    %dma_start3A_1165 = tpu.memref_slice %arg4[%dma_start3A_1161, %dma_start3A_1163, %dma_start3A_1164] : memref<3x32x1024xf32, #tpu.memory_space<vmem>> -> memref<1x32x1024xf32, #tpu.memory_space<vmem>>
    %dma_start3A_1166 = tpu.memref_squeeze %dma_start3A_1165 : memref<1x32x1024xf32, #tpu.memory_space<vmem>> -> memref<32x1024xf32, #tpu.memory_space<vmem>>
    %dma_start3A_1167 = arith.constant 0 : i32
    %dma_start3A_1168 = tpu.memref_slice %arg2[%add3A_1160, %dma_start3A_1167] : memref<8192x1024xf32, #tpu.memory_space<hbm>> -> memref<32x1024xf32, #tpu.memory_space<hbm>>
    %dma_start3A_1169 = tpu.memref_slice %arg5[%dma_start3A_1162] : memref<3x!tpu.dma_semaphore, #tpu.memory_space<semaphore_mem>> -> memref<1x!tpu.dma_semaphore, #tpu.memory_space<semaphore_mem>>
    %dma_start3A_1170 = tpu.memref_squeeze %dma_start3A_1169 : memref<1x!tpu.dma_semaphore, #tpu.memory_space<semaphore_mem>> -> memref<!tpu.dma_semaphore, #tpu.memory_space<semaphore_mem>>
    %dma_start3A_1171 = arith.constant 0 : i32
    %dma_start3A_1172 = arith.constant 0 : i32
    %dma_start3A_1173 = tpu.memref_slice %arg4[%dma_start3A_1161, %dma_start3A_1171, %dma_start3A_1172] : memref<3x32x1024xf32, #tpu.memory_space<vmem>> -> memref<1x32x1024xf32, #tpu.memory_space<vmem>>
    %dma_start3A_1174 = tpu.memref_squeeze %dma_start3A_1173 : memref<1x32x1024xf32, #tpu.memory_space<vmem>> -> memref<32x1024xf32, #tpu.memory_space<vmem>>
    %dma_start3A_1175 = arith.constant 0 : i32
    %dma_start3A_1176 = tpu.memref_slice %arg2[%add3A_1160, %dma_start3A_1175] : memref<8192x1024xf32, #tpu.memory_space<hbm>> -> memref<32x1024xf32, #tpu.memory_space<hbm>>
    tpu.enqueue_dma source(%dma_start3A_1176 : memref<32x1024xf32, #tpu.memory_space<hbm>>) target(%dma_start3A_1174 : memref<32x1024xf32, #tpu.memory_space<vmem>>) target_semaphore(%dma_start3A_1170 : memref<!tpu.dma_semaphore, #tpu.memory_space<semaphore_mem>>)
    %add3A_1177 = arith.constant 192 : i32
    %add3A_1178 = arith.addi %mul3A_2, %add3A_1177 : i32
    %dma_wait3A_1179 = arith.constant 0 : i32
    %dma_wait3A_1180 = arith.constant 0 : i32
    %dma_wait3A_1181 = arith.constant 0 : i32
    %dma_wait3A_1182 = arith.constant 0 : i32
    %dma_wait3A_1183 = tpu.memref_slice %arg4[%dma_wait3A_1179, %dma_wait3A_1181, %dma_wait3A_1182] : memref<3x32x1024xf32, #tpu.memory_space<vmem>> -> memref<1x32x1024xf32, #tpu.memory_space<vmem>>
    %dma_wait3A_1184 = tpu.memref_squeeze %dma_wait3A_1183 : memref<1x32x1024xf32, #tpu.memory_space<vmem>> -> memref<32x1024xf32, #tpu.memory_space<vmem>>
    %dma_wait3A_1185 = arith.constant 0 : i32
    %dma_wait3A_1186 = tpu.memref_slice %arg2[%add3A_1178, %dma_wait3A_1185] : memref<8192x1024xf32, #tpu.memory_space<hbm>> -> memref<32x1024xf32, #tpu.memory_space<hbm>>
    %dma_wait3A_1187 = tpu.memref_slice %arg5[%dma_wait3A_1180] : memref<3x!tpu.dma_semaphore, #tpu.memory_space<semaphore_mem>> -> memref<1x!tpu.dma_semaphore, #tpu.memory_space<semaphore_mem>>
    %dma_wait3A_1188 = tpu.memref_squeeze %dma_wait3A_1187 : memref<1x!tpu.dma_semaphore, #tpu.memory_space<semaphore_mem>> -> memref<!tpu.dma_semaphore, #tpu.memory_space<semaphore_mem>>
    %dma_wait3A_1189 = arith.constant 0 : i32
    %dma_wait3A_1190 = arith.constant 0 : i32
    %dma_wait3A_1191 = tpu.memref_slice %arg4[%dma_wait3A_1179, %dma_wait3A_1189, %dma_wait3A_1190] : memref<3x32x1024xf32, #tpu.memory_space<vmem>> -> memref<1x32x1024xf32, #tpu.memory_space<vmem>>
    %dma_wait3A_1192 = tpu.memref_squeeze %dma_wait3A_1191 : memref<1x32x1024xf32, #tpu.memory_space<vmem>> -> memref<32x1024xf32, #tpu.memory_space<vmem>>
    %dma_wait3A_1193 = arith.constant 0 : i32
    %dma_wait3A_1194 = tpu.memref_slice %arg2[%add3A_1178, %dma_wait3A_1193] : memref<8192x1024xf32, #tpu.memory_space<hbm>> -> memref<32x1024xf32, #tpu.memory_space<hbm>>
    tpu.wait_dma2 semaphore(%dma_wait3A_1188 : memref<!tpu.dma_semaphore, #tpu.memory_space<semaphore_mem>>) src(%dma_wait3A_1194 : memref<32x1024xf32, #tpu.memory_space<hbm>>) dst(%dma_wait3A_1192 : memref<32x1024xf32, #tpu.memory_space<vmem>>)
    %add3A_1195 = arith.constant 192 : i32
    %add3A_1196 = arith.addi %mul3A_2, %add3A_1195 : i32
    %dma_start3A_1197 = arith.constant 0 : i32
    %dma_start3A_1198 = arith.constant 0 : i32
    %dma_start3A_1199 = arith.constant 0 : i32
    %dma_start3A_1200 = arith.constant 0 : i32
    %dma_start3A_1201 = arith.constant 0 : i32
    %dma_start3A_1202 = tpu.memref_slice %arg4[%dma_start3A_1197, %dma_start3A_1200, %dma_start3A_1201] : memref<3x32x1024xf32, #tpu.memory_space<vmem>> -> memref<1x32x1024xf32, #tpu.memory_space<vmem>>
    %dma_start3A_1203 = tpu.memref_squeeze %dma_start3A_1202 : memref<1x32x1024xf32, #tpu.memory_space<vmem>> -> memref<32x1024xf32, #tpu.memory_space<vmem>>
    %dma_start3A_1204 = arith.constant 0 : i32
    %dma_start3A_1205 = tpu.memref_slice %arg3[%dma_start3A_1198, %add3A_1196, %dma_start3A_1204] : memref<4x8192x1024xf32, #tpu.memory_space<hbm>> -> memref<1x32x1024xf32, #tpu.memory_space<hbm>>
    %dma_start3A_1206 = tpu.memref_squeeze %dma_start3A_1205 : memref<1x32x1024xf32, #tpu.memory_space<hbm>> -> memref<32x1024xf32, #tpu.memory_space<hbm>>
    %dma_start3A_1207 = tpu.memref_slice %arg6[%dma_start3A_1199] : memref<3x!tpu.dma_semaphore, #tpu.memory_space<semaphore_mem>> -> memref<1x!tpu.dma_semaphore, #tpu.memory_space<semaphore_mem>>
    %dma_start3A_1208 = tpu.memref_squeeze %dma_start3A_1207 : memref<1x!tpu.dma_semaphore, #tpu.memory_space<semaphore_mem>> -> memref<!tpu.dma_semaphore, #tpu.memory_space<semaphore_mem>>
    %dma_start3A_1209 = arith.constant 0 : i32
    %dma_start3A_1210 = tpu.memref_slice %arg3[%dma_start3A_1198, %add3A_1196, %dma_start3A_1209] : memref<4x8192x1024xf32, #tpu.memory_space<hbm>> -> memref<1x32x1024xf32, #tpu.memory_space<hbm>>
    %dma_start3A_1211 = tpu.memref_squeeze %dma_start3A_1210 : memref<1x32x1024xf32, #tpu.memory_space<hbm>> -> memref<32x1024xf32, #tpu.memory_space<hbm>>
    %dma_start3A_1212 = arith.constant 0 : i32
    %dma_start3A_1213 = arith.constant 0 : i32
    %dma_start3A_1214 = tpu.memref_slice %arg4[%dma_start3A_1197, %dma_start3A_1212, %dma_start3A_1213] : memref<3x32x1024xf32, #tpu.memory_space<vmem>> -> memref<1x32x1024xf32, #tpu.memory_space<vmem>>
    %dma_start3A_1215 = tpu.memref_squeeze %dma_start3A_1214 : memref<1x32x1024xf32, #tpu.memory_space<vmem>> -> memref<32x1024xf32, #tpu.memory_space<vmem>>
    tpu.enqueue_dma source(%dma_start3A_1215 : memref<32x1024xf32, #tpu.memory_space<vmem>>) target(%dma_start3A_1211 : memref<32x1024xf32, #tpu.memory_space<hbm>>) target_semaphore(%dma_start3A_1208 : memref<!tpu.dma_semaphore, #tpu.memory_space<semaphore_mem>>)
    %add3A_1216 = arith.constant 192 : i32
    %add3A_1217 = arith.addi %mul3A_2, %add3A_1216 : i32
    %dma_start3A_1218 = arith.constant 0 : i32
    %dma_start3A_1219 = arith.constant 1 : i32
    %dma_start3A_1220 = arith.constant 0 : i32
    %dma_start3A_1221 = arith.constant 0 : i32
    %dma_start3A_1222 = arith.constant 0 : i32
    %dma_start3A_1223 = tpu.memref_slice %arg4[%dma_start3A_1218, %dma_start3A_1221, %dma_start3A_1222] : memref<3x32x1024xf32, #tpu.memory_space<vmem>> -> memref<1x32x1024xf32, #tpu.memory_space<vmem>>
    %dma_start3A_1224 = tpu.memref_squeeze %dma_start3A_1223 : memref<1x32x1024xf32, #tpu.memory_space<vmem>> -> memref<32x1024xf32, #tpu.memory_space<vmem>>
    %dma_start3A_1225 = arith.constant 0 : i32
    %dma_start3A_1226 = tpu.memref_slice %arg3[%dma_start3A_1219, %add3A_1217, %dma_start3A_1225] : memref<4x8192x1024xf32, #tpu.memory_space<hbm>> -> memref<1x32x1024xf32, #tpu.memory_space<hbm>>
    %dma_start3A_1227 = tpu.memref_squeeze %dma_start3A_1226 : memref<1x32x1024xf32, #tpu.memory_space<hbm>> -> memref<32x1024xf32, #tpu.memory_space<hbm>>
    %dma_start3A_1228 = tpu.memref_slice %arg6[%dma_start3A_1220] : memref<3x!tpu.dma_semaphore, #tpu.memory_space<semaphore_mem>> -> memref<1x!tpu.dma_semaphore, #tpu.memory_space<semaphore_mem>>
    %dma_start3A_1229 = tpu.memref_squeeze %dma_start3A_1228 : memref<1x!tpu.dma_semaphore, #tpu.memory_space<semaphore_mem>> -> memref<!tpu.dma_semaphore, #tpu.memory_space<semaphore_mem>>
    %dma_start3A_1230 = arith.constant 0 : i32
    %dma_start3A_1231 = tpu.memref_slice %arg3[%dma_start3A_1219, %add3A_1217, %dma_start3A_1230] : memref<4x8192x1024xf32, #tpu.memory_space<hbm>> -> memref<1x32x1024xf32, #tpu.memory_space<hbm>>
    %dma_start3A_1232 = tpu.memref_squeeze %dma_start3A_1231 : memref<1x32x1024xf32, #tpu.memory_space<hbm>> -> memref<32x1024xf32, #tpu.memory_space<hbm>>
    %dma_start3A_1233 = arith.constant 0 : i32
    %dma_start3A_1234 = arith.constant 0 : i32
    %dma_start3A_1235 = tpu.memref_slice %arg4[%dma_start3A_1218, %dma_start3A_1233, %dma_start3A_1234] : memref<3x32x1024xf32, #tpu.memory_space<vmem>> -> memref<1x32x1024xf32, #tpu.memory_space<vmem>>
    %dma_start3A_1236 = tpu.memref_squeeze %dma_start3A_1235 : memref<1x32x1024xf32, #tpu.memory_space<vmem>> -> memref<32x1024xf32, #tpu.memory_space<vmem>>
    tpu.enqueue_dma source(%dma_start3A_1236 : memref<32x1024xf32, #tpu.memory_space<vmem>>) target(%dma_start3A_1232 : memref<32x1024xf32, #tpu.memory_space<hbm>>) target_semaphore(%dma_start3A_1229 : memref<!tpu.dma_semaphore, #tpu.memory_space<semaphore_mem>>)
    %add3A_1237 = arith.constant 192 : i32
    %add3A_1238 = arith.addi %mul3A_2, %add3A_1237 : i32
    %dma_start3A_1239 = arith.constant 0 : i32
    %dma_start3A_1240 = arith.constant 2 : i32
    %dma_start3A_1241 = arith.constant 0 : i32
    %dma_start3A_1242 = arith.constant 0 : i32
    %dma_start3A_1243 = arith.constant 0 : i32
    %dma_start3A_1244 = tpu.memref_slice %arg4[%dma_start3A_1239, %dma_start3A_1242, %dma_start3A_1243] : memref<3x32x1024xf32, #tpu.memory_space<vmem>> -> memref<1x32x1024xf32, #tpu.memory_space<vmem>>
    %dma_start3A_1245 = tpu.memref_squeeze %dma_start3A_1244 : memref<1x32x1024xf32, #tpu.memory_space<vmem>> -> memref<32x1024xf32, #tpu.memory_space<vmem>>
    %dma_start3A_1246 = arith.constant 0 : i32
    %dma_start3A_1247 = tpu.memref_slice %arg3[%dma_start3A_1240, %add3A_1238, %dma_start3A_1246] : memref<4x8192x1024xf32, #tpu.memory_space<hbm>> -> memref<1x32x1024xf32, #tpu.memory_space<hbm>>
    %dma_start3A_1248 = tpu.memref_squeeze %dma_start3A_1247 : memref<1x32x1024xf32, #tpu.memory_space<hbm>> -> memref<32x1024xf32, #tpu.memory_space<hbm>>
    %dma_start3A_1249 = tpu.memref_slice %arg6[%dma_start3A_1241] : memref<3x!tpu.dma_semaphore, #tpu.memory_space<semaphore_mem>> -> memref<1x!tpu.dma_semaphore, #tpu.memory_space<semaphore_mem>>
    %dma_start3A_1250 = tpu.memref_squeeze %dma_start3A_1249 : memref<1x!tpu.dma_semaphore, #tpu.memory_space<semaphore_mem>> -> memref<!tpu.dma_semaphore, #tpu.memory_space<semaphore_mem>>
    %dma_start3A_1251 = arith.constant 0 : i32
    %dma_start3A_1252 = tpu.memref_slice %arg3[%dma_start3A_1240, %add3A_1238, %dma_start3A_1251] : memref<4x8192x1024xf32, #tpu.memory_space<hbm>> -> memref<1x32x1024xf32, #tpu.memory_space<hbm>>
    %dma_start3A_1253 = tpu.memref_squeeze %dma_start3A_1252 : memref<1x32x1024xf32, #tpu.memory_space<hbm>> -> memref<32x1024xf32, #tpu.memory_space<hbm>>
    %dma_start3A_1254 = arith.constant 0 : i32
    %dma_start3A_1255 = arith.constant 0 : i32
    %dma_start3A_1256 = tpu.memref_slice %arg4[%dma_start3A_1239, %dma_start3A_1254, %dma_start3A_1255] : memref<3x32x1024xf32, #tpu.memory_space<vmem>> -> memref<1x32x1024xf32, #tpu.memory_space<vmem>>
    %dma_start3A_1257 = tpu.memref_squeeze %dma_start3A_1256 : memref<1x32x1024xf32, #tpu.memory_space<vmem>> -> memref<32x1024xf32, #tpu.memory_space<vmem>>
    tpu.enqueue_dma source(%dma_start3A_1257 : memref<32x1024xf32, #tpu.memory_space<vmem>>) target(%dma_start3A_1253 : memref<32x1024xf32, #tpu.memory_space<hbm>>) target_semaphore(%dma_start3A_1250 : memref<!tpu.dma_semaphore, #tpu.memory_space<semaphore_mem>>)
    %add3A_1258 = arith.constant 192 : i32
    %add3A_1259 = arith.addi %mul3A_2, %add3A_1258 : i32
    %dma_start3A_1260 = arith.constant 0 : i32
    %dma_start3A_1261 = arith.constant 3 : i32
    %dma_start3A_1262 = arith.constant 0 : i32
    %dma_start3A_1263 = arith.constant 0 : i32
    %dma_start3A_1264 = arith.constant 0 : i32
    %dma_start3A_1265 = tpu.memref_slice %arg4[%dma_start3A_1260, %dma_start3A_1263, %dma_start3A_1264] : memref<3x32x1024xf32, #tpu.memory_space<vmem>> -> memref<1x32x1024xf32, #tpu.memory_space<vmem>>
    %dma_start3A_1266 = tpu.memref_squeeze %dma_start3A_1265 : memref<1x32x1024xf32, #tpu.memory_space<vmem>> -> memref<32x1024xf32, #tpu.memory_space<vmem>>
    %dma_start3A_1267 = arith.constant 0 : i32
    %dma_start3A_1268 = tpu.memref_slice %arg3[%dma_start3A_1261, %add3A_1259, %dma_start3A_1267] : memref<4x8192x1024xf32, #tpu.memory_space<hbm>> -> memref<1x32x1024xf32, #tpu.memory_space<hbm>>
    %dma_start3A_1269 = tpu.memref_squeeze %dma_start3A_1268 : memref<1x32x1024xf32, #tpu.memory_space<hbm>> -> memref<32x1024xf32, #tpu.memory_space<hbm>>
    %dma_start3A_1270 = tpu.memref_slice %arg6[%dma_start3A_1262] : memref<3x!tpu.dma_semaphore, #tpu.memory_space<semaphore_mem>> -> memref<1x!tpu.dma_semaphore, #tpu.memory_space<semaphore_mem>>
    %dma_start3A_1271 = tpu.memref_squeeze %dma_start3A_1270 : memref<1x!tpu.dma_semaphore, #tpu.memory_space<semaphore_mem>> -> memref<!tpu.dma_semaphore, #tpu.memory_space<semaphore_mem>>
    %dma_start3A_1272 = arith.constant 0 : i32
    %dma_start3A_1273 = tpu.memref_slice %arg3[%dma_start3A_1261, %add3A_1259, %dma_start3A_1272] : memref<4x8192x1024xf32, #tpu.memory_space<hbm>> -> memref<1x32x1024xf32, #tpu.memory_space<hbm>>
    %dma_start3A_1274 = tpu.memref_squeeze %dma_start3A_1273 : memref<1x32x1024xf32, #tpu.memory_space<hbm>> -> memref<32x1024xf32, #tpu.memory_space<hbm>>
    %dma_start3A_1275 = arith.constant 0 : i32
    %dma_start3A_1276 = arith.constant 0 : i32
    %dma_start3A_1277 = tpu.memref_slice %arg4[%dma_start3A_1260, %dma_start3A_1275, %dma_start3A_1276] : memref<3x32x1024xf32, #tpu.memory_space<vmem>> -> memref<1x32x1024xf32, #tpu.memory_space<vmem>>
    %dma_start3A_1278 = tpu.memref_squeeze %dma_start3A_1277 : memref<1x32x1024xf32, #tpu.memory_space<vmem>> -> memref<32x1024xf32, #tpu.memory_space<vmem>>
    tpu.enqueue_dma source(%dma_start3A_1278 : memref<32x1024xf32, #tpu.memory_space<vmem>>) target(%dma_start3A_1274 : memref<32x1024xf32, #tpu.memory_space<hbm>>) target_semaphore(%dma_start3A_1271 : memref<!tpu.dma_semaphore, #tpu.memory_space<semaphore_mem>>)
    %add3A_1279 = arith.constant 160 : i32
    %add3A_1280 = arith.addi %mul3A_2, %add3A_1279 : i32
    %dma_wait3A_1281 = arith.constant 2 : i32
    %dma_wait3A_1282 = arith.constant 0 : i32
    %dma_wait3A_1283 = arith.constant 2 : i32
    %dma_wait3A_1284 = arith.constant 0 : i32
    %dma_wait3A_1285 = arith.constant 0 : i32
    %dma_wait3A_1286 = tpu.memref_slice %arg4[%dma_wait3A_1281, %dma_wait3A_1284, %dma_wait3A_1285] : memref<3x32x1024xf32, #tpu.memory_space<vmem>> -> memref<1x32x1024xf32, #tpu.memory_space<vmem>>
    %dma_wait3A_1287 = tpu.memref_squeeze %dma_wait3A_1286 : memref<1x32x1024xf32, #tpu.memory_space<vmem>> -> memref<32x1024xf32, #tpu.memory_space<vmem>>
    %dma_wait3A_1288 = arith.constant 0 : i32
    %dma_wait3A_1289 = tpu.memref_slice %arg3[%dma_wait3A_1282, %add3A_1280, %dma_wait3A_1288] : memref<4x8192x1024xf32, #tpu.memory_space<hbm>> -> memref<1x32x1024xf32, #tpu.memory_space<hbm>>
    %dma_wait3A_1290 = tpu.memref_squeeze %dma_wait3A_1289 : memref<1x32x1024xf32, #tpu.memory_space<hbm>> -> memref<32x1024xf32, #tpu.memory_space<hbm>>
    %dma_wait3A_1291 = tpu.memref_slice %arg6[%dma_wait3A_1283] : memref<3x!tpu.dma_semaphore, #tpu.memory_space<semaphore_mem>> -> memref<1x!tpu.dma_semaphore, #tpu.memory_space<semaphore_mem>>
    %dma_wait3A_1292 = tpu.memref_squeeze %dma_wait3A_1291 : memref<1x!tpu.dma_semaphore, #tpu.memory_space<semaphore_mem>> -> memref<!tpu.dma_semaphore, #tpu.memory_space<semaphore_mem>>
    %dma_wait3A_1293 = arith.constant 0 : i32
    %dma_wait3A_1294 = tpu.memref_slice %arg3[%dma_wait3A_1282, %add3A_1280, %dma_wait3A_1293] : memref<4x8192x1024xf32, #tpu.memory_space<hbm>> -> memref<1x32x1024xf32, #tpu.memory_space<hbm>>
    %dma_wait3A_1295 = tpu.memref_squeeze %dma_wait3A_1294 : memref<1x32x1024xf32, #tpu.memory_space<hbm>> -> memref<32x1024xf32, #tpu.memory_space<hbm>>
    %dma_wait3A_1296 = arith.constant 0 : i32
    %dma_wait3A_1297 = arith.constant 0 : i32
    %dma_wait3A_1298 = tpu.memref_slice %arg4[%dma_wait3A_1281, %dma_wait3A_1296, %dma_wait3A_1297] : memref<3x32x1024xf32, #tpu.memory_space<vmem>> -> memref<1x32x1024xf32, #tpu.memory_space<vmem>>
    %dma_wait3A_1299 = tpu.memref_squeeze %dma_wait3A_1298 : memref<1x32x1024xf32, #tpu.memory_space<vmem>> -> memref<32x1024xf32, #tpu.memory_space<vmem>>
    tpu.wait_dma2 semaphore(%dma_wait3A_1292 : memref<!tpu.dma_semaphore, #tpu.memory_space<semaphore_mem>>) src(%dma_wait3A_1299 : memref<32x1024xf32, #tpu.memory_space<vmem>>) dst(%dma_wait3A_1295 : memref<32x1024xf32, #tpu.memory_space<hbm>>)
    %add3A_1300 = arith.constant 160 : i32
    %add3A_1301 = arith.addi %mul3A_2, %add3A_1300 : i32
    %dma_wait3A_1302 = arith.constant 2 : i32
    %dma_wait3A_1303 = arith.constant 1 : i32
    %dma_wait3A_1304 = arith.constant 2 : i32
    %dma_wait3A_1305 = arith.constant 0 : i32
    %dma_wait3A_1306 = arith.constant 0 : i32
    %dma_wait3A_1307 = tpu.memref_slice %arg4[%dma_wait3A_1302, %dma_wait3A_1305, %dma_wait3A_1306] : memref<3x32x1024xf32, #tpu.memory_space<vmem>> -> memref<1x32x1024xf32, #tpu.memory_space<vmem>>
    %dma_wait3A_1308 = tpu.memref_squeeze %dma_wait3A_1307 : memref<1x32x1024xf32, #tpu.memory_space<vmem>> -> memref<32x1024xf32, #tpu.memory_space<vmem>>
    %dma_wait3A_1309 = arith.constant 0 : i32
    %dma_wait3A_1310 = tpu.memref_slice %arg3[%dma_wait3A_1303, %add3A_1301, %dma_wait3A_1309] : memref<4x8192x1024xf32, #tpu.memory_space<hbm>> -> memref<1x32x1024xf32, #tpu.memory_space<hbm>>
    %dma_wait3A_1311 = tpu.memref_squeeze %dma_wait3A_1310 : memref<1x32x1024xf32, #tpu.memory_space<hbm>> -> memref<32x1024xf32, #tpu.memory_space<hbm>>
    %dma_wait3A_1312 = tpu.memref_slice %arg6[%dma_wait3A_1304] : memref<3x!tpu.dma_semaphore, #tpu.memory_space<semaphore_mem>> -> memref<1x!tpu.dma_semaphore, #tpu.memory_space<semaphore_mem>>
    %dma_wait3A_1313 = tpu.memref_squeeze %dma_wait3A_1312 : memref<1x!tpu.dma_semaphore, #tpu.memory_space<semaphore_mem>> -> memref<!tpu.dma_semaphore, #tpu.memory_space<semaphore_mem>>
    %dma_wait3A_1314 = arith.constant 0 : i32
    %dma_wait3A_1315 = tpu.memref_slice %arg3[%dma_wait3A_1303, %add3A_1301, %dma_wait3A_1314] : memref<4x8192x1024xf32, #tpu.memory_space<hbm>> -> memref<1x32x1024xf32, #tpu.memory_space<hbm>>
    %dma_wait3A_1316 = tpu.memref_squeeze %dma_wait3A_1315 : memref<1x32x1024xf32, #tpu.memory_space<hbm>> -> memref<32x1024xf32, #tpu.memory_space<hbm>>
    %dma_wait3A_1317 = arith.constant 0 : i32
    %dma_wait3A_1318 = arith.constant 0 : i32
    %dma_wait3A_1319 = tpu.memref_slice %arg4[%dma_wait3A_1302, %dma_wait3A_1317, %dma_wait3A_1318] : memref<3x32x1024xf32, #tpu.memory_space<vmem>> -> memref<1x32x1024xf32, #tpu.memory_space<vmem>>
    %dma_wait3A_1320 = tpu.memref_squeeze %dma_wait3A_1319 : memref<1x32x1024xf32, #tpu.memory_space<vmem>> -> memref<32x1024xf32, #tpu.memory_space<vmem>>
    tpu.wait_dma2 semaphore(%dma_wait3A_1313 : memref<!tpu.dma_semaphore, #tpu.memory_space<semaphore_mem>>) src(%dma_wait3A_1320 : memref<32x1024xf32, #tpu.memory_space<vmem>>) dst(%dma_wait3A_1316 : memref<32x1024xf32, #tpu.memory_space<hbm>>)
    %add3A_1321 = arith.constant 160 : i32
    %add3A_1322 = arith.addi %mul3A_2, %add3A_1321 : i32
    %dma_wait3A_1323 = arith.constant 2 : i32
    %dma_wait3A_1324 = arith.constant 2 : i32
    %dma_wait3A_1325 = arith.constant 2 : i32
    %dma_wait3A_1326 = arith.constant 0 : i32
    %dma_wait3A_1327 = arith.constant 0 : i32
    %dma_wait3A_1328 = tpu.memref_slice %arg4[%dma_wait3A_1323, %dma_wait3A_1326, %dma_wait3A_1327] : memref<3x32x1024xf32, #tpu.memory_space<vmem>> -> memref<1x32x1024xf32, #tpu.memory_space<vmem>>
    %dma_wait3A_1329 = tpu.memref_squeeze %dma_wait3A_1328 : memref<1x32x1024xf32, #tpu.memory_space<vmem>> -> memref<32x1024xf32, #tpu.memory_space<vmem>>
    %dma_wait3A_1330 = arith.constant 0 : i32
    %dma_wait3A_1331 = tpu.memref_slice %arg3[%dma_wait3A_1324, %add3A_1322, %dma_wait3A_1330] : memref<4x8192x1024xf32, #tpu.memory_space<hbm>> -> memref<1x32x1024xf32, #tpu.memory_space<hbm>>
    %dma_wait3A_1332 = tpu.memref_squeeze %dma_wait3A_1331 : memref<1x32x1024xf32, #tpu.memory_space<hbm>> -> memref<32x1024xf32, #tpu.memory_space<hbm>>
    %dma_wait3A_1333 = tpu.memref_slice %arg6[%dma_wait3A_1325] : memref<3x!tpu.dma_semaphore, #tpu.memory_space<semaphore_mem>> -> memref<1x!tpu.dma_semaphore, #tpu.memory_space<semaphore_mem>>
    %dma_wait3A_1334 = tpu.memref_squeeze %dma_wait3A_1333 : memref<1x!tpu.dma_semaphore, #tpu.memory_space<semaphore_mem>> -> memref<!tpu.dma_semaphore, #tpu.memory_space<semaphore_mem>>
    %dma_wait3A_1335 = arith.constant 0 : i32
    %dma_wait3A_1336 = tpu.memref_slice %arg3[%dma_wait3A_1324, %add3A_1322, %dma_wait3A_1335] : memref<4x8192x1024xf32, #tpu.memory_space<hbm>> -> memref<1x32x1024xf32, #tpu.memory_space<hbm>>
    %dma_wait3A_1337 = tpu.memref_squeeze %dma_wait3A_1336 : memref<1x32x1024xf32, #tpu.memory_space<hbm>> -> memref<32x1024xf32, #tpu.memory_space<hbm>>
    %dma_wait3A_1338 = arith.constant 0 : i32
    %dma_wait3A_1339 = arith.constant 0 : i32
    %dma_wait3A_1340 = tpu.memref_slice %arg4[%dma_wait3A_1323, %dma_wait3A_1338, %dma_wait3A_1339] : memref<3x32x1024xf32, #tpu.memory_space<vmem>> -> memref<1x32x1024xf32, #tpu.memory_space<vmem>>
    %dma_wait3A_1341 = tpu.memref_squeeze %dma_wait3A_1340 : memref<1x32x1024xf32, #tpu.memory_space<vmem>> -> memref<32x1024xf32, #tpu.memory_space<vmem>>
    tpu.wait_dma2 semaphore(%dma_wait3A_1334 : memref<!tpu.dma_semaphore, #tpu.memory_space<semaphore_mem>>) src(%dma_wait3A_1341 : memref<32x1024xf32, #tpu.memory_space<vmem>>) dst(%dma_wait3A_1337 : memref<32x1024xf32, #tpu.memory_space<hbm>>)
    %add3A_1342 = arith.constant 160 : i32
    %add3A_1343 = arith.addi %mul3A_2, %add3A_1342 : i32
    %dma_wait3A_1344 = arith.constant 2 : i32
    %dma_wait3A_1345 = arith.constant 3 : i32
    %dma_wait3A_1346 = arith.constant 2 : i32
    %dma_wait3A_1347 = arith.constant 0 : i32
    %dma_wait3A_1348 = arith.constant 0 : i32
    %dma_wait3A_1349 = tpu.memref_slice %arg4[%dma_wait3A_1344, %dma_wait3A_1347, %dma_wait3A_1348] : memref<3x32x1024xf32, #tpu.memory_space<vmem>> -> memref<1x32x1024xf32, #tpu.memory_space<vmem>>
    %dma_wait3A_1350 = tpu.memref_squeeze %dma_wait3A_1349 : memref<1x32x1024xf32, #tpu.memory_space<vmem>> -> memref<32x1024xf32, #tpu.memory_space<vmem>>
    %dma_wait3A_1351 = arith.constant 0 : i32
    %dma_wait3A_1352 = tpu.memref_slice %arg3[%dma_wait3A_1345, %add3A_1343, %dma_wait3A_1351] : memref<4x8192x1024xf32, #tpu.memory_space<hbm>> -> memref<1x32x1024xf32, #tpu.memory_space<hbm>>
    %dma_wait3A_1353 = tpu.memref_squeeze %dma_wait3A_1352 : memref<1x32x1024xf32, #tpu.memory_space<hbm>> -> memref<32x1024xf32, #tpu.memory_space<hbm>>
    %dma_wait3A_1354 = tpu.memref_slice %arg6[%dma_wait3A_1346] : memref<3x!tpu.dma_semaphore, #tpu.memory_space<semaphore_mem>> -> memref<1x!tpu.dma_semaphore, #tpu.memory_space<semaphore_mem>>
    %dma_wait3A_1355 = tpu.memref_squeeze %dma_wait3A_1354 : memref<1x!tpu.dma_semaphore, #tpu.memory_space<semaphore_mem>> -> memref<!tpu.dma_semaphore, #tpu.memory_space<semaphore_mem>>
    %dma_wait3A_1356 = arith.constant 0 : i32
    %dma_wait3A_1357 = tpu.memref_slice %arg3[%dma_wait3A_1345, %add3A_1343, %dma_wait3A_1356] : memref<4x8192x1024xf32, #tpu.memory_space<hbm>> -> memref<1x32x1024xf32, #tpu.memory_space<hbm>>
    %dma_wait3A_1358 = tpu.memref_squeeze %dma_wait3A_1357 : memref<1x32x1024xf32, #tpu.memory_space<hbm>> -> memref<32x1024xf32, #tpu.memory_space<hbm>>
    %dma_wait3A_1359 = arith.constant 0 : i32
    %dma_wait3A_1360 = arith.constant 0 : i32
    %dma_wait3A_1361 = tpu.memref_slice %arg4[%dma_wait3A_1344, %dma_wait3A_1359, %dma_wait3A_1360] : memref<3x32x1024xf32, #tpu.memory_space<vmem>> -> memref<1x32x1024xf32, #tpu.memory_space<vmem>>
    %dma_wait3A_1362 = tpu.memref_squeeze %dma_wait3A_1361 : memref<1x32x1024xf32, #tpu.memory_space<vmem>> -> memref<32x1024xf32, #tpu.memory_space<vmem>>
    tpu.wait_dma2 semaphore(%dma_wait3A_1355 : memref<!tpu.dma_semaphore, #tpu.memory_space<semaphore_mem>>) src(%dma_wait3A_1362 : memref<32x1024xf32, #tpu.memory_space<vmem>>) dst(%dma_wait3A_1358 : memref<32x1024xf32, #tpu.memory_space<hbm>>)
    %add3A_1363 = arith.constant 224 : i32
    %add3A_1364 = arith.addi %mul3A_2, %add3A_1363 : i32
    %dma_wait3A_1365 = arith.constant 1 : i32
    %dma_wait3A_1366 = arith.constant 1 : i32
    %dma_wait3A_1367 = arith.constant 0 : i32
    %dma_wait3A_1368 = arith.constant 0 : i32
    %dma_wait3A_1369 = tpu.memref_slice %arg4[%dma_wait3A_1365, %dma_wait3A_1367, %dma_wait3A_1368] : memref<3x32x1024xf32, #tpu.memory_space<vmem>> -> memref<1x32x1024xf32, #tpu.memory_space<vmem>>
    %dma_wait3A_1370 = tpu.memref_squeeze %dma_wait3A_1369 : memref<1x32x1024xf32, #tpu.memory_space<vmem>> -> memref<32x1024xf32, #tpu.memory_space<vmem>>
    %dma_wait3A_1371 = arith.constant 0 : i32
    %dma_wait3A_1372 = tpu.memref_slice %arg2[%add3A_1364, %dma_wait3A_1371] : memref<8192x1024xf32, #tpu.memory_space<hbm>> -> memref<32x1024xf32, #tpu.memory_space<hbm>>
    %dma_wait3A_1373 = tpu.memref_slice %arg5[%dma_wait3A_1366] : memref<3x!tpu.dma_semaphore, #tpu.memory_space<semaphore_mem>> -> memref<1x!tpu.dma_semaphore, #tpu.memory_space<semaphore_mem>>
    %dma_wait3A_1374 = tpu.memref_squeeze %dma_wait3A_1373 : memref<1x!tpu.dma_semaphore, #tpu.memory_space<semaphore_mem>> -> memref<!tpu.dma_semaphore, #tpu.memory_space<semaphore_mem>>
    %dma_wait3A_1375 = arith.constant 0 : i32
    %dma_wait3A_1376 = arith.constant 0 : i32
    %dma_wait3A_1377 = tpu.memref_slice %arg4[%dma_wait3A_1365, %dma_wait3A_1375, %dma_wait3A_1376] : memref<3x32x1024xf32, #tpu.memory_space<vmem>> -> memref<1x32x1024xf32, #tpu.memory_space<vmem>>
    %dma_wait3A_1378 = tpu.memref_squeeze %dma_wait3A_1377 : memref<1x32x1024xf32, #tpu.memory_space<vmem>> -> memref<32x1024xf32, #tpu.memory_space<vmem>>
    %dma_wait3A_1379 = arith.constant 0 : i32
    %dma_wait3A_1380 = tpu.memref_slice %arg2[%add3A_1364, %dma_wait3A_1379] : memref<8192x1024xf32, #tpu.memory_space<hbm>> -> memref<32x1024xf32, #tpu.memory_space<hbm>>
    tpu.wait_dma2 semaphore(%dma_wait3A_1374 : memref<!tpu.dma_semaphore, #tpu.memory_space<semaphore_mem>>) src(%dma_wait3A_1380 : memref<32x1024xf32, #tpu.memory_space<hbm>>) dst(%dma_wait3A_1378 : memref<32x1024xf32, #tpu.memory_space<vmem>>)
    %add3A_1381 = arith.constant 224 : i32
    %add3A_1382 = arith.addi %mul3A_2, %add3A_1381 : i32
    %dma_start3A_1383 = arith.constant 1 : i32
    %dma_start3A_1384 = arith.constant 0 : i32
    %dma_start3A_1385 = arith.constant 1 : i32
    %dma_start3A_1386 = arith.constant 0 : i32
    %dma_start3A_1387 = arith.constant 0 : i32
    %dma_start3A_1388 = tpu.memref_slice %arg4[%dma_start3A_1383, %dma_start3A_1386, %dma_start3A_1387] : memref<3x32x1024xf32, #tpu.memory_space<vmem>> -> memref<1x32x1024xf32, #tpu.memory_space<vmem>>
    %dma_start3A_1389 = tpu.memref_squeeze %dma_start3A_1388 : memref<1x32x1024xf32, #tpu.memory_space<vmem>> -> memref<32x1024xf32, #tpu.memory_space<vmem>>
    %dma_start3A_1390 = arith.constant 0 : i32
    %dma_start3A_1391 = tpu.memref_slice %arg3[%dma_start3A_1384, %add3A_1382, %dma_start3A_1390] : memref<4x8192x1024xf32, #tpu.memory_space<hbm>> -> memref<1x32x1024xf32, #tpu.memory_space<hbm>>
    %dma_start3A_1392 = tpu.memref_squeeze %dma_start3A_1391 : memref<1x32x1024xf32, #tpu.memory_space<hbm>> -> memref<32x1024xf32, #tpu.memory_space<hbm>>
    %dma_start3A_1393 = tpu.memref_slice %arg6[%dma_start3A_1385] : memref<3x!tpu.dma_semaphore, #tpu.memory_space<semaphore_mem>> -> memref<1x!tpu.dma_semaphore, #tpu.memory_space<semaphore_mem>>
    %dma_start3A_1394 = tpu.memref_squeeze %dma_start3A_1393 : memref<1x!tpu.dma_semaphore, #tpu.memory_space<semaphore_mem>> -> memref<!tpu.dma_semaphore, #tpu.memory_space<semaphore_mem>>
    %dma_start3A_1395 = arith.constant 0 : i32
    %dma_start3A_1396 = tpu.memref_slice %arg3[%dma_start3A_1384, %add3A_1382, %dma_start3A_1395] : memref<4x8192x1024xf32, #tpu.memory_space<hbm>> -> memref<1x32x1024xf32, #tpu.memory_space<hbm>>
    %dma_start3A_1397 = tpu.memref_squeeze %dma_start3A_1396 : memref<1x32x1024xf32, #tpu.memory_space<hbm>> -> memref<32x1024xf32, #tpu.memory_space<hbm>>
    %dma_start3A_1398 = arith.constant 0 : i32
    %dma_start3A_1399 = arith.constant 0 : i32
    %dma_start3A_1400 = tpu.memref_slice %arg4[%dma_start3A_1383, %dma_start3A_1398, %dma_start3A_1399] : memref<3x32x1024xf32, #tpu.memory_space<vmem>> -> memref<1x32x1024xf32, #tpu.memory_space<vmem>>
    %dma_start3A_1401 = tpu.memref_squeeze %dma_start3A_1400 : memref<1x32x1024xf32, #tpu.memory_space<vmem>> -> memref<32x1024xf32, #tpu.memory_space<vmem>>
    tpu.enqueue_dma source(%dma_start3A_1401 : memref<32x1024xf32, #tpu.memory_space<vmem>>) target(%dma_start3A_1397 : memref<32x1024xf32, #tpu.memory_space<hbm>>) target_semaphore(%dma_start3A_1394 : memref<!tpu.dma_semaphore, #tpu.memory_space<semaphore_mem>>)
    %add3A_1402 = arith.constant 224 : i32
    %add3A_1403 = arith.addi %mul3A_2, %add3A_1402 : i32
    %dma_start3A_1404 = arith.constant 1 : i32
    %dma_start3A_1405 = arith.constant 1 : i32
    %dma_start3A_1406 = arith.constant 1 : i32
    %dma_start3A_1407 = arith.constant 0 : i32
    %dma_start3A_1408 = arith.constant 0 : i32
    %dma_start3A_1409 = tpu.memref_slice %arg4[%dma_start3A_1404, %dma_start3A_1407, %dma_start3A_1408] : memref<3x32x1024xf32, #tpu.memory_space<vmem>> -> memref<1x32x1024xf32, #tpu.memory_space<vmem>>
    %dma_start3A_1410 = tpu.memref_squeeze %dma_start3A_1409 : memref<1x32x1024xf32, #tpu.memory_space<vmem>> -> memref<32x1024xf32, #tpu.memory_space<vmem>>
    %dma_start3A_1411 = arith.constant 0 : i32
    %dma_start3A_1412 = tpu.memref_slice %arg3[%dma_start3A_1405, %add3A_1403, %dma_start3A_1411] : memref<4x8192x1024xf32, #tpu.memory_space<hbm>> -> memref<1x32x1024xf32, #tpu.memory_space<hbm>>
    %dma_start3A_1413 = tpu.memref_squeeze %dma_start3A_1412 : memref<1x32x1024xf32, #tpu.memory_space<hbm>> -> memref<32x1024xf32, #tpu.memory_space<hbm>>
    %dma_start3A_1414 = tpu.memref_slice %arg6[%dma_start3A_1406] : memref<3x!tpu.dma_semaphore, #tpu.memory_space<semaphore_mem>> -> memref<1x!tpu.dma_semaphore, #tpu.memory_space<semaphore_mem>>
    %dma_start3A_1415 = tpu.memref_squeeze %dma_start3A_1414 : memref<1x!tpu.dma_semaphore, #tpu.memory_space<semaphore_mem>> -> memref<!tpu.dma_semaphore, #tpu.memory_space<semaphore_mem>>
    %dma_start3A_1416 = arith.constant 0 : i32
    %dma_start3A_1417 = tpu.memref_slice %arg3[%dma_start3A_1405, %add3A_1403, %dma_start3A_1416] : memref<4x8192x1024xf32, #tpu.memory_space<hbm>> -> memref<1x32x1024xf32, #tpu.memory_space<hbm>>
    %dma_start3A_1418 = tpu.memref_squeeze %dma_start3A_1417 : memref<1x32x1024xf32, #tpu.memory_space<hbm>> -> memref<32x1024xf32, #tpu.memory_space<hbm>>
    %dma_start3A_1419 = arith.constant 0 : i32
    %dma_start3A_1420 = arith.constant 0 : i32
    %dma_start3A_1421 = tpu.memref_slice %arg4[%dma_start3A_1404, %dma_start3A_1419, %dma_start3A_1420] : memref<3x32x1024xf32, #tpu.memory_space<vmem>> -> memref<1x32x1024xf32, #tpu.memory_space<vmem>>
    %dma_start3A_1422 = tpu.memref_squeeze %dma_start3A_1421 : memref<1x32x1024xf32, #tpu.memory_space<vmem>> -> memref<32x1024xf32, #tpu.memory_space<vmem>>
    tpu.enqueue_dma source(%dma_start3A_1422 : memref<32x1024xf32, #tpu.memory_space<vmem>>) target(%dma_start3A_1418 : memref<32x1024xf32, #tpu.memory_space<hbm>>) target_semaphore(%dma_start3A_1415 : memref<!tpu.dma_semaphore, #tpu.memory_space<semaphore_mem>>)
    %add3A_1423 = arith.constant 224 : i32
    %add3A_1424 = arith.addi %mul3A_2, %add3A_1423 : i32
    %dma_start3A_1425 = arith.constant 1 : i32
    %dma_start3A_1426 = arith.constant 2 : i32
    %dma_start3A_1427 = arith.constant 1 : i32
    %dma_start3A_1428 = arith.constant 0 : i32
    %dma_start3A_1429 = arith.constant 0 : i32
    %dma_start3A_1430 = tpu.memref_slice %arg4[%dma_start3A_1425, %dma_start3A_1428, %dma_start3A_1429] : memref<3x32x1024xf32, #tpu.memory_space<vmem>> -> memref<1x32x1024xf32, #tpu.memory_space<vmem>>
    %dma_start3A_1431 = tpu.memref_squeeze %dma_start3A_1430 : memref<1x32x1024xf32, #tpu.memory_space<vmem>> -> memref<32x1024xf32, #tpu.memory_space<vmem>>
    %dma_start3A_1432 = arith.constant 0 : i32
    %dma_start3A_1433 = tpu.memref_slice %arg3[%dma_start3A_1426, %add3A_1424, %dma_start3A_1432] : memref<4x8192x1024xf32, #tpu.memory_space<hbm>> -> memref<1x32x1024xf32, #tpu.memory_space<hbm>>
    %dma_start3A_1434 = tpu.memref_squeeze %dma_start3A_1433 : memref<1x32x1024xf32, #tpu.memory_space<hbm>> -> memref<32x1024xf32, #tpu.memory_space<hbm>>
    %dma_start3A_1435 = tpu.memref_slice %arg6[%dma_start3A_1427] : memref<3x!tpu.dma_semaphore, #tpu.memory_space<semaphore_mem>> -> memref<1x!tpu.dma_semaphore, #tpu.memory_space<semaphore_mem>>
    %dma_start3A_1436 = tpu.memref_squeeze %dma_start3A_1435 : memref<1x!tpu.dma_semaphore, #tpu.memory_space<semaphore_mem>> -> memref<!tpu.dma_semaphore, #tpu.memory_space<semaphore_mem>>
    %dma_start3A_1437 = arith.constant 0 : i32
    %dma_start3A_1438 = tpu.memref_slice %arg3[%dma_start3A_1426, %add3A_1424, %dma_start3A_1437] : memref<4x8192x1024xf32, #tpu.memory_space<hbm>> -> memref<1x32x1024xf32, #tpu.memory_space<hbm>>
    %dma_start3A_1439 = tpu.memref_squeeze %dma_start3A_1438 : memref<1x32x1024xf32, #tpu.memory_space<hbm>> -> memref<32x1024xf32, #tpu.memory_space<hbm>>
    %dma_start3A_1440 = arith.constant 0 : i32
    %dma_start3A_1441 = arith.constant 0 : i32
    %dma_start3A_1442 = tpu.memref_slice %arg4[%dma_start3A_1425, %dma_start3A_1440, %dma_start3A_1441] : memref<3x32x1024xf32, #tpu.memory_space<vmem>> -> memref<1x32x1024xf32, #tpu.memory_space<vmem>>
    %dma_start3A_1443 = tpu.memref_squeeze %dma_start3A_1442 : memref<1x32x1024xf32, #tpu.memory_space<vmem>> -> memref<32x1024xf32, #tpu.memory_space<vmem>>
    tpu.enqueue_dma source(%dma_start3A_1443 : memref<32x1024xf32, #tpu.memory_space<vmem>>) target(%dma_start3A_1439 : memref<32x1024xf32, #tpu.memory_space<hbm>>) target_semaphore(%dma_start3A_1436 : memref<!tpu.dma_semaphore, #tpu.memory_space<semaphore_mem>>)
    %add3A_1444 = arith.constant 224 : i32
    %add3A_1445 = arith.addi %mul3A_2, %add3A_1444 : i32
    %dma_start3A_1446 = arith.constant 1 : i32
    %dma_start3A_1447 = arith.constant 3 : i32
    %dma_start3A_1448 = arith.constant 1 : i32
    %dma_start3A_1449 = arith.constant 0 : i32
    %dma_start3A_1450 = arith.constant 0 : i32
    %dma_start3A_1451 = tpu.memref_slice %arg4[%dma_start3A_1446, %dma_start3A_1449, %dma_start3A_1450] : memref<3x32x1024xf32, #tpu.memory_space<vmem>> -> memref<1x32x1024xf32, #tpu.memory_space<vmem>>
    %dma_start3A_1452 = tpu.memref_squeeze %dma_start3A_1451 : memref<1x32x1024xf32, #tpu.memory_space<vmem>> -> memref<32x1024xf32, #tpu.memory_space<vmem>>
    %dma_start3A_1453 = arith.constant 0 : i32
    %dma_start3A_1454 = tpu.memref_slice %arg3[%dma_start3A_1447, %add3A_1445, %dma_start3A_1453] : memref<4x8192x1024xf32, #tpu.memory_space<hbm>> -> memref<1x32x1024xf32, #tpu.memory_space<hbm>>
    %dma_start3A_1455 = tpu.memref_squeeze %dma_start3A_1454 : memref<1x32x1024xf32, #tpu.memory_space<hbm>> -> memref<32x1024xf32, #tpu.memory_space<hbm>>
    %dma_start3A_1456 = tpu.memref_slice %arg6[%dma_start3A_1448] : memref<3x!tpu.dma_semaphore, #tpu.memory_space<semaphore_mem>> -> memref<1x!tpu.dma_semaphore, #tpu.memory_space<semaphore_mem>>
    %dma_start3A_1457 = tpu.memref_squeeze %dma_start3A_1456 : memref<1x!tpu.dma_semaphore, #tpu.memory_space<semaphore_mem>> -> memref<!tpu.dma_semaphore, #tpu.memory_space<semaphore_mem>>
    %dma_start3A_1458 = arith.constant 0 : i32
    %dma_start3A_1459 = tpu.memref_slice %arg3[%dma_start3A_1447, %add3A_1445, %dma_start3A_1458] : memref<4x8192x1024xf32, #tpu.memory_space<hbm>> -> memref<1x32x1024xf32, #tpu.memory_space<hbm>>
    %dma_start3A_1460 = tpu.memref_squeeze %dma_start3A_1459 : memref<1x32x1024xf32, #tpu.memory_space<hbm>> -> memref<32x1024xf32, #tpu.memory_space<hbm>>
    %dma_start3A_1461 = arith.constant 0 : i32
    %dma_start3A_1462 = arith.constant 0 : i32
    %dma_start3A_1463 = tpu.memref_slice %arg4[%dma_start3A_1446, %dma_start3A_1461, %dma_start3A_1462] : memref<3x32x1024xf32, #tpu.memory_space<vmem>> -> memref<1x32x1024xf32, #tpu.memory_space<vmem>>
    %dma_start3A_1464 = tpu.memref_squeeze %dma_start3A_1463 : memref<1x32x1024xf32, #tpu.memory_space<vmem>> -> memref<32x1024xf32, #tpu.memory_space<vmem>>
    tpu.enqueue_dma source(%dma_start3A_1464 : memref<32x1024xf32, #tpu.memory_space<vmem>>) target(%dma_start3A_1460 : memref<32x1024xf32, #tpu.memory_space<hbm>>) target_semaphore(%dma_start3A_1457 : memref<!tpu.dma_semaphore, #tpu.memory_space<semaphore_mem>>)
    %add3A_1465 = arith.constant 192 : i32
    %add3A_1466 = arith.addi %mul3A_2, %add3A_1465 : i32
    %dma_wait3A_1467 = arith.constant 0 : i32
    %dma_wait3A_1468 = arith.constant 0 : i32
    %dma_wait3A_1469 = arith.constant 0 : i32
    %dma_wait3A_1470 = arith.constant 0 : i32
    %dma_wait3A_1471 = arith.constant 0 : i32
    %dma_wait3A_1472 = tpu.memref_slice %arg4[%dma_wait3A_1467, %dma_wait3A_1470, %dma_wait3A_1471] : memref<3x32x1024xf32, #tpu.memory_space<vmem>> -> memref<1x32x1024xf32, #tpu.memory_space<vmem>>
    %dma_wait3A_1473 = tpu.memref_squeeze %dma_wait3A_1472 : memref<1x32x1024xf32, #tpu.memory_space<vmem>> -> memref<32x1024xf32, #tpu.memory_space<vmem>>
    %dma_wait3A_1474 = arith.constant 0 : i32
    %dma_wait3A_1475 = tpu.memref_slice %arg3[%dma_wait3A_1468, %add3A_1466, %dma_wait3A_1474] : memref<4x8192x1024xf32, #tpu.memory_space<hbm>> -> memref<1x32x1024xf32, #tpu.memory_space<hbm>>
    %dma_wait3A_1476 = tpu.memref_squeeze %dma_wait3A_1475 : memref<1x32x1024xf32, #tpu.memory_space<hbm>> -> memref<32x1024xf32, #tpu.memory_space<hbm>>
    %dma_wait3A_1477 = tpu.memref_slice %arg6[%dma_wait3A_1469] : memref<3x!tpu.dma_semaphore, #tpu.memory_space<semaphore_mem>> -> memref<1x!tpu.dma_semaphore, #tpu.memory_space<semaphore_mem>>
    %dma_wait3A_1478 = tpu.memref_squeeze %dma_wait3A_1477 : memref<1x!tpu.dma_semaphore, #tpu.memory_space<semaphore_mem>> -> memref<!tpu.dma_semaphore, #tpu.memory_space<semaphore_mem>>
    %dma_wait3A_1479 = arith.constant 0 : i32
    %dma_wait3A_1480 = tpu.memref_slice %arg3[%dma_wait3A_1468, %add3A_1466, %dma_wait3A_1479] : memref<4x8192x1024xf32, #tpu.memory_space<hbm>> -> memref<1x32x1024xf32, #tpu.memory_space<hbm>>
    %dma_wait3A_1481 = tpu.memref_squeeze %dma_wait3A_1480 : memref<1x32x1024xf32, #tpu.memory_space<hbm>> -> memref<32x1024xf32, #tpu.memory_space<hbm>>
    %dma_wait3A_1482 = arith.constant 0 : i32
    %dma_wait3A_1483 = arith.constant 0 : i32
    %dma_wait3A_1484 = tpu.memref_slice %arg4[%dma_wait3A_1467, %dma_wait3A_1482, %dma_wait3A_1483] : memref<3x32x1024xf32, #tpu.memory_space<vmem>> -> memref<1x32x1024xf32, #tpu.memory_space<vmem>>
    %dma_wait3A_1485 = tpu.memref_squeeze %dma_wait3A_1484 : memref<1x32x1024xf32, #tpu.memory_space<vmem>> -> memref<32x1024xf32, #tpu.memory_space<vmem>>
    tpu.wait_dma2 semaphore(%dma_wait3A_1478 : memref<!tpu.dma_semaphore, #tpu.memory_space<semaphore_mem>>) src(%dma_wait3A_1485 : memref<32x1024xf32, #tpu.memory_space<vmem>>) dst(%dma_wait3A_1481 : memref<32x1024xf32, #tpu.memory_space<hbm>>)
    %add3A_1486 = arith.constant 192 : i32
    %add3A_1487 = arith.addi %mul3A_2, %add3A_1486 : i32
    %dma_wait3A_1488 = arith.constant 0 : i32
    %dma_wait3A_1489 = arith.constant 1 : i32
    %dma_wait3A_1490 = arith.constant 0 : i32
    %dma_wait3A_1491 = arith.constant 0 : i32
    %dma_wait3A_1492 = arith.constant 0 : i32
    %dma_wait3A_1493 = tpu.memref_slice %arg4[%dma_wait3A_1488, %dma_wait3A_1491, %dma_wait3A_1492] : memref<3x32x1024xf32, #tpu.memory_space<vmem>> -> memref<1x32x1024xf32, #tpu.memory_space<vmem>>
    %dma_wait3A_1494 = tpu.memref_squeeze %dma_wait3A_1493 : memref<1x32x1024xf32, #tpu.memory_space<vmem>> -> memref<32x1024xf32, #tpu.memory_space<vmem>>
    %dma_wait3A_1495 = arith.constant 0 : i32
    %dma_wait3A_1496 = tpu.memref_slice %arg3[%dma_wait3A_1489, %add3A_1487, %dma_wait3A_1495] : memref<4x8192x1024xf32, #tpu.memory_space<hbm>> -> memref<1x32x1024xf32, #tpu.memory_space<hbm>>
    %dma_wait3A_1497 = tpu.memref_squeeze %dma_wait3A_1496 : memref<1x32x1024xf32, #tpu.memory_space<hbm>> -> memref<32x1024xf32, #tpu.memory_space<hbm>>
    %dma_wait3A_1498 = tpu.memref_slice %arg6[%dma_wait3A_1490] : memref<3x!tpu.dma_semaphore, #tpu.memory_space<semaphore_mem>> -> memref<1x!tpu.dma_semaphore, #tpu.memory_space<semaphore_mem>>
    %dma_wait3A_1499 = tpu.memref_squeeze %dma_wait3A_1498 : memref<1x!tpu.dma_semaphore, #tpu.memory_space<semaphore_mem>> -> memref<!tpu.dma_semaphore, #tpu.memory_space<semaphore_mem>>
    %dma_wait3A_1500 = arith.constant 0 : i32
    %dma_wait3A_1501 = tpu.memref_slice %arg3[%dma_wait3A_1489, %add3A_1487, %dma_wait3A_1500] : memref<4x8192x1024xf32, #tpu.memory_space<hbm>> -> memref<1x32x1024xf32, #tpu.memory_space<hbm>>
    %dma_wait3A_1502 = tpu.memref_squeeze %dma_wait3A_1501 : memref<1x32x1024xf32, #tpu.memory_space<hbm>> -> memref<32x1024xf32, #tpu.memory_space<hbm>>
    %dma_wait3A_1503 = arith.constant 0 : i32
    %dma_wait3A_1504 = arith.constant 0 : i32
    %dma_wait3A_1505 = tpu.memref_slice %arg4[%dma_wait3A_1488, %dma_wait3A_1503, %dma_wait3A_1504] : memref<3x32x1024xf32, #tpu.memory_space<vmem>> -> memref<1x32x1024xf32, #tpu.memory_space<vmem>>
    %dma_wait3A_1506 = tpu.memref_squeeze %dma_wait3A_1505 : memref<1x32x1024xf32, #tpu.memory_space<vmem>> -> memref<32x1024xf32, #tpu.memory_space<vmem>>
    tpu.wait_dma2 semaphore(%dma_wait3A_1499 : memref<!tpu.dma_semaphore, #tpu.memory_space<semaphore_mem>>) src(%dma_wait3A_1506 : memref<32x1024xf32, #tpu.memory_space<vmem>>) dst(%dma_wait3A_1502 : memref<32x1024xf32, #tpu.memory_space<hbm>>)
    %add3A_1507 = arith.constant 192 : i32
    %add3A_1508 = arith.addi %mul3A_2, %add3A_1507 : i32
    %dma_wait3A_1509 = arith.constant 0 : i32
    %dma_wait3A_1510 = arith.constant 2 : i32
    %dma_wait3A_1511 = arith.constant 0 : i32
    %dma_wait3A_1512 = arith.constant 0 : i32
    %dma_wait3A_1513 = arith.constant 0 : i32
    %dma_wait3A_1514 = tpu.memref_slice %arg4[%dma_wait3A_1509, %dma_wait3A_1512, %dma_wait3A_1513] : memref<3x32x1024xf32, #tpu.memory_space<vmem>> -> memref<1x32x1024xf32, #tpu.memory_space<vmem>>
    %dma_wait3A_1515 = tpu.memref_squeeze %dma_wait3A_1514 : memref<1x32x1024xf32, #tpu.memory_space<vmem>> -> memref<32x1024xf32, #tpu.memory_space<vmem>>
    %dma_wait3A_1516 = arith.constant 0 : i32
    %dma_wait3A_1517 = tpu.memref_slice %arg3[%dma_wait3A_1510, %add3A_1508, %dma_wait3A_1516] : memref<4x8192x1024xf32, #tpu.memory_space<hbm>> -> memref<1x32x1024xf32, #tpu.memory_space<hbm>>
    %dma_wait3A_1518 = tpu.memref_squeeze %dma_wait3A_1517 : memref<1x32x1024xf32, #tpu.memory_space<hbm>> -> memref<32x1024xf32, #tpu.memory_space<hbm>>
    %dma_wait3A_1519 = tpu.memref_slice %arg6[%dma_wait3A_1511] : memref<3x!tpu.dma_semaphore, #tpu.memory_space<semaphore_mem>> -> memref<1x!tpu.dma_semaphore, #tpu.memory_space<semaphore_mem>>
    %dma_wait3A_1520 = tpu.memref_squeeze %dma_wait3A_1519 : memref<1x!tpu.dma_semaphore, #tpu.memory_space<semaphore_mem>> -> memref<!tpu.dma_semaphore, #tpu.memory_space<semaphore_mem>>
    %dma_wait3A_1521 = arith.constant 0 : i32
    %dma_wait3A_1522 = tpu.memref_slice %arg3[%dma_wait3A_1510, %add3A_1508, %dma_wait3A_1521] : memref<4x8192x1024xf32, #tpu.memory_space<hbm>> -> memref<1x32x1024xf32, #tpu.memory_space<hbm>>
    %dma_wait3A_1523 = tpu.memref_squeeze %dma_wait3A_1522 : memref<1x32x1024xf32, #tpu.memory_space<hbm>> -> memref<32x1024xf32, #tpu.memory_space<hbm>>
    %dma_wait3A_1524 = arith.constant 0 : i32
    %dma_wait3A_1525 = arith.constant 0 : i32
    %dma_wait3A_1526 = tpu.memref_slice %arg4[%dma_wait3A_1509, %dma_wait3A_1524, %dma_wait3A_1525] : memref<3x32x1024xf32, #tpu.memory_space<vmem>> -> memref<1x32x1024xf32, #tpu.memory_space<vmem>>
    %dma_wait3A_1527 = tpu.memref_squeeze %dma_wait3A_1526 : memref<1x32x1024xf32, #tpu.memory_space<vmem>> -> memref<32x1024xf32, #tpu.memory_space<vmem>>
    tpu.wait_dma2 semaphore(%dma_wait3A_1520 : memref<!tpu.dma_semaphore, #tpu.memory_space<semaphore_mem>>) src(%dma_wait3A_1527 : memref<32x1024xf32, #tpu.memory_space<vmem>>) dst(%dma_wait3A_1523 : memref<32x1024xf32, #tpu.memory_space<hbm>>)
    %add3A_1528 = arith.constant 192 : i32
    %add3A_1529 = arith.addi %mul3A_2, %add3A_1528 : i32
    %dma_wait3A_1530 = arith.constant 0 : i32
    %dma_wait3A_1531 = arith.constant 3 : i32
    %dma_wait3A_1532 = arith.constant 0 : i32
    %dma_wait3A_1533 = arith.constant 0 : i32
    %dma_wait3A_1534 = arith.constant 0 : i32
    %dma_wait3A_1535 = tpu.memref_slice %arg4[%dma_wait3A_1530, %dma_wait3A_1533, %dma_wait3A_1534] : memref<3x32x1024xf32, #tpu.memory_space<vmem>> -> memref<1x32x1024xf32, #tpu.memory_space<vmem>>
    %dma_wait3A_1536 = tpu.memref_squeeze %dma_wait3A_1535 : memref<1x32x1024xf32, #tpu.memory_space<vmem>> -> memref<32x1024xf32, #tpu.memory_space<vmem>>
    %dma_wait3A_1537 = arith.constant 0 : i32
    %dma_wait3A_1538 = tpu.memref_slice %arg3[%dma_wait3A_1531, %add3A_1529, %dma_wait3A_1537] : memref<4x8192x1024xf32, #tpu.memory_space<hbm>> -> memref<1x32x1024xf32, #tpu.memory_space<hbm>>
    %dma_wait3A_1539 = tpu.memref_squeeze %dma_wait3A_1538 : memref<1x32x1024xf32, #tpu.memory_space<hbm>> -> memref<32x1024xf32, #tpu.memory_space<hbm>>
    %dma_wait3A_1540 = tpu.memref_slice %arg6[%dma_wait3A_1532] : memref<3x!tpu.dma_semaphore, #tpu.memory_space<semaphore_mem>> -> memref<1x!tpu.dma_semaphore, #tpu.memory_space<semaphore_mem>>
    %dma_wait3A_1541 = tpu.memref_squeeze %dma_wait3A_1540 : memref<1x!tpu.dma_semaphore, #tpu.memory_space<semaphore_mem>> -> memref<!tpu.dma_semaphore, #tpu.memory_space<semaphore_mem>>
    %dma_wait3A_1542 = arith.constant 0 : i32
    %dma_wait3A_1543 = tpu.memref_slice %arg3[%dma_wait3A_1531, %add3A_1529, %dma_wait3A_1542] : memref<4x8192x1024xf32, #tpu.memory_space<hbm>> -> memref<1x32x1024xf32, #tpu.memory_space<hbm>>
    %dma_wait3A_1544 = tpu.memref_squeeze %dma_wait3A_1543 : memref<1x32x1024xf32, #tpu.memory_space<hbm>> -> memref<32x1024xf32, #tpu.memory_space<hbm>>
    %dma_wait3A_1545 = arith.constant 0 : i32
    %dma_wait3A_1546 = arith.constant 0 : i32
    %dma_wait3A_1547 = tpu.memref_slice %arg4[%dma_wait3A_1530, %dma_wait3A_1545, %dma_wait3A_1546] : memref<3x32x1024xf32, #tpu.memory_space<vmem>> -> memref<1x32x1024xf32, #tpu.memory_space<vmem>>
    %dma_wait3A_1548 = tpu.memref_squeeze %dma_wait3A_1547 : memref<1x32x1024xf32, #tpu.memory_space<vmem>> -> memref<32x1024xf32, #tpu.memory_space<vmem>>
    tpu.wait_dma2 semaphore(%dma_wait3A_1541 : memref<!tpu.dma_semaphore, #tpu.memory_space<semaphore_mem>>) src(%dma_wait3A_1548 : memref<32x1024xf32, #tpu.memory_space<vmem>>) dst(%dma_wait3A_1544 : memref<32x1024xf32, #tpu.memory_space<hbm>>)
    %add3A_1549 = arith.constant 224 : i32
    %add3A_1550 = arith.addi %mul3A_2, %add3A_1549 : i32
    %dma_wait3A_1551 = arith.constant 1 : i32
    %dma_wait3A_1552 = arith.constant 0 : i32
    %dma_wait3A_1553 = arith.constant 1 : i32
    %dma_wait3A_1554 = arith.constant 0 : i32
    %dma_wait3A_1555 = arith.constant 0 : i32
    %dma_wait3A_1556 = tpu.memref_slice %arg4[%dma_wait3A_1551, %dma_wait3A_1554, %dma_wait3A_1555] : memref<3x32x1024xf32, #tpu.memory_space<vmem>> -> memref<1x32x1024xf32, #tpu.memory_space<vmem>>
    %dma_wait3A_1557 = tpu.memref_squeeze %dma_wait3A_1556 : memref<1x32x1024xf32, #tpu.memory_space<vmem>> -> memref<32x1024xf32, #tpu.memory_space<vmem>>
    %dma_wait3A_1558 = arith.constant 0 : i32
    %dma_wait3A_1559 = tpu.memref_slice %arg3[%dma_wait3A_1552, %add3A_1550, %dma_wait3A_1558] : memref<4x8192x1024xf32, #tpu.memory_space<hbm>> -> memref<1x32x1024xf32, #tpu.memory_space<hbm>>
    %dma_wait3A_1560 = tpu.memref_squeeze %dma_wait3A_1559 : memref<1x32x1024xf32, #tpu.memory_space<hbm>> -> memref<32x1024xf32, #tpu.memory_space<hbm>>
    %dma_wait3A_1561 = tpu.memref_slice %arg6[%dma_wait3A_1553] : memref<3x!tpu.dma_semaphore, #tpu.memory_space<semaphore_mem>> -> memref<1x!tpu.dma_semaphore, #tpu.memory_space<semaphore_mem>>
    %dma_wait3A_1562 = tpu.memref_squeeze %dma_wait3A_1561 : memref<1x!tpu.dma_semaphore, #tpu.memory_space<semaphore_mem>> -> memref<!tpu.dma_semaphore, #tpu.memory_space<semaphore_mem>>
    %dma_wait3A_1563 = arith.constant 0 : i32
    %dma_wait3A_1564 = tpu.memref_slice %arg3[%dma_wait3A_1552, %add3A_1550, %dma_wait3A_1563] : memref<4x8192x1024xf32, #tpu.memory_space<hbm>> -> memref<1x32x1024xf32, #tpu.memory_space<hbm>>
    %dma_wait3A_1565 = tpu.memref_squeeze %dma_wait3A_1564 : memref<1x32x1024xf32, #tpu.memory_space<hbm>> -> memref<32x1024xf32, #tpu.memory_space<hbm>>
    %dma_wait3A_1566 = arith.constant 0 : i32
    %dma_wait3A_1567 = arith.constant 0 : i32
    %dma_wait3A_1568 = tpu.memref_slice %arg4[%dma_wait3A_1551, %dma_wait3A_1566, %dma_wait3A_1567] : memref<3x32x1024xf32, #tpu.memory_space<vmem>> -> memref<1x32x1024xf32, #tpu.memory_space<vmem>>
    %dma_wait3A_1569 = tpu.memref_squeeze %dma_wait3A_1568 : memref<1x32x1024xf32, #tpu.memory_space<vmem>> -> memref<32x1024xf32, #tpu.memory_space<vmem>>
    tpu.wait_dma2 semaphore(%dma_wait3A_1562 : memref<!tpu.dma_semaphore, #tpu.memory_space<semaphore_mem>>) src(%dma_wait3A_1569 : memref<32x1024xf32, #tpu.memory_space<vmem>>) dst(%dma_wait3A_1565 : memref<32x1024xf32, #tpu.memory_space<hbm>>)
    %add3A_1570 = arith.constant 224 : i32
    %add3A_1571 = arith.addi %mul3A_2, %add3A_1570 : i32
    %dma_wait3A_1572 = arith.constant 1 : i32
    %dma_wait3A_1573 = arith.constant 1 : i32
    %dma_wait3A_1574 = arith.constant 1 : i32
    %dma_wait3A_1575 = arith.constant 0 : i32
    %dma_wait3A_1576 = arith.constant 0 : i32
    %dma_wait3A_1577 = tpu.memref_slice %arg4[%dma_wait3A_1572, %dma_wait3A_1575, %dma_wait3A_1576] : memref<3x32x1024xf32, #tpu.memory_space<vmem>> -> memref<1x32x1024xf32, #tpu.memory_space<vmem>>
    %dma_wait3A_1578 = tpu.memref_squeeze %dma_wait3A_1577 : memref<1x32x1024xf32, #tpu.memory_space<vmem>> -> memref<32x1024xf32, #tpu.memory_space<vmem>>
    %dma_wait3A_1579 = arith.constant 0 : i32
    %dma_wait3A_1580 = tpu.memref_slice %arg3[%dma_wait3A_1573, %add3A_1571, %dma_wait3A_1579] : memref<4x8192x1024xf32, #tpu.memory_space<hbm>> -> memref<1x32x1024xf32, #tpu.memory_space<hbm>>
    %dma_wait3A_1581 = tpu.memref_squeeze %dma_wait3A_1580 : memref<1x32x1024xf32, #tpu.memory_space<hbm>> -> memref<32x1024xf32, #tpu.memory_space<hbm>>
    %dma_wait3A_1582 = tpu.memref_slice %arg6[%dma_wait3A_1574] : memref<3x!tpu.dma_semaphore, #tpu.memory_space<semaphore_mem>> -> memref<1x!tpu.dma_semaphore, #tpu.memory_space<semaphore_mem>>
    %dma_wait3A_1583 = tpu.memref_squeeze %dma_wait3A_1582 : memref<1x!tpu.dma_semaphore, #tpu.memory_space<semaphore_mem>> -> memref<!tpu.dma_semaphore, #tpu.memory_space<semaphore_mem>>
    %dma_wait3A_1584 = arith.constant 0 : i32
    %dma_wait3A_1585 = tpu.memref_slice %arg3[%dma_wait3A_1573, %add3A_1571, %dma_wait3A_1584] : memref<4x8192x1024xf32, #tpu.memory_space<hbm>> -> memref<1x32x1024xf32, #tpu.memory_space<hbm>>
    %dma_wait3A_1586 = tpu.memref_squeeze %dma_wait3A_1585 : memref<1x32x1024xf32, #tpu.memory_space<hbm>> -> memref<32x1024xf32, #tpu.memory_space<hbm>>
    %dma_wait3A_1587 = arith.constant 0 : i32
    %dma_wait3A_1588 = arith.constant 0 : i32
    %dma_wait3A_1589 = tpu.memref_slice %arg4[%dma_wait3A_1572, %dma_wait3A_1587, %dma_wait3A_1588] : memref<3x32x1024xf32, #tpu.memory_space<vmem>> -> memref<1x32x1024xf32, #tpu.memory_space<vmem>>
    %dma_wait3A_1590 = tpu.memref_squeeze %dma_wait3A_1589 : memref<1x32x1024xf32, #tpu.memory_space<vmem>> -> memref<32x1024xf32, #tpu.memory_space<vmem>>
    tpu.wait_dma2 semaphore(%dma_wait3A_1583 : memref<!tpu.dma_semaphore, #tpu.memory_space<semaphore_mem>>) src(%dma_wait3A_1590 : memref<32x1024xf32, #tpu.memory_space<vmem>>) dst(%dma_wait3A_1586 : memref<32x1024xf32, #tpu.memory_space<hbm>>)
    %add3A_1591 = arith.constant 224 : i32
    %add3A_1592 = arith.addi %mul3A_2, %add3A_1591 : i32
    %dma_wait3A_1593 = arith.constant 1 : i32
    %dma_wait3A_1594 = arith.constant 2 : i32
    %dma_wait3A_1595 = arith.constant 1 : i32
    %dma_wait3A_1596 = arith.constant 0 : i32
    %dma_wait3A_1597 = arith.constant 0 : i32
    %dma_wait3A_1598 = tpu.memref_slice %arg4[%dma_wait3A_1593, %dma_wait3A_1596, %dma_wait3A_1597] : memref<3x32x1024xf32, #tpu.memory_space<vmem>> -> memref<1x32x1024xf32, #tpu.memory_space<vmem>>
    %dma_wait3A_1599 = tpu.memref_squeeze %dma_wait3A_1598 : memref<1x32x1024xf32, #tpu.memory_space<vmem>> -> memref<32x1024xf32, #tpu.memory_space<vmem>>
    %dma_wait3A_1600 = arith.constant 0 : i32
    %dma_wait3A_1601 = tpu.memref_slice %arg3[%dma_wait3A_1594, %add3A_1592, %dma_wait3A_1600] : memref<4x8192x1024xf32, #tpu.memory_space<hbm>> -> memref<1x32x1024xf32, #tpu.memory_space<hbm>>
    %dma_wait3A_1602 = tpu.memref_squeeze %dma_wait3A_1601 : memref<1x32x1024xf32, #tpu.memory_space<hbm>> -> memref<32x1024xf32, #tpu.memory_space<hbm>>
    %dma_wait3A_1603 = tpu.memref_slice %arg6[%dma_wait3A_1595] : memref<3x!tpu.dma_semaphore, #tpu.memory_space<semaphore_mem>> -> memref<1x!tpu.dma_semaphore, #tpu.memory_space<semaphore_mem>>
    %dma_wait3A_1604 = tpu.memref_squeeze %dma_wait3A_1603 : memref<1x!tpu.dma_semaphore, #tpu.memory_space<semaphore_mem>> -> memref<!tpu.dma_semaphore, #tpu.memory_space<semaphore_mem>>
    %dma_wait3A_1605 = arith.constant 0 : i32
    %dma_wait3A_1606 = tpu.memref_slice %arg3[%dma_wait3A_1594, %add3A_1592, %dma_wait3A_1605] : memref<4x8192x1024xf32, #tpu.memory_space<hbm>> -> memref<1x32x1024xf32, #tpu.memory_space<hbm>>
    %dma_wait3A_1607 = tpu.memref_squeeze %dma_wait3A_1606 : memref<1x32x1024xf32, #tpu.memory_space<hbm>> -> memref<32x1024xf32, #tpu.memory_space<hbm>>
    %dma_wait3A_1608 = arith.constant 0 : i32
    %dma_wait3A_1609 = arith.constant 0 : i32
    %dma_wait3A_1610 = tpu.memref_slice %arg4[%dma_wait3A_1593, %dma_wait3A_1608, %dma_wait3A_1609] : memref<3x32x1024xf32, #tpu.memory_space<vmem>> -> memref<1x32x1024xf32, #tpu.memory_space<vmem>>
    %dma_wait3A_1611 = tpu.memref_squeeze %dma_wait3A_1610 : memref<1x32x1024xf32, #tpu.memory_space<vmem>> -> memref<32x1024xf32, #tpu.memory_space<vmem>>
    tpu.wait_dma2 semaphore(%dma_wait3A_1604 : memref<!tpu.dma_semaphore, #tpu.memory_space<semaphore_mem>>) src(%dma_wait3A_1611 : memref<32x1024xf32, #tpu.memory_space<vmem>>) dst(%dma_wait3A_1607 : memref<32x1024xf32, #tpu.memory_space<hbm>>)
    %add3A_1612 = arith.constant 224 : i32
    %add3A_1613 = arith.addi %mul3A_2, %add3A_1612 : i32
    %dma_wait3A_1614 = arith.constant 1 : i32
    %dma_wait3A_1615 = arith.constant 3 : i32
    %dma_wait3A_1616 = arith.constant 1 : i32
    %dma_wait3A_1617 = arith.constant 0 : i32
    %dma_wait3A_1618 = arith.constant 0 : i32
    %dma_wait3A_1619 = tpu.memref_slice %arg4[%dma_wait3A_1614, %dma_wait3A_1617, %dma_wait3A_1618] : memref<3x32x1024xf32, #tpu.memory_space<vmem>> -> memref<1x32x1024xf32, #tpu.memory_space<vmem>>
    %dma_wait3A_1620 = tpu.memref_squeeze %dma_wait3A_1619 : memref<1x32x1024xf32, #tpu.memory_space<vmem>> -> memref<32x1024xf32, #tpu.memory_space<vmem>>
    %dma_wait3A_1621 = arith.constant 0 : i32
    %dma_wait3A_1622 = tpu.memref_slice %arg3[%dma_wait3A_1615, %add3A_1613, %dma_wait3A_1621] : memref<4x8192x1024xf32, #tpu.memory_space<hbm>> -> memref<1x32x1024xf32, #tpu.memory_space<hbm>>
    %dma_wait3A_1623 = tpu.memref_squeeze %dma_wait3A_1622 : memref<1x32x1024xf32, #tpu.memory_space<hbm>> -> memref<32x1024xf32, #tpu.memory_space<hbm>>
    %dma_wait3A_1624 = tpu.memref_slice %arg6[%dma_wait3A_1616] : memref<3x!tpu.dma_semaphore, #tpu.memory_space<semaphore_mem>> -> memref<1x!tpu.dma_semaphore, #tpu.memory_space<semaphore_mem>>
    %dma_wait3A_1625 = tpu.memref_squeeze %dma_wait3A_1624 : memref<1x!tpu.dma_semaphore, #tpu.memory_space<semaphore_mem>> -> memref<!tpu.dma_semaphore, #tpu.memory_space<semaphore_mem>>
    %dma_wait3A_1626 = arith.constant 0 : i32
    %dma_wait3A_1627 = tpu.memref_slice %arg3[%dma_wait3A_1615, %add3A_1613, %dma_wait3A_1626] : memref<4x8192x1024xf32, #tpu.memory_space<hbm>> -> memref<1x32x1024xf32, #tpu.memory_space<hbm>>
    %dma_wait3A_1628 = tpu.memref_squeeze %dma_wait3A_1627 : memref<1x32x1024xf32, #tpu.memory_space<hbm>> -> memref<32x1024xf32, #tpu.memory_space<hbm>>
    %dma_wait3A_1629 = arith.constant 0 : i32
    %dma_wait3A_1630 = arith.constant 0 : i32
    %dma_wait3A_1631 = tpu.memref_slice %arg4[%dma_wait3A_1614, %dma_wait3A_1629, %dma_wait3A_1630] : memref<3x32x1024xf32, #tpu.memory_space<vmem>> -> memref<1x32x1024xf32, #tpu.memory_space<vmem>>
    %dma_wait3A_1632 = tpu.memref_squeeze %dma_wait3A_1631 : memref<1x32x1024xf32, #tpu.memory_space<vmem>> -> memref<32x1024xf32, #tpu.memory_space<vmem>>
    tpu.wait_dma2 semaphore(%dma_wait3A_1625 : memref<!tpu.dma_semaphore, #tpu.memory_space<semaphore_mem>>) src(%dma_wait3A_1632 : memref<32x1024xf32, #tpu.memory_space<vmem>>) dst(%dma_wait3A_1628 : memref<32x1024xf32, #tpu.memory_space<hbm>>)
    return
  }
}

</mosaic_0001>

<sc_bundles>
// kernel: positional_embedding_sc_broadcast.3.cloned.1.call-start
scs
__scs_entry_jumppad:
0x0: {  	(pc) =	sbr.rel $0x88, $3  }
0x1: {  	(tag) =	ssettag $0x0;
	lr =	simm.s32 $0x1  }
0x2: {  	[smem:$0x3FA0] =	sst lr;
	_ =	strace $0xD0000000  }
0x3: {  	_ = 	snop  }
0x4: {  	_ = 	snop  }
0x5: {  	_ = 	snop  }
0x6: {  	_ = 	snop  }
0x7: {  	_ = 	snop  }
__scs_overlays_trampoline_lowered:
0x8: {  	[smem:$0x3FAF] =	sst s0  }
0x9: {  	[smem:$0x3FB0] =	sst s1  }
0xa: {  	[smem:$0x3FB1] =	sst s2  }
0xb: {  	[smem:$0x3FB2] =	sst s3  }
0xc: {  	[smem:$0x3FB3] =	sst s4  }
0xd: {  	[smem:$0x3FB4] =	sst s5  }
0xe: {  	[smem:$0x3FB5] =	sst s6  }
0xf: {  	[smem:$0x3FB6] =	sst s7  }
0x10: {  	[smem:$0x3FB7] =	sst s8  }
0x11: {  	[smem:$0x3FB8] =	sst s9;
	s0 =	simm.s32 @!p0 $0x0  }
0x12: {  	s1 =	sld [smem:$0x3F9E];
	s0 =	simm.s32 @p0 $0x1  }
0x13: {  	[smem:$0x3FB9] =	sst s0;
	s0 =	simm.s32 @!p1 $0x0  }
0x14: {  	s2 =	sld [smem:$0x3F9D];
	s0 =	simm.s32 @p1 $0x1  }
0x15: {  	[smem:$0x3FBA] =	sst s0;
	s0 =	simm.s32 @!p2 $0x0  }
0x16: {  	s3 =	sld [smem:$0x3FDB];
	s0 =	simm.s32 @p2 $0x1  }
0x17: {  	s4 =	simm.s32 $0x1BF5;
	[smem:$0x3FBC] =	sst s0  }
0x18: {  	s0 =	sld [smem:$0x3F9F];
	_ =	swait.ge [sflag:s4], $0x0  }
0x19: {  	s7 =	sld [smem:$0x3FA0]  }
0x1a: {  	s8 =	sadd.s32 $0xFFFFE003, lr  }
0x1b: {  	s9 =	sadd.s32 $0xFFFFFEF7, lr;
	s5 =	simm.s32 $0xFFFFFFFF;
	p2 =	slt.u32 s8, $0xFFFFF086  }
0x1c: {  	p1 =	slt.u32 s9, $0xF7A;
	s5 =	simm.s32 @!p2 $0x0  }
0x1d: {  	s5 =	simm.s32 @p1 $0x1;
	p0 =	seq.s32 s7, s2  }
0x1e: {  	s7 =	smul.u32 @!p0 $0xF7A, s2;
	p2 =	seq.s32 @!p0 s5, $0x0  }
0x1f: {  	s9 =	smul.u32 $0xF7A, s1;
	s8 =	simm.s32 @!p0 $0x1BF5;
	p2 =	por !p2, p0  }
0x20: {  	[sflag:s8] =	ssyncset.s32 @!p0 $0xFFFFF086;
	s6 =	sadd.s32 @!p0 s3, s7;
	s7 =	simm.s32 @!p0 $0x108  }
0x21: {  	s3 =	sadd.s32 s3, s9;
	s6 =	sadd.s32 @!p0 $0x88, s6;
	s7 =	simm.s32 @p2 $0x1082  }
0x22: {  	[simem:s7], [sflag:s8] =	dma.local @!p0 [hbm:s6], $0xF7A  }
0x23: {  	s9 =	sor.u32 $0xD0000000, s2;
	s6 =	simm.s32 $0x108;
	_ =	swait.ge @!p0 [sflag:s8], $0x0  }
0x24: {  	s3 =	sadd.s32 $0x88, s3;
	s6 =	simm.s32 @!p1 $0x1082;
	[sflag:s4] =	ssyncset.s32 $0xFFFFF086  }
0x25: {  	[simem:s6], [sflag:s4] =	dma.local [hbm:s3], $0xF7A  }
0x26: {  	[smem:$0x3FA0] =	sst s1;
	(tag) =	ssettag s2;
	_ =	strace s9  }
0x27: {  	s1 =	sld [smem:$0x3FB0]  }
0x28: {  	s2 =	sld [smem:$0x3FB1]  }
0x29: {  	s4 =	sld [smem:$0x3FB3]  }
0x2a: {  	p0 =	seq.s32 s5, $0x0;
	s5 =	sld [smem:$0x3FB4]  }
0x2b: {  	s6 =	sld [smem:$0x3FB5]  }
0x2c: {  	s7 =	sld [smem:$0x3FB6]  }
0x2d: {  	s3 =	simm.s32 $0x108;
	s8 =	sld [smem:$0x3FB7]  }
0x2e: {  	s3 =	simm.s32 @!p0 $0x1082;
	s9 =	sld [smem:$0x3FB8]  }
0x2f: {  	lr =	sadd.s32 s0, s3;
	s0 =	sld [smem:$0x3FAF]  }
0x30: {  	s3 =	sld [smem:$0x3FB2]  }
0x31: {  	[smem:$0x3FBB] =	sst s10  }
0x32: {  	s10 =	sld [smem:$0x3FB9];
	_ =	sdelay $0x3  }
0x33: {  	p0 =	seq.s32 s10, $0x1;
	s10 =	sld [smem:$0x3FBB];
	_ =	sdelay $0x3  }
0x34: {  	[smem:$0x3FBB] =	sst s10  }
0x35: {  	s10 =	sld [smem:$0x3FBA];
	_ =	sdelay $0x3  }
0x36: {  	p1 =	seq.s32 s10, $0x1;
	s10 =	sld [smem:$0x3FBB];
	_ =	sdelay $0x3  }
0x37: {  	[smem:$0x3FBB] =	sst s10  }
0x38: {  	s10 =	sld [smem:$0x3FBC]  }
0x39: {  	_ = 	snop;
	(pc) =	sbr.ind lr, $3  }
0x3a: {  	_ = 	snop  }
0x3b: {  	_ = 	snop  }
0x3c: {  	p2 =	seq.s32 s10, $0x1;
	s10 =	sld [smem:$0x3FBB]  }
0x3d: {  	_ =	shalt  }
0x3e: {  	_ =	shalt  }
0x3f: {  	_ =	shalt  }
0x40: {  	_ =	shalt  }
0x41: {  	_ =	shalt  }
0x42: {  	_ =	shalt  }
0x43: {  	_ =	shalt  }
0x44: {  	_ =	shalt  }
0x45: {  	_ =	shalt  }
0x46: {  	_ =	shalt  }
0x47: {  	_ =	shalt  }
0x48: {  	_ =	shalt  }
0x49: {  	_ =	shalt  }
0x4a: {  	_ =	shalt  }
0x4b: {  	_ =	shalt  }
0x4c: {  	_ =	shalt  }
0x4d: {  	_ =	shalt  }
0x4e: {  	_ =	shalt  }
0x4f: {  	_ =	shalt  }
0x50: {  	_ =	shalt  }
0x51: {  	_ =	shalt  }
0x52: {  	_ =	shalt  }
0x53: {  	_ =	shalt  }
0x54: {  	_ =	shalt  }
0x55: {  	_ =	shalt  }
0x56: {  	_ =	shalt  }
0x57: {  	_ =	shalt  }
0x58: {  	_ =	shalt  }
0x59: {  	_ =	shalt  }
0x5a: {  	_ =	shalt  }
0x5b: {  	_ =	shalt  }
0x5c: {  	_ =	shalt  }
0x5d: {  	_ =	shalt  }
0x5e: {  	_ =	shalt  }
0x5f: {  	_ =	shalt  }
0x60: {  	_ =	shalt  }
0x61: {  	_ =	shalt  }
0x62: {  	_ =	shalt  }
0x63: {  	_ =	shalt  }
0x64: {  	_ =	shalt  }
0x65: {  	_ =	shalt  }
0x66: {  	_ =	shalt  }
0x67: {  	_ =	shalt  }
0x68: {  	_ =	shalt  }
0x69: {  	_ =	shalt  }
0x6a: {  	_ =	shalt  }
0x6b: {  	_ =	shalt  }
0x6c: {  	_ =	shalt  }
0x6d: {  	_ =	shalt  }
0x6e: {  	_ =	shalt  }
0x6f: {  	_ =	shalt  }
0x70: {  	_ =	shalt  }
0x71: {  	_ =	shalt  }
0x72: {  	_ =	shalt  }
0x73: {  	_ =	shalt  }
0x74: {  	_ =	shalt  }
0x75: {  	_ =	shalt  }
0x76: {  	_ =	shalt  }
0x77: {  	_ =	shalt  }
0x78: {  	_ =	shalt  }
0x79: {  	_ =	shalt  }
0x7a: {  	_ =	shalt  }
0x7b: {  	_ =	shalt  }
0x7c: {  	_ =	shalt  }
0x7d: {  	_ =	shalt  }
0x7e: {  	_ =	shalt  }
0x7f: {  	_ =	shalt  }
0x80: {  	_ =	shalt  }
0x81: {  	_ =	shalt  }
0x82: {  	_ =	shalt  }
0x83: {  	_ =	shalt  }
0x84: {  	_ =	shalt  }
0x85: {  	_ =	shalt  }
0x86: {  	_ =	shalt  }
0x87: {  	_ =	shalt  }
.Lfunc_end0:
.L_simem_size_0:
called_computation_lowered:
.L_overlay_start_0:
0x88: {  	s2 =	sld [smem:$0x3FD9]  }
0x89: {  	s3 =	sld [smem:$0x3FFE];
	_ =	sdelay $0x1  }
0x8a: {  	s1 =	srdreg.scid  }
0x8b: {  	s0 =	sand.u32 $0x1, s1  }
0x8c: {  	s18 =	sshll.u32 s0, $0xA;
	s2 =	sadd.s32 s3, s2  }
0x8d: {  	s2 =	sadd.s32 s2, s18  }
0x8e: {  	[smem:$0x3FC7] =	sst s2  }
0x8f: {  	_ = 	snop  }
0x90: {  	s2 =	sld [smem:$0x3FC9]  }
0x91: {  	s19 =	sld [smem:$0x3FD0];
	(tm) =	ssettm $0x1  }
0x92: {  	s4 =	sld [smem:$0x3FFB];
	_ =	sdelay $0x3  }
0x93: {  	_ =	strace s4  }
0x94: {  	s4 =	sld [smem:$0x3FFC];
	_ =	sdelay $0x3  }
0x95: {  	_ =	strace s4  }
0x96: {  	s4 =	sld [smem:$0x3FFD];
	_ =	sdelay $0x3  }
0x97: {  	_ =	strace s4  }
0x98: {  	_ =	strace $0x8FFFFFFF  }
0x99: {  	s20 =	sld [smem:$0x3FDB];
	_ =	sdelay $0x1  }
0x9a: {  	s5 =	simm.s32 $_scs_section_size  }
0x9b: {  	s6 =	simm.s32 $_size__tile_overlayer_lowered;
	s7 =	simm.s32 $_tile_overlayer_lowered  }
0x9c: {  	s23 =	simm.s32 $0x1BFF;
	s22 =	sshll.u32 s7, $0x1;
	s4 =	sadd.s32 s5, s20  }
0x9d: {  	s8 =	simm.s32 $0x0;
	s21 =	sshll.u32 s6, $0x1;
	s6 =	sadd.s32 s22, s4  }
0x9e: {  	[timem:s8], [sflag:s23] =	dma.local [hbm:s6], s21  }
0x9f: {  	_ =	swait.ge [sflag:s23], s21  }
0xa0: {  	s5 =	ssub.s32 $0x0, s21;
	[sflag:s23] =	ssyncset.done $0x0  }
0xa1: {  	[sflag:s23] =	ssyncadd.s32 s5;
	_ =	sdelay $0x1  }
0xa2: {  	s24 =	simm.s32 $0x1B8B  }
0xa3: {  	_ =	swait.ge [sflag:s24], $0x1  }
0xa4: {  	[sflag:s24] =	ssyncset.done $0x0  }
0xa5: {  	s25 =	simm.s32 $0x1B8E;
	[sflag:s24] =	ssyncadd.s32 $0xFFFFFFFF  }
0xa6: {  	s26 =	simm.s32 $execute0_lowered;
	[smem:$0x3FD2] =	sst s25  }
0xa7: {  	s5 =	sshll.u32 s26, $0x1;
	_ =	strace $0x80000046;
	[dreg:$0x1] =	wrdreg $0xFFFFFFFF  }
0xa8: {  	s28 =	simm.s32 $_size_execute0_lowered;
	s4 =	sadd.s32 s4, s5;
	[dreg:$0x0] =	wrdreg $0x0  }
0xa9: {  	s5 =	sshll.u32 s28, $0x1;
	[dreg:$0x2] =	wrdreg s4  }
0xaa: {  	[dreg:$0x3] =	wrdreg s5  }
0xab: {  	[dreg:$0x4] =	wrdreg $0xC0  }
0xac: {  	_ =	task [dreg:s8], $0x5FFFF  }
0xad: {  	[dreg:$0x1] =	wrdreg $0xFFFFFFFF  }
0xae: {  	[dreg:$0x0] =	wrdreg $0x60  }
0xaf: {  	[dreg:$0x2] =	wrdreg s2  }
0xb0: {  	[dreg:$0x3] =	wrdreg s19  }
0xb1: {  	[dreg:$0x4] =	wrdreg $0x9  }
0xb2: {  	_ =	task.clear_ibuf [dreg:s8], $0x5FFFF;
	_ =	strace $0x90000046  }
0xb3: {  	s29 =	simm.s32 $0x9;
	_ =	strace $0x80000048  }
0xb4: {  	_ =	swait.ge [sflag:s29], $0x1  }
0xb5: {  	[sflag:s29] =	ssyncadd.s32 $0xFFFFFFFF  }
0xb6: {  	_ =	strace $0x90000048  }
0xb7: {  	_ =	sfence  }
0xb8: {  	s30 =	sld [smem:$0x0];
	_ =	sdelay $0x2  }
0xb9: {  	s31 =	sshll.u32 s1, $0xD;
	s1 =	sshrl.u32 s1, $0x2  }
0xba: {  	s3 =	sand.u32 $0x4000, s31;
	s1 =	sadd.s32 s1, s30  }
0xbb: {  	s0 =	sor.u32 s3, s0;
	s1 =	sshll.u32 s1, $0x11  }
0xbc: {  	s0 =	sor.u32 s1, s0  }
0xbd: {  	s0 =	sadd.s32 $0x8F2B, s0  }
0xbe: {  	[sflag:s0] =	ssyncadd.remote.s32 $0x1  }
0xbf: {  	_ =	sfence.sel $0xFFFF  }
0xc0: {  	[dreg:$0x0] =	wrdreg $0xFFFFFFFF;
	(pc) =	sbr.abs _section_cstart, $3  }
0xc1: {  	[dreg:$0x1] =	wrdreg $0xFFFFFFFF  }
0xc2: {  	_ =	task.clear_ibuf [dreg:s8], $0x2FFFF;
	_ =	strace $0x9FFFFFFF  }
0xc3: {  	(tm) =	ssettm $0x7FFFFFFF  }
tec
execute0_lowered:
.L_overlay_start_1:
0x0: {  	(tag) =	ssettag $0x1  }
0x1: {  	s3 =	rddreg [dreg:$0x0];
	s1 =	srdreg.scid  }
0x2: {  	s0 =	rddreg [dreg:$0x1];
	s4 =	stileid.u32;
	s1 =	sand.u32 $0x1, s1  }
0x3: {  	s2 =	simm.s32 $0x0;
	s4 =	sshll.u32 s4, $0x10;
	s5 =	sshll.u32 s1, $0xF  }
0x4: {  	[smem:$0x7FF] =	sst s2;
	s4 =	sor.u32 s5, s4  }
0x5: {  	_ =	strace $0x80000047;
	s5 =	sadd.s32 s3, s4;
	s6 =	sor.u32 $0x1000, s4  }
0x6: {  	s31 =	sadd.s32 s0, s4;
	[dreg:$0x3] =	wrdreg s5;
	s11 =	sadd.s32 s3, s6  }
0x7: {  	s12 =	sadd.s32 $0x100000, s31;
	[dreg:$0x4] =	wrdreg s11  }
0x8: {  	s13 =	sadd.s32 $0x200000, s31;
	[dreg:$0x5] =	wrdreg s12  }
0x9: {  	s7 =	sor.u32 $0x2000, s4;
	s14 =	sadd.s32 $0x300000, s31;
	[dreg:$0x6] =	wrdreg s13  }
0xa: {  	s15 =	sadd.s32 s3, s7;
	[dreg:$0x7] =	wrdreg s14  }
0xb: {  	s16 =	sadd.s32 s0, s6;
	[dreg:$0x8] =	wrdreg s15  }
0xc: {  	s17 =	sadd.s32 $0x101000, s31;
	[dreg:$0x9] =	wrdreg s16  }
0xd: {  	p0 =	por $0x0, $0x0;
	s18 =	sadd.s32 $0x201000, s31;
	[dreg:$0xa] =	wrdreg s17  }
0xe: {  	s20 =	sor.u32 $0x3000, s4;
	s19 =	sadd.s32 $0x301000, s31;
	[dreg:$0xb] =	wrdreg s18  }
0xf: {  	s29 =	simm.s32 $0x10000;
	s21 =	sadd.s32 s3, s20;
	[dreg:$0xc] =	wrdreg s19  }
0x10: {  	s30 =	simm.s32 $0x3;
	s22 =	sadd.s32 s0, s7;
	[dreg:$0xd] =	wrdreg s21  }
0x11: {  	s1 =	ssub.s32 $0x2, s1;
	s23 =	sadd.s32 $0x102000, s31;
	[dreg:$0xe] =	wrdreg s22  }
0x12: {  	s26 =	sor.u32 $0x4000, s4;
	s24 =	sadd.s32 $0x202000, s31;
	[dreg:$0xf] =	wrdreg s23  }
0x13: {  	s25 =	sadd.s32 $0x302000, s31;
	s8 =	sadd.s32 s3, s26;
	[dreg:$0x10] =	wrdreg s24  }
0x14: {  	s9 =	sadd.s32 s0, s20;
	s10 =	sadd.s32 $0x103000, s31;
	[dreg:$0x11] =	wrdreg s25  }
0x15: {  	s20 =	sadd.s32 $0x205000, s31;
	s6 =	sadd.s32 $0x107000, s31;
	[dreg:$0x12] =	wrdreg s8  }
0x16: {  	s7 =	sadd.s32 $0x207000, s31;
	[dreg:$0x13] =	wrdreg s9;
	s11 =	sshrl.u32 s1, $0x1  }
0x17: {  	[dreg:$0x14] =	wrdreg s10;
	s12 =	sadd.s32 $0x203000, s31;
	s13 =	sadd.s32 $0x303000, s31  }
0x18: {  	s8 =	sor.u32 $0x5000, s4;
	s23 =	sadd.s32 s0, s26;
	s24 =	sadd.s32 $0x104000, s31  }
0x19: {  	s14 =	sor.u32 $0x6000, s4;
	s25 =	sadd.s32 $0x204000, s31;
	s26 =	sadd.s32 $0x304000, s31  }
0x1a: {  	s19 =	sadd.s32 $0x105000, s31;
	s4 =	sor.u32 $0x7000, s4;
	s21 =	sadd.s32 $0x305000, s31  }
0x1b: {  	s9 =	simm.s32 $0x8000;
	s17 =	simm.s32 $0x1;
	s1 =	ssub.s32 s1, s11  }
0x1c: {  	s10 =	simm.s32 $0x2;
	[dreg:$0x15] =	wrdreg s12;
	s16 =	smax.u32 s1, $0x1  }
0x1d: {  	[dreg:$0x16] =	wrdreg s13;
	s28 =	sadd.s32 s3, s8;
	p1 =	sne.s32 s16, $0x1  }
.Ltmp0:
0x1e: {  	s22 =	sadd.s32 s3, s14;
	s18 =	sadd.s32 s0, s8;
	(pc) =	sbr.rel @!p1 .LBB2_5-.Ltmp0, $4  }
0x1f: {  	s15 =	sadd.s32 s3, s4;
	s11 =	sadd.s32 s0, s14;
	s12 =	sadd.s32 $0x106000, s31  }
0x20: {  	s13 =	sadd.s32 $0x206000, s31;
	s14 =	sadd.s32 $0x306000, s31;
	s5 =	sadd.s32 s0, s4  }
0x21: {  	s8 =	sadd.s32 $0x307000, s31;
	s4 =	simm.s32 $0x4;
	s3 =	simm.s32 $0x5  }
0x22: {  	s1 =	rddreg [dreg:$0x3];
	s0 =	sadd.s32 $0xFFFFFFFF, s16;
	s16 =	simm.s32 $0x6  }
0x23: {  	[dreg:$0x18] =	wrdreg s0  }
0x24: {  	[tilespmem:s2], [sflag:$0x1] =	stream.linear.gather [hbm4b:s1+s2], $0x8000, $0x38;
	[tilespmem:$0x18000] =	vst v63  }
0x25: {  	s0 =	rddreg [dreg:$0x4]  }
0x26: {  	[tilespmem:s9], [sflag:$0x2] =	stream.linear.gather [hbm4b:s0+s2], $0x8000, $0x38;
	[tilespmem:$0x18000] =	vst v63  }
0x27: {  	_ =	swait.ge [sflag:s17], $0x8000  }
0x28: {  	[sflag:s17] =	ssyncset.done $0x0  }
0x29: {  	[sflag:s17] =	ssyncadd.s32 $0xFFFF8000  }
0x2a: {  	[hbm4b:s31+s2] =	stream.linear.scatter [tilespmem:s2], [sflag:$0x4], $0x8000, $0x38;
	[tilespmem:$0x18000] =	vst v63  }
0x2b: {  	s0 =	rddreg [dreg:$0x5]  }
0x2c: {  	[hbm4b:s0+s2] =	stream.linear.scatter [tilespmem:s2], [sflag:$0x4], $0x8000, $0x38;
	[tilespmem:$0x18000] =	vst v63  }
0x2d: {  	s1 =	rddreg [dreg:$0x6]  }
0x2e: {  	[hbm4b:s1+s2] =	stream.linear.scatter [tilespmem:s2], [sflag:$0x4], $0x8000, $0x38;
	[tilespmem:$0x18000] =	vst v63  }
0x2f: {  	s0 =	rddreg [dreg:$0x7]  }
0x30: {  	[hbm4b:s0+s2] =	stream.linear.scatter [tilespmem:s2], [sflag:$0x4], $0x8000, $0x38;
	[tilespmem:$0x18000] =	vst v63  }
0x31: {  	s1 =	rddreg [dreg:$0x8]  }
0x32: {  	[tilespmem:s29], [sflag:$0x3] =	stream.linear.gather [hbm4b:s1+s2], $0x8000, $0x38;
	[tilespmem:$0x18000] =	vst v63  }
0x33: {  	_ =	swait.ge [sflag:s10], $0x8000  }
0x34: {  	[sflag:s10] =	ssyncset.done $0x0  }
0x35: {  	s0 =	rddreg [dreg:$0x9];
	[sflag:s10] =	ssyncadd.s32 $0xFFFF8000  }
0x36: {  	[hbm4b:s0+s2] =	stream.linear.scatter [tilespmem:s9], [sflag:$0x5], $0x8000, $0x38;
	[tilespmem:$0x18000] =	vst v63  }
0x37: {  	s1 =	rddreg [dreg:$0xa]  }
0x38: {  	[hbm4b:s1+s2] =	stream.linear.scatter [tilespmem:s9], [sflag:$0x5], $0x8000, $0x38;
	[tilespmem:$0x18000] =	vst v63  }
0x39: {  	s0 =	rddreg [dreg:$0xb]  }
0x3a: {  	[hbm4b:s0+s2] =	stream.linear.scatter [tilespmem:s9], [sflag:$0x5], $0x8000, $0x38;
	[tilespmem:$0x18000] =	vst v63  }
0x3b: {  	s1 =	rddreg [dreg:$0xc]  }
0x3c: {  	[hbm4b:s1+s2] =	stream.linear.scatter [tilespmem:s9], [sflag:$0x5], $0x8000, $0x38;
	[tilespmem:$0x18000] =	vst v63  }
0x3d: {  	_ =	swait.ge [sflag:s4], $0x8000  }
0x3e: {  	[sflag:s4] =	ssyncset.done $0x0  }
0x3f: {  	[sflag:s4] =	ssyncadd.s32 $0xFFFF8000  }
0x40: {  	_ =	swait.ge [sflag:s4], $0x8000  }
0x41: {  	[sflag:s4] =	ssyncset.done $0x0  }
0x42: {  	[sflag:s4] =	ssyncadd.s32 $0xFFFF8000  }
0x43: {  	_ =	swait.ge [sflag:s4], $0x8000  }
0x44: {  	[sflag:s4] =	ssyncset.done $0x0  }
0x45: {  	[sflag:s4] =	ssyncadd.s32 $0xFFFF8000  }
0x46: {  	_ =	swait.ge [sflag:s4], $0x8000  }
0x47: {  	[sflag:s4] =	ssyncset.done $0x0  }
0x48: {  	s1 =	rddreg [dreg:$0xd];
	[sflag:s4] =	ssyncadd.s32 $0xFFFF8000  }
0x49: {  	[tilespmem:s2], [sflag:$0x1] =	stream.linear.gather [hbm4b:s1+s2], $0x8000, $0x38;
	[tilespmem:$0x18000] =	vst v63  }
0x4a: {  	_ =	swait.ge [sflag:s30], $0x8000  }
0x4b: {  	[sflag:s30] =	ssyncset.done $0x0  }
0x4c: {  	s0 =	rddreg [dreg:$0xe];
	[sflag:s30] =	ssyncadd.s32 $0xFFFF8000  }
0x4d: {  	[hbm4b:s0+s2] =	stream.linear.scatter [tilespmem:s29], [sflag:$0x6], $0x8000, $0x38;
	[tilespmem:$0x18000] =	vst v63  }
0x4e: {  	s1 =	rddreg [dreg:$0xf]  }
0x4f: {  	[hbm4b:s1+s2] =	stream.linear.scatter [tilespmem:s29], [sflag:$0x6], $0x8000, $0x38;
	[tilespmem:$0x18000] =	vst v63  }
0x50: {  	s0 =	rddreg [dreg:$0x10]  }
0x51: {  	[hbm4b:s0+s2] =	stream.linear.scatter [tilespmem:s29], [sflag:$0x6], $0x8000, $0x38;
	[tilespmem:$0x18000] =	vst v63  }
0x52: {  	s1 =	rddreg [dreg:$0x11]  }
0x53: {  	[hbm4b:s1+s2] =	stream.linear.scatter [tilespmem:s29], [sflag:$0x6], $0x8000, $0x38;
	[tilespmem:$0x18000] =	vst v63  }
0x54: {  	_ =	swait.ge [sflag:s3], $0x8000  }
0x55: {  	[sflag:s3] =	ssyncset.done $0x0  }
0x56: {  	[sflag:s3] =	ssyncadd.s32 $0xFFFF8000  }
0x57: {  	_ =	swait.ge [sflag:s3], $0x8000  }
0x58: {  	[sflag:s3] =	ssyncset.done $0x0  }
0x59: {  	[sflag:s3] =	ssyncadd.s32 $0xFFFF8000  }
0x5a: {  	_ =	swait.ge [sflag:s3], $0x8000  }
0x5b: {  	[sflag:s3] =	ssyncset.done $0x0  }
0x5c: {  	[sflag:s3] =	ssyncadd.s32 $0xFFFF8000  }
0x5d: {  	_ =	swait.ge [sflag:s3], $0x8000  }
0x5e: {  	[sflag:s3] =	ssyncset.done $0x0  }
0x5f: {  	s1 =	rddreg [dreg:$0x12];
	[sflag:s3] =	ssyncadd.s32 $0xFFFF8000  }
0x60: {  	[tilespmem:s9], [sflag:$0x2] =	stream.linear.gather [hbm4b:s1+s2], $0x8000, $0x38;
	[tilespmem:$0x18000] =	vst v63  }
0x61: {  	_ =	swait.ge [sflag:s17], $0x8000  }
0x62: {  	[sflag:s17] =	ssyncset.done $0x0  }
0x63: {  	s0 =	rddreg [dreg:$0x13];
	[sflag:s17] =	ssyncadd.s32 $0xFFFF8000  }
0x64: {  	[hbm4b:s0+s2] =	stream.linear.scatter [tilespmem:s2], [sflag:$0x4], $0x8000, $0x38;
	[tilespmem:$0x18000] =	vst v63  }
0x65: {  	s1 =	rddreg [dreg:$0x14]  }
0x66: {  	[hbm4b:s1+s2] =	stream.linear.scatter [tilespmem:s2], [sflag:$0x4], $0x8000, $0x38;
	[tilespmem:$0x18000] =	vst v63  }
0x67: {  	s0 =	rddreg [dreg:$0x15]  }
0x68: {  	[hbm4b:s0+s2] =	stream.linear.scatter [tilespmem:s2], [sflag:$0x4], $0x8000, $0x38;
	[tilespmem:$0x18000] =	vst v63  }
0x69: {  	s1 =	rddreg [dreg:$0x16]  }
0x6a: {  	[hbm4b:s1+s2] =	stream.linear.scatter [tilespmem:s2], [sflag:$0x4], $0x8000, $0x38;
	[tilespmem:$0x18000] =	vst v63  }
0x6b: {  	_ =	swait.ge [sflag:s16], $0x8000  }
0x6c: {  	[sflag:s16] =	ssyncset.done $0x0  }
0x6d: {  	[sflag:s16] =	ssyncadd.s32 $0xFFFF8000  }
0x6e: {  	_ =	swait.ge [sflag:s16], $0x8000  }
0x6f: {  	[sflag:s16] =	ssyncset.done $0x0  }
0x70: {  	[sflag:s16] =	ssyncadd.s32 $0xFFFF8000  }
0x71: {  	_ =	swait.ge [sflag:s16], $0x8000  }
0x72: {  	[sflag:s16] =	ssyncset.done $0x0  }
0x73: {  	[sflag:s16] =	ssyncadd.s32 $0xFFFF8000  }
0x74: {  	_ =	swait.ge [sflag:s16], $0x8000  }
0x75: {  	[sflag:s16] =	ssyncset.done $0x0  }
0x76: {  	[sflag:s16] =	ssyncadd.s32 $0xFFFF8000  }
0x77: {  	[tilespmem:s29], [sflag:$0x3] =	stream.linear.gather [hbm4b:s28+s2], $0x8000, $0x38;
	[tilespmem:$0x18000] =	vst v63  }
0x78: {  	_ =	swait.ge [sflag:s10], $0x8000  }
0x79: {  	[sflag:s10] =	ssyncset.done $0x0  }
0x7a: {  	[sflag:s10] =	ssyncadd.s32 $0xFFFF8000  }
0x7b: {  	[hbm4b:s23+s2] =	stream.linear.scatter [tilespmem:s9], [sflag:$0x5], $0x8000, $0x38;
	[tilespmem:$0x18000] =	vst v63  }
0x7c: {  	_ = 	snop  }
0x7d: {  	[hbm4b:s24+s2] =	stream.linear.scatter [tilespmem:s9], [sflag:$0x5], $0x8000, $0x38;
	[tilespmem:$0x18000] =	vst v63  }
0x7e: {  	_ = 	snop  }
0x7f: {  	[hbm4b:s25+s2] =	stream.linear.scatter [tilespmem:s9], [sflag:$0x5], $0x8000, $0x38;
	[tilespmem:$0x18000] =	vst v63  }
0x80: {  	_ = 	snop  }
0x81: {  	[hbm4b:s26+s2] =	stream.linear.scatter [tilespmem:s9], [sflag:$0x5], $0x8000, $0x38;
	[tilespmem:$0x18000] =	vst v63  }
0x82: {  	_ =	swait.ge [sflag:s4], $0x8000  }
0x83: {  	[sflag:s4] =	ssyncset.done $0x0  }
0x84: {  	[sflag:s4] =	ssyncadd.s32 $0xFFFF8000  }
0x85: {  	_ =	swait.ge [sflag:s4], $0x8000  }
0x86: {  	[sflag:s4] =	ssyncset.done $0x0  }
0x87: {  	[sflag:s4] =	ssyncadd.s32 $0xFFFF8000  }
0x88: {  	_ =	swait.ge [sflag:s4], $0x8000  }
0x89: {  	[sflag:s4] =	ssyncset.done $0x0  }
0x8a: {  	[sflag:s4] =	ssyncadd.s32 $0xFFFF8000  }
0x8b: {  	_ =	swait.ge [sflag:s4], $0x8000  }
0x8c: {  	[sflag:s4] =	ssyncset.done $0x0  }
0x8d: {  	[sflag:s4] =	ssyncadd.s32 $0xFFFF8000  }
0x8e: {  	[tilespmem:s2], [sflag:$0x1] =	stream.linear.gather [hbm4b:s22+s2], $0x8000, $0x38;
	[tilespmem:$0x18000] =	vst v63  }
0x8f: {  	_ =	swait.ge [sflag:s30], $0x8000  }
0x90: {  	[sflag:s30] =	ssyncset.done $0x0  }
0x91: {  	[sflag:s30] =	ssyncadd.s32 $0xFFFF8000  }
0x92: {  	[hbm4b:s18+s2] =	stream.linear.scatter [tilespmem:s29], [sflag:$0x6], $0x8000, $0x38;
	[tilespmem:$0x18000] =	vst v63  }
0x93: {  	_ = 	snop  }
0x94: {  	[hbm4b:s19+s2] =	stream.linear.scatter [tilespmem:s29], [sflag:$0x6], $0x8000, $0x38;
	[tilespmem:$0x18000] =	vst v63  }
0x95: {  	_ = 	snop  }
0x96: {  	[hbm4b:s20+s2] =	stream.linear.scatter [tilespmem:s29], [sflag:$0x6], $0x8000, $0x38;
	[tilespmem:$0x18000] =	vst v63  }
0x97: {  	_ = 	snop  }
0x98: {  	[hbm4b:s21+s2] =	stream.linear.scatter [tilespmem:s29], [sflag:$0x6], $0x8000, $0x38;
	[tilespmem:$0x18000] =	vst v63  }
0x99: {  	_ =	swait.ge [sflag:s3], $0x8000  }
0x9a: {  	[sflag:s3] =	ssyncset.done $0x0  }
0x9b: {  	[sflag:s3] =	ssyncadd.s32 $0xFFFF8000  }
0x9c: {  	_ =	swait.ge [sflag:s3], $0x8000  }
0x9d: {  	[sflag:s3] =	ssyncset.done $0x0  }
0x9e: {  	[sflag:s3] =	ssyncadd.s32 $0xFFFF8000  }
0x9f: {  	_ =	swait.ge [sflag:s3], $0x8000  }
0xa0: {  	[sflag:s3] =	ssyncset.done $0x0  }
0xa1: {  	[sflag:s3] =	ssyncadd.s32 $0xFFFF8000  }
0xa2: {  	_ =	swait.ge [sflag:s3], $0x8000  }
0xa3: {  	[sflag:s3] =	ssyncset.done $0x0  }
0xa4: {  	[sflag:s3] =	ssyncadd.s32 $0xFFFF8000  }
0xa5: {  	[tilespmem:s9], [sflag:$0x2] =	stream.linear.gather [hbm4b:s15+s2], $0x8000, $0x38;
	[tilespmem:$0x18000] =	vst v63  }
0xa6: {  	_ =	swait.ge [sflag:s17], $0x8000  }
0xa7: {  	[sflag:s17] =	ssyncset.done $0x0  }
0xa8: {  	[sflag:s17] =	ssyncadd.s32 $0xFFFF8000  }
0xa9: {  	[hbm4b:s11+s2] =	stream.linear.scatter [tilespmem:s2], [sflag:$0x4], $0x8000, $0x38;
	[tilespmem:$0x18000] =	vst v63  }
0xaa: {  	_ = 	snop  }
0xab: {  	[hbm4b:s12+s2] =	stream.linear.scatter [tilespmem:s2], [sflag:$0x4], $0x8000, $0x38;
	[tilespmem:$0x18000] =	vst v63  }
0xac: {  	_ = 	snop  }
0xad: {  	[hbm4b:s13+s2] =	stream.linear.scatter [tilespmem:s2], [sflag:$0x4], $0x8000, $0x38;
	[tilespmem:$0x18000] =	vst v63  }
0xae: {  	_ = 	snop  }
0xaf: {  	[hbm4b:s14+s2] =	stream.linear.scatter [tilespmem:s2], [sflag:$0x4], $0x8000, $0x38;
	[tilespmem:$0x18000] =	vst v63  }
0xb0: {  	_ =	swait.ge [sflag:s16], $0x8000  }
0xb1: {  	[sflag:s16] =	ssyncset.done $0x0  }
0xb2: {  	[sflag:s16] =	ssyncadd.s32 $0xFFFF8000  }
0xb3: {  	_ =	swait.ge [sflag:s16], $0x8000  }
0xb4: {  	[sflag:s16] =	ssyncset.done $0x0  }
0xb5: {  	[sflag:s16] =	ssyncadd.s32 $0xFFFF8000  }
0xb6: {  	_ =	swait.ge [sflag:s16], $0x8000  }
0xb7: {  	[sflag:s16] =	ssyncset.done $0x0  }
0xb8: {  	[sflag:s16] =	ssyncadd.s32 $0xFFFF8000  }
0xb9: {  	_ =	swait.ge [sflag:s16], $0x8000  }
0xba: {  	[sflag:s16] =	ssyncset.done $0x0  }
0xbb: {  	[sflag:s16] =	ssyncadd.s32 $0xFFFF8000  }
0xbc: {  	_ =	swait.ge [sflag:s10], $0x8000  }
0xbd: {  	[sflag:s10] =	ssyncset.done $0x0  }
0xbe: {  	[sflag:s10] =	ssyncadd.s32 $0xFFFF8000  }
0xbf: {  	[hbm4b:s5+s2] =	stream.linear.scatter [tilespmem:s9], [sflag:$0x5], $0x8000, $0x38;
	[tilespmem:$0x18000] =	vst v63  }
0xc0: {  	_ = 	snop  }
0xc1: {  	[hbm4b:s6+s2] =	stream.linear.scatter [tilespmem:s9], [sflag:$0x5], $0x8000, $0x38;
	[tilespmem:$0x18000] =	vst v63  }
0xc2: {  	_ = 	snop  }
0xc3: {  	[hbm4b:s7+s2] =	stream.linear.scatter [tilespmem:s9], [sflag:$0x5], $0x8000, $0x38;
	[tilespmem:$0x18000] =	vst v63  }
0xc4: {  	_ = 	snop  }
0xc5: {  	[hbm4b:s8+s2] =	stream.linear.scatter [tilespmem:s9], [sflag:$0x5], $0x8000, $0x38;
	[tilespmem:$0x18000] =	vst v63  }
0xc6: {  	_ =	swait.ge [sflag:s4], $0x8000  }
0xc7: {  	[sflag:s4] =	ssyncset.done $0x0  }
0xc8: {  	[sflag:s4] =	ssyncadd.s32 $0xFFFF8000  }
0xc9: {  	_ =	swait.ge [sflag:s4], $0x8000  }
0xca: {  	[sflag:s4] =	ssyncset.done $0x0  }
0xcb: {  	[sflag:s4] =	ssyncadd.s32 $0xFFFF8000  }
0xcc: {  	_ =	swait.ge [sflag:s4], $0x8000  }
0xcd: {  	[sflag:s4] =	ssyncset.done $0x0  }
0xce: {  	[sflag:s4] =	ssyncadd.s32 $0xFFFF8000  }
0xcf: {  	_ =	swait.ge [sflag:s4], $0x8000  }
0xd0: {  	[sflag:s4] =	ssyncset.done $0x0  }
0xd1: {  	[sflag:s4] =	ssyncadd.s32 $0xFFFF8000  }
0xd2: {  	_ =	swait.ge [sflag:s3], $0x8000  }
0xd3: {  	[sflag:s3] =	ssyncset.done $0x0  }
0xd4: {  	[sflag:s3] =	ssyncadd.s32 $0xFFFF8000  }
0xd5: {  	_ =	swait.ge [sflag:s3], $0x8000  }
0xd6: {  	[sflag:s3] =	ssyncset.done $0x0  }
0xd7: {  	[sflag:s3] =	ssyncadd.s32 $0xFFFF8000  }
0xd8: {  	_ =	swait.ge [sflag:s3], $0x8000  }
0xd9: {  	s1 =	rddreg [dreg:$0x18]  }
0xda: {  	p1 =	sne.s32 s1, $0x1  }
.Ltmp1:
0xdb: {  	_ = 	snop;
	(pc) =	sbr.rel @!p1 .LBB2_2-.Ltmp1, $4  }
0xdc: {  	[sflag:s3] =	ssyncset.done $0x0  }
0xdd: {  	[sflag:s3] =	ssyncadd.s32 $0xFFFF8000  }
0xde: {  	p0 =	por $0x1, $0x1;
	_ =	swait.ge [sflag:s3], $0x8000;
	[dreg:$0x17] =	wrdreg s31  }
0xdf: {  	s0 =	sadd.s32 $0xFFFFFFFF, s1;
	s1 =	rddreg [dreg:$0x3];
	[sflag:s3] =	ssyncset.done $0x0  }
.LBB2_3:
0xe0: {  	[sflag:s3] =	ssyncadd.s32 $0xFFFF8000;
	s31 =	smov.u32 s28;
	s28 =	smov.u32 s26  }
0xe1: {  	s26 =	smov.u32 s25;
	s25 =	smov.u32 s24;
	s24 =	smov.u32 s23  }
0xe2: {  	s23 =	smov.u32 s22;
	s22 =	smov.u32 s21;
	s21 =	smov.u32 s20  }
0xe3: {  	s20 =	smov.u32 s19;
	s19 =	smov.u32 s18;
	s18 =	smov.u32 s15  }
0xe4: {  	s15 =	smov.u32 s14;
	s14 =	smov.u32 s13;
	s13 =	smov.u32 s12  }
0xe5: {  	s12 =	smov.u32 s11;
	s11 =	smov.u32 s8;
	s8 =	smov.u32 s7  }
0xe6: {  	[tilespmem:s2], [sflag:$0x1] =	stream.linear.gather [hbm4b:s1+s2], $0x8000, $0x38;
	[tilespmem:$0x18000] =	vst v63  }
0xe7: {  	s7 =	smov.u32 s6;
	s6 =	smov.u32 s5;
	s5 =	rddreg [dreg:$0x4]  }
0xe8: {  	[tilespmem:s9], [sflag:$0x2] =	stream.linear.gather [hbm4b:s5+s2], $0x8000, $0x38;
	[tilespmem:$0x18000] =	vst v63  }
0xe9: {  	_ =	swait.ge [sflag:s17], $0x8000  }
0xea: {  	[sflag:s17] =	ssyncset.done $0x0  }
0xeb: {  	s5 =	rddreg [dreg:$0x17];
	[sflag:s17] =	ssyncadd.s32 $0xFFFF8000  }
0xec: {  	[hbm4b:s5+s2] =	stream.linear.scatter [tilespmem:s2], [sflag:$0x4], $0x8000, $0x38;
	[tilespmem:$0x18000] =	vst v63  }
0xed: {  	s1 =	rddreg [dreg:$0x5]  }
0xee: {  	[hbm4b:s1+s2] =	stream.linear.scatter [tilespmem:s2], [sflag:$0x4], $0x8000, $0x38;
	[tilespmem:$0x18000] =	vst v63  }
0xef: {  	s5 =	rddreg [dreg:$0x6]  }
0xf0: {  	[hbm4b:s5+s2] =	stream.linear.scatter [tilespmem:s2], [sflag:$0x4], $0x8000, $0x38;
	[tilespmem:$0x18000] =	vst v63  }
0xf1: {  	s1 =	rddreg [dreg:$0x7]  }
0xf2: {  	[hbm4b:s1+s2] =	stream.linear.scatter [tilespmem:s2], [sflag:$0x4], $0x8000, $0x38;
	[tilespmem:$0x18000] =	vst v63  }
0xf3: {  	s5 =	rddreg [dreg:$0x8]  }
0xf4: {  	[tilespmem:s29], [sflag:$0x3] =	stream.linear.gather [hbm4b:s5+s2], $0x8000, $0x38;
	[tilespmem:$0x18000] =	vst v63  }
0xf5: {  	_ =	swait.ge [sflag:s10], $0x8000  }
0xf6: {  	[sflag:s10] =	ssyncset.done $0x0  }
0xf7: {  	s1 =	rddreg [dreg:$0x9];
	[sflag:s10] =	ssyncadd.s32 $0xFFFF8000  }
0xf8: {  	[hbm4b:s1+s2] =	stream.linear.scatter [tilespmem:s9], [sflag:$0x5], $0x8000, $0x38;
	[tilespmem:$0x18000] =	vst v63  }
0xf9: {  	s5 =	rddreg [dreg:$0xa]  }
0xfa: {  	[hbm4b:s5+s2] =	stream.linear.scatter [tilespmem:s9], [sflag:$0x5], $0x8000, $0x38;
	[tilespmem:$0x18000] =	vst v63  }
0xfb: {  	s1 =	rddreg [dreg:$0xb]  }
0xfc: {  	[hbm4b:s1+s2] =	stream.linear.scatter [tilespmem:s9], [sflag:$0x5], $0x8000, $0x38;
	[tilespmem:$0x18000] =	vst v63  }
0xfd: {  	s5 =	rddreg [dreg:$0xc]  }
0xfe: {  	[hbm4b:s5+s2] =	stream.linear.scatter [tilespmem:s9], [sflag:$0x5], $0x8000, $0x38;
	[tilespmem:$0x18000] =	vst v63  }
0xff: {  	_ =	swait.ge [sflag:s4], $0x8000  }
0x100: {  	[sflag:s4] =	ssyncset.done $0x0  }
0x101: {  	[sflag:s4] =	ssyncadd.s32 $0xFFFF8000  }
0x102: {  	_ =	swait.ge [sflag:s4], $0x8000  }
0x103: {  	[sflag:s4] =	ssyncset.done $0x0  }
0x104: {  	[sflag:s4] =	ssyncadd.s32 $0xFFFF8000  }
0x105: {  	_ =	swait.ge [sflag:s4], $0x8000  }
0x106: {  	[sflag:s4] =	ssyncset.done $0x0  }
0x107: {  	[sflag:s4] =	ssyncadd.s32 $0xFFFF8000  }
0x108: {  	_ =	swait.ge [sflag:s4], $0x8000  }
0x109: {  	[sflag:s4] =	ssyncset.done $0x0  }
0x10a: {  	s5 =	rddreg [dreg:$0xd];
	[sflag:s4] =	ssyncadd.s32 $0xFFFF8000  }
0x10b: {  	[tilespmem:s2], [sflag:$0x1] =	stream.linear.gather [hbm4b:s5+s2], $0x8000, $0x38;
	[tilespmem:$0x18000] =	vst v63  }
0x10c: {  	_ =	swait.ge [sflag:s30], $0x8000  }
0x10d: {  	[sflag:s30] =	ssyncset.done $0x0  }
0x10e: {  	s1 =	rddreg [dreg:$0xe];
	[sflag:s30] =	ssyncadd.s32 $0xFFFF8000  }
0x10f: {  	[hbm4b:s1+s2] =	stream.linear.scatter [tilespmem:s29], [sflag:$0x6], $0x8000, $0x38;
	[tilespmem:$0x18000] =	vst v63  }
0x110: {  	s5 =	rddreg [dreg:$0xf]  }
0x111: {  	[hbm4b:s5+s2] =	stream.linear.scatter [tilespmem:s29], [sflag:$0x6], $0x8000, $0x38;
	[tilespmem:$0x18000] =	vst v63  }
0x112: {  	s1 =	rddreg [dreg:$0x10]  }
0x113: {  	[hbm4b:s1+s2] =	stream.linear.scatter [tilespmem:s29], [sflag:$0x6], $0x8000, $0x38;
	[tilespmem:$0x18000] =	vst v63  }
0x114: {  	s5 =	rddreg [dreg:$0x11]  }
0x115: {  	[hbm4b:s5+s2] =	stream.linear.scatter [tilespmem:s29], [sflag:$0x6], $0x8000, $0x38;
	[tilespmem:$0x18000] =	vst v63  }
0x116: {  	_ =	swait.ge [sflag:s3], $0x8000  }
0x117: {  	[sflag:s3] =	ssyncset.done $0x0  }
0x118: {  	[sflag:s3] =	ssyncadd.s32 $0xFFFF8000  }
0x119: {  	_ =	swait.ge [sflag:s3], $0x8000  }
0x11a: {  	[sflag:s3] =	ssyncset.done $0x0  }
0x11b: {  	[sflag:s3] =	ssyncadd.s32 $0xFFFF8000  }
0x11c: {  	_ =	swait.ge [sflag:s3], $0x8000  }
0x11d: {  	[sflag:s3] =	ssyncset.done $0x0  }
0x11e: {  	[sflag:s3] =	ssyncadd.s32 $0xFFFF8000  }
0x11f: {  	_ =	swait.ge [sflag:s3], $0x8000  }
0x120: {  	[sflag:s3] =	ssyncset.done $0x0  }
0x121: {  	s5 =	rddreg [dreg:$0x12];
	[sflag:s3] =	ssyncadd.s32 $0xFFFF8000  }
0x122: {  	[tilespmem:s9], [sflag:$0x2] =	stream.linear.gather [hbm4b:s5+s2], $0x8000, $0x38;
	[tilespmem:$0x18000] =	vst v63  }
0x123: {  	_ =	swait.ge [sflag:s17], $0x8000  }
0x124: {  	[sflag:s17] =	ssyncset.done $0x0  }
0x125: {  	s1 =	rddreg [dreg:$0x13];
	[sflag:s17] =	ssyncadd.s32 $0xFFFF8000  }
0x126: {  	[hbm4b:s1+s2] =	stream.linear.scatter [tilespmem:s2], [sflag:$0x4], $0x8000, $0x38;
	[tilespmem:$0x18000] =	vst v63  }
0x127: {  	s5 =	rddreg [dreg:$0x14]  }
0x128: {  	[hbm4b:s5+s2] =	stream.linear.scatter [tilespmem:s2], [sflag:$0x4], $0x8000, $0x38;
	[tilespmem:$0x18000] =	vst v63  }
0x129: {  	s1 =	rddreg [dreg:$0x15]  }
0x12a: {  	[hbm4b:s1+s2] =	stream.linear.scatter [tilespmem:s2], [sflag:$0x4], $0x8000, $0x38;
	[tilespmem:$0x18000] =	vst v63  }
0x12b: {  	s5 =	rddreg [dreg:$0x16]  }
0x12c: {  	[hbm4b:s5+s2] =	stream.linear.scatter [tilespmem:s2], [sflag:$0x4], $0x8000, $0x38;
	[tilespmem:$0x18000] =	vst v63  }
0x12d: {  	_ =	swait.ge [sflag:s16], $0x8000  }
0x12e: {  	[sflag:s16] =	ssyncset.done $0x0  }
0x12f: {  	[sflag:s16] =	ssyncadd.s32 $0xFFFF8000  }
0x130: {  	_ =	swait.ge [sflag:s16], $0x8000  }
0x131: {  	[sflag:s16] =	ssyncset.done $0x0  }
0x132: {  	[sflag:s16] =	ssyncadd.s32 $0xFFFF8000  }
0x133: {  	_ =	swait.ge [sflag:s16], $0x8000  }
0x134: {  	s5 =	smov.u32 s6;
	[sflag:s16] =	ssyncset.done $0x0  }
0x135: {  	s6 =	smov.u32 s7;
	s7 =	smov.u32 s8;
	[sflag:s16] =	ssyncadd.s32 $0xFFFF8000  }
0x136: {  	s8 =	smov.u32 s11;
	s11 =	smov.u32 s12;
	_ =	swait.ge [sflag:s16], $0x8000  }
0x137: {  	s12 =	smov.u32 s13;
	s13 =	smov.u32 s14;
	[sflag:s16] =	ssyncset.done $0x0  }
0x138: {  	s14 =	smov.u32 s15;
	s15 =	smov.u32 s18;
	[sflag:s16] =	ssyncadd.s32 $0xFFFF8000  }
0x139: {  	[tilespmem:s29], [sflag:$0x3] =	stream.linear.gather [hbm4b:s31+s2], $0x8000, $0x38;
	[tilespmem:$0x18000] =	vst v63  }
0x13a: {  	s18 =	smov.u32 s19;
	s19 =	smov.u32 s20;
	_ =	swait.ge [sflag:s10], $0x8000  }
0x13b: {  	s20 =	smov.u32 s21;
	s21 =	smov.u32 s22;
	[sflag:s10] =	ssyncset.done $0x0  }
0x13c: {  	s22 =	smov.u32 s23;
	s23 =	smov.u32 s24;
	[sflag:s10] =	ssyncadd.s32 $0xFFFF8000  }
0x13d: {  	[hbm4b:s23+s2] =	stream.linear.scatter [tilespmem:s9], [sflag:$0x5], $0x8000, $0x38;
	[tilespmem:$0x18000] =	vst v63  }
0x13e: {  	s24 =	smov.u32 s25  }
0x13f: {  	[hbm4b:s24+s2] =	stream.linear.scatter [tilespmem:s9], [sflag:$0x5], $0x8000, $0x38;
	[tilespmem:$0x18000] =	vst v63  }
0x140: {  	s25 =	smov.u32 s26  }
0x141: {  	[hbm4b:s25+s2] =	stream.linear.scatter [tilespmem:s9], [sflag:$0x5], $0x8000, $0x38;
	[tilespmem:$0x18000] =	vst v63  }
0x142: {  	s26 =	smov.u32 s28  }
0x143: {  	[hbm4b:s26+s2] =	stream.linear.scatter [tilespmem:s9], [sflag:$0x5], $0x8000, $0x38;
	[tilespmem:$0x18000] =	vst v63  }
0x144: {  	_ =	swait.ge [sflag:s4], $0x8000  }
0x145: {  	[sflag:s4] =	ssyncset.done $0x0  }
0x146: {  	[sflag:s4] =	ssyncadd.s32 $0xFFFF8000  }
0x147: {  	_ =	swait.ge [sflag:s4], $0x8000  }
0x148: {  	[sflag:s4] =	ssyncset.done $0x0  }
0x149: {  	[sflag:s4] =	ssyncadd.s32 $0xFFFF8000  }
0x14a: {  	_ =	swait.ge [sflag:s4], $0x8000  }
0x14b: {  	[sflag:s4] =	ssyncset.done $0x0  }
0x14c: {  	[sflag:s4] =	ssyncadd.s32 $0xFFFF8000  }
0x14d: {  	_ =	swait.ge [sflag:s4], $0x8000  }
0x14e: {  	[sflag:s4] =	ssyncset.done $0x0  }
0x14f: {  	[sflag:s4] =	ssyncadd.s32 $0xFFFF8000  }
0x150: {  	[tilespmem:s2], [sflag:$0x1] =	stream.linear.gather [hbm4b:s22+s2], $0x8000, $0x38;
	[tilespmem:$0x18000] =	vst v63  }
0x151: {  	_ =	swait.ge [sflag:s30], $0x8000  }
0x152: {  	[sflag:s30] =	ssyncset.done $0x0  }
0x153: {  	[sflag:s30] =	ssyncadd.s32 $0xFFFF8000  }
0x154: {  	[hbm4b:s18+s2] =	stream.linear.scatter [tilespmem:s29], [sflag:$0x6], $0x8000, $0x38;
	[tilespmem:$0x18000] =	vst v63  }
0x155: {  	_ = 	snop  }
0x156: {  	[hbm4b:s19+s2] =	stream.linear.scatter [tilespmem:s29], [sflag:$0x6], $0x8000, $0x38;
	[tilespmem:$0x18000] =	vst v63  }
0x157: {  	_ = 	snop  }
0x158: {  	[hbm4b:s20+s2] =	stream.linear.scatter [tilespmem:s29], [sflag:$0x6], $0x8000, $0x38;
	[tilespmem:$0x18000] =	vst v63  }
0x159: {  	_ = 	snop  }
0x15a: {  	[hbm4b:s21+s2] =	stream.linear.scatter [tilespmem:s29], [sflag:$0x6], $0x8000, $0x38;
	[tilespmem:$0x18000] =	vst v63  }
0x15b: {  	_ =	swait.ge [sflag:s3], $0x8000  }
0x15c: {  	[sflag:s3] =	ssyncset.done $0x0  }
0x15d: {  	[sflag:s3] =	ssyncadd.s32 $0xFFFF8000  }
0x15e: {  	_ =	swait.ge [sflag:s3], $0x8000  }
0x15f: {  	[sflag:s3] =	ssyncset.done $0x0  }
0x160: {  	[sflag:s3] =	ssyncadd.s32 $0xFFFF8000  }
0x161: {  	_ =	swait.ge [sflag:s3], $0x8000  }
0x162: {  	[sflag:s3] =	ssyncset.done $0x0  }
0x163: {  	[sflag:s3] =	ssyncadd.s32 $0xFFFF8000  }
0x164: {  	_ =	swait.ge [sflag:s3], $0x8000  }
0x165: {  	[sflag:s3] =	ssyncset.done $0x0  }
0x166: {  	[sflag:s3] =	ssyncadd.s32 $0xFFFF8000  }
0x167: {  	[tilespmem:s9], [sflag:$0x2] =	stream.linear.gather [hbm4b:s15+s2], $0x8000, $0x38;
	[tilespmem:$0x18000] =	vst v63  }
0x168: {  	_ =	swait.ge [sflag:s17], $0x8000  }
0x169: {  	[sflag:s17] =	ssyncset.done $0x0  }
0x16a: {  	[sflag:s17] =	ssyncadd.s32 $0xFFFF8000  }
0x16b: {  	[hbm4b:s11+s2] =	stream.linear.scatter [tilespmem:s2], [sflag:$0x4], $0x8000, $0x38;
	[tilespmem:$0x18000] =	vst v63  }
0x16c: {  	_ = 	snop  }
0x16d: {  	[hbm4b:s12+s2] =	stream.linear.scatter [tilespmem:s2], [sflag:$0x4], $0x8000, $0x38;
	[tilespmem:$0x18000] =	vst v63  }
0x16e: {  	_ = 	snop  }
0x16f: {  	[hbm4b:s13+s2] =	stream.linear.scatter [tilespmem:s2], [sflag:$0x4], $0x8000, $0x38;
	[tilespmem:$0x18000] =	vst v63  }
0x170: {  	_ = 	snop  }
0x171: {  	[hbm4b:s14+s2] =	stream.linear.scatter [tilespmem:s2], [sflag:$0x4], $0x8000, $0x38;
	[tilespmem:$0x18000] =	vst v63  }
0x172: {  	_ =	swait.ge [sflag:s16], $0x8000  }
0x173: {  	[sflag:s16] =	ssyncset.done $0x0  }
0x174: {  	[sflag:s16] =	ssyncadd.s32 $0xFFFF8000  }
0x175: {  	_ =	swait.ge [sflag:s16], $0x8000  }
0x176: {  	[sflag:s16] =	ssyncset.done $0x0  }
0x177: {  	[sflag:s16] =	ssyncadd.s32 $0xFFFF8000  }
0x178: {  	_ =	swait.ge [sflag:s16], $0x8000  }
0x179: {  	[sflag:s16] =	ssyncset.done $0x0  }
0x17a: {  	[sflag:s16] =	ssyncadd.s32 $0xFFFF8000  }
0x17b: {  	_ =	swait.ge [sflag:s16], $0x8000  }
0x17c: {  	[sflag:s16] =	ssyncset.done $0x0  }
0x17d: {  	[sflag:s16] =	ssyncadd.s32 $0xFFFF8000  }
0x17e: {  	_ =	swait.ge [sflag:s10], $0x8000  }
0x17f: {  	[sflag:s10] =	ssyncset.done $0x0  }
0x180: {  	[sflag:s10] =	ssyncadd.s32 $0xFFFF8000  }
0x181: {  	[hbm4b:s5+s2] =	stream.linear.scatter [tilespmem:s9], [sflag:$0x5], $0x8000, $0x38;
	[tilespmem:$0x18000] =	vst v63  }
0x182: {  	_ = 	snop  }
0x183: {  	[hbm4b:s6+s2] =	stream.linear.scatter [tilespmem:s9], [sflag:$0x5], $0x8000, $0x38;
	[tilespmem:$0x18000] =	vst v63  }
0x184: {  	_ = 	snop  }
0x185: {  	[hbm4b:s7+s2] =	stream.linear.scatter [tilespmem:s9], [sflag:$0x5], $0x8000, $0x38;
	[tilespmem:$0x18000] =	vst v63  }
0x186: {  	_ = 	snop  }
0x187: {  	[hbm4b:s8+s2] =	stream.linear.scatter [tilespmem:s9], [sflag:$0x5], $0x8000, $0x38;
	[tilespmem:$0x18000] =	vst v63  }
0x188: {  	_ =	swait.ge [sflag:s4], $0x8000  }
0x189: {  	[sflag:s4] =	ssyncset.done $0x0  }
0x18a: {  	[sflag:s4] =	ssyncadd.s32 $0xFFFF8000  }
0x18b: {  	_ =	swait.ge [sflag:s4], $0x8000  }
0x18c: {  	[sflag:s4] =	ssyncset.done $0x0  }
0x18d: {  	[sflag:s4] =	ssyncadd.s32 $0xFFFF8000  }
0x18e: {  	_ =	swait.ge [sflag:s4], $0x8000  }
0x18f: {  	[sflag:s4] =	ssyncset.done $0x0  }
0x190: {  	[sflag:s4] =	ssyncadd.s32 $0xFFFF8000  }
0x191: {  	_ =	swait.ge [sflag:s4], $0x8000  }
0x192: {  	[sflag:s4] =	ssyncset.done $0x0  }
0x193: {  	[sflag:s4] =	ssyncadd.s32 $0xFFFF8000  }
0x194: {  	_ =	swait.ge [sflag:s3], $0x8000  }
0x195: {  	[sflag:s3] =	ssyncset.done $0x0  }
0x196: {  	[sflag:s3] =	ssyncadd.s32 $0xFFFF8000  }
0x197: {  	_ =	swait.ge [sflag:s3], $0x8000  }
0x198: {  	[sflag:s3] =	ssyncset.done $0x0  }
0x199: {  	p1 =	sne.s32 s0, $0x1;
	[sflag:s3] =	ssyncadd.s32 $0xFFFF8000  }
.Ltmp2:
0x19a: {  	_ =	swait.ge [sflag:s3], $0x8000;
	(pc) =	sbr.rel @p1 .LBB2_3-.Ltmp2, $4  }
0x19b: {  	[sflag:s3] =	ssyncset.done $0x0  }
0x19c: {  	[sflag:s3] =	ssyncadd.s32 $0xFFFF8000  }
0x19d: {  	s0 =	sadd.s32 $0xFFFFFFFF, s0;
	_ =	swait.ge [sflag:s3], $0x8000  }
0x19e: {  	s28 =	smov.u32 s31;
	s1 =	rddreg [dreg:$0x3];
	[sflag:s3] =	ssyncset.done $0x0  }
0x19f: {  	s31 =	rddreg [dreg:$0x17]  }
.LBB2_5:
0x1a0: {  	[sflag:s3] =	ssyncadd.s32 @p0 $0xFFFF8000  }
0x1a1: {  	[tilespmem:s2], [sflag:$0x1] =	stream.linear.gather [hbm4b:s1+s2], $0x8000, $0x38;
	[tilespmem:$0x18000] =	vst v63  }
0x1a2: {  	s0 =	rddreg [dreg:$0x4]  }
0x1a3: {  	[tilespmem:s9], [sflag:$0x2] =	stream.linear.gather [hbm4b:s0+s2], $0x8000, $0x38;
	[tilespmem:$0x18000] =	vst v63  }
0x1a4: {  	_ =	swait.ge [sflag:s17], $0x8000  }
0x1a5: {  	[sflag:s17] =	ssyncset.done $0x0  }
0x1a6: {  	[sflag:s17] =	ssyncadd.s32 $0xFFFF8000  }
0x1a7: {  	[hbm4b:s31+s2] =	stream.linear.scatter [tilespmem:s2], [sflag:$0x4], $0x8000, $0x38;
	[tilespmem:$0x18000] =	vst v63  }
0x1a8: {  	s1 =	rddreg [dreg:$0x5]  }
0x1a9: {  	[hbm4b:s1+s2] =	stream.linear.scatter [tilespmem:s2], [sflag:$0x4], $0x8000, $0x38;
	[tilespmem:$0x18000] =	vst v63  }
0x1aa: {  	s31 =	rddreg [dreg:$0x6]  }
0x1ab: {  	[hbm4b:s31+s2] =	stream.linear.scatter [tilespmem:s2], [sflag:$0x4], $0x8000, $0x38;
	[tilespmem:$0x18000] =	vst v63  }
0x1ac: {  	s0 =	rddreg [dreg:$0x7]  }
0x1ad: {  	[hbm4b:s0+s2] =	stream.linear.scatter [tilespmem:s2], [sflag:$0x4], $0x8000, $0x38;
	[tilespmem:$0x18000] =	vst v63  }
0x1ae: {  	s31 =	rddreg [dreg:$0x8]  }
0x1af: {  	[tilespmem:s29], [sflag:$0x3] =	stream.linear.gather [hbm4b:s31+s2], $0x8000, $0x38;
	[tilespmem:$0x18000] =	vst v63  }
0x1b0: {  	_ =	swait.ge [sflag:s10], $0x8000  }
0x1b1: {  	[sflag:s10] =	ssyncset.done $0x0  }
0x1b2: {  	s1 =	rddreg [dreg:$0x9];
	[sflag:s10] =	ssyncadd.s32 $0xFFFF8000  }
0x1b3: {  	[hbm4b:s1+s2] =	stream.linear.scatter [tilespmem:s9], [sflag:$0x5], $0x8000, $0x38;
	[tilespmem:$0x18000] =	vst v63  }
0x1b4: {  	s31 =	rddreg [dreg:$0xa]  }
0x1b5: {  	[hbm4b:s31+s2] =	stream.linear.scatter [tilespmem:s9], [sflag:$0x5], $0x8000, $0x38;
	[tilespmem:$0x18000] =	vst v63  }
0x1b6: {  	s0 =	rddreg [dreg:$0xb]  }
0x1b7: {  	[hbm4b:s0+s2] =	stream.linear.scatter [tilespmem:s9], [sflag:$0x5], $0x8000, $0x38;
	[tilespmem:$0x18000] =	vst v63  }
0x1b8: {  	s31 =	rddreg [dreg:$0xc]  }
0x1b9: {  	[hbm4b:s31+s2] =	stream.linear.scatter [tilespmem:s9], [sflag:$0x5], $0x8000, $0x38;
	[tilespmem:$0x18000] =	vst v63  }
0x1ba: {  	_ =	swait.ge [sflag:s4], $0x8000  }
0x1bb: {  	[sflag:s4] =	ssyncset.done $0x0  }
0x1bc: {  	[sflag:s4] =	ssyncadd.s32 $0xFFFF8000  }
0x1bd: {  	_ =	swait.ge [sflag:s4], $0x8000  }
0x1be: {  	[sflag:s4] =	ssyncset.done $0x0  }
0x1bf: {  	[sflag:s4] =	ssyncadd.s32 $0xFFFF8000  }
0x1c0: {  	_ =	swait.ge [sflag:s4], $0x8000  }
0x1c1: {  	[sflag:s4] =	ssyncset.done $0x0  }
0x1c2: {  	[sflag:s4] =	ssyncadd.s32 $0xFFFF8000  }
0x1c3: {  	_ =	swait.ge [sflag:s4], $0x8000  }
0x1c4: {  	[sflag:s4] =	ssyncset.done $0x0  }
0x1c5: {  	s31 =	rddreg [dreg:$0xd];
	[sflag:s4] =	ssyncadd.s32 $0xFFFF8000  }
0x1c6: {  	[tilespmem:s2], [sflag:$0x1] =	stream.linear.gather [hbm4b:s31+s2], $0x8000, $0x38;
	[tilespmem:$0x18000] =	vst v63  }
0x1c7: {  	_ =	swait.ge [sflag:s30], $0x8000  }
0x1c8: {  	[sflag:s30] =	ssyncset.done $0x0  }
0x1c9: {  	s1 =	rddreg [dreg:$0xe];
	[sflag:s30] =	ssyncadd.s32 $0xFFFF8000  }
0x1ca: {  	[hbm4b:s1+s2] =	stream.linear.scatter [tilespmem:s29], [sflag:$0x6], $0x8000, $0x38;
	[tilespmem:$0x18000] =	vst v63  }
0x1cb: {  	s31 =	rddreg [dreg:$0xf]  }
0x1cc: {  	[hbm4b:s31+s2] =	stream.linear.scatter [tilespmem:s29], [sflag:$0x6], $0x8000, $0x38;
	[tilespmem:$0x18000] =	vst v63  }
0x1cd: {  	s0 =	rddreg [dreg:$0x10]  }
0x1ce: {  	[hbm4b:s0+s2] =	stream.linear.scatter [tilespmem:s29], [sflag:$0x6], $0x8000, $0x38;
	[tilespmem:$0x18000] =	vst v63  }
0x1cf: {  	s31 =	rddreg [dreg:$0x11]  }
0x1d0: {  	[hbm4b:s31+s2] =	stream.linear.scatter [tilespmem:s29], [sflag:$0x6], $0x8000, $0x38;
	[tilespmem:$0x18000] =	vst v63  }
0x1d1: {  	_ =	swait.ge [sflag:s3], $0x8000  }
0x1d2: {  	[sflag:s3] =	ssyncset.done $0x0  }
0x1d3: {  	[sflag:s3] =	ssyncadd.s32 $0xFFFF8000  }
0x1d4: {  	_ =	swait.ge [sflag:s3], $0x8000  }
0x1d5: {  	[sflag:s3] =	ssyncset.done $0x0  }
0x1d6: {  	[sflag:s3] =	ssyncadd.s32 $0xFFFF8000  }
0x1d7: {  	_ =	swait.ge [sflag:s3], $0x8000  }
0x1d8: {  	[sflag:s3] =	ssyncset.done $0x0  }
0x1d9: {  	[sflag:s3] =	ssyncadd.s32 $0xFFFF8000  }
0x1da: {  	_ =	swait.ge [sflag:s3], $0x8000  }
0x1db: {  	[sflag:s3] =	ssyncset.done $0x0  }
0x1dc: {  	s31 =	rddreg [dreg:$0x12];
	[sflag:s3] =	ssyncadd.s32 $0xFFFF8000  }
0x1dd: {  	[tilespmem:s9], [sflag:$0x2] =	stream.linear.gather [hbm4b:s31+s2], $0x8000, $0x38;
	[tilespmem:$0x18000] =	vst v63  }
0x1de: {  	_ =	swait.ge [sflag:s17], $0x8000  }
0x1df: {  	[sflag:s17] =	ssyncset.done $0x0  }
0x1e0: {  	s1 =	rddreg [dreg:$0x13];
	[sflag:s17] =	ssyncadd.s32 $0xFFFF8000  }
0x1e1: {  	[hbm4b:s1+s2] =	stream.linear.scatter [tilespmem:s2], [sflag:$0x4], $0x8000, $0x38;
	[tilespmem:$0x18000] =	vst v63  }
0x1e2: {  	s31 =	rddreg [dreg:$0x14]  }
0x1e3: {  	[hbm4b:s31+s2] =	stream.linear.scatter [tilespmem:s2], [sflag:$0x4], $0x8000, $0x38;
	[tilespmem:$0x18000] =	vst v63  }
0x1e4: {  	s0 =	rddreg [dreg:$0x15]  }
0x1e5: {  	[hbm4b:s0+s2] =	stream.linear.scatter [tilespmem:s2], [sflag:$0x4], $0x8000, $0x38;
	[tilespmem:$0x18000] =	vst v63  }
0x1e6: {  	s31 =	rddreg [dreg:$0x16]  }
0x1e7: {  	[hbm4b:s31+s2] =	stream.linear.scatter [tilespmem:s2], [sflag:$0x4], $0x8000, $0x38;
	[tilespmem:$0x18000] =	vst v63  }
0x1e8: {  	_ =	swait.ge [sflag:s16], $0x8000  }
0x1e9: {  	[sflag:s16] =	ssyncset.done $0x0  }
0x1ea: {  	[sflag:s16] =	ssyncadd.s32 $0xFFFF8000  }
0x1eb: {  	_ =	swait.ge [sflag:s16], $0x8000  }
0x1ec: {  	[sflag:s16] =	ssyncset.done $0x0  }
0x1ed: {  	[sflag:s16] =	ssyncadd.s32 $0xFFFF8000  }
0x1ee: {  	_ =	swait.ge [sflag:s16], $0x8000  }
0x1ef: {  	[sflag:s16] =	ssyncset.done $0x0  }
0x1f0: {  	[sflag:s16] =	ssyncadd.s32 $0xFFFF8000  }
0x1f1: {  	_ =	swait.ge [sflag:s16], $0x8000  }
0x1f2: {  	[sflag:s16] =	ssyncset.done $0x0  }
0x1f3: {  	[sflag:s16] =	ssyncadd.s32 $0xFFFF8000  }
0x1f4: {  	[tilespmem:s29], [sflag:$0x3] =	stream.linear.gather [hbm4b:s28+s2], $0x8000, $0x38;
	[tilespmem:$0x18000] =	vst v63  }
0x1f5: {  	_ =	swait.ge [sflag:s10], $0x8000  }
0x1f6: {  	[sflag:s10] =	ssyncset.done $0x0  }
0x1f7: {  	[sflag:s10] =	ssyncadd.s32 $0xFFFF8000  }
0x1f8: {  	[hbm4b:s23+s2] =	stream.linear.scatter [tilespmem:s9], [sflag:$0x5], $0x8000, $0x38;
	[tilespmem:$0x18000] =	vst v63  }
0x1f9: {  	_ = 	snop  }
0x1fa: {  	[hbm4b:s24+s2] =	stream.linear.scatter [tilespmem:s9], [sflag:$0x5], $0x8000, $0x38;
	[tilespmem:$0x18000] =	vst v63  }
0x1fb: {  	_ = 	snop  }
0x1fc: {  	[hbm4b:s25+s2] =	stream.linear.scatter [tilespmem:s9], [sflag:$0x5], $0x8000, $0x38;
	[tilespmem:$0x18000] =	vst v63  }
0x1fd: {  	_ = 	snop  }
0x1fe: {  	[hbm4b:s26+s2] =	stream.linear.scatter [tilespmem:s9], [sflag:$0x5], $0x8000, $0x38;
	[tilespmem:$0x18000] =	vst v63  }
0x1ff: {  	_ =	swait.ge [sflag:s4], $0x8000  }
0x200: {  	[sflag:s4] =	ssyncset.done $0x0  }
0x201: {  	[sflag:s4] =	ssyncadd.s32 $0xFFFF8000  }
0x202: {  	_ =	swait.ge [sflag:s4], $0x8000  }
0x203: {  	[sflag:s4] =	ssyncset.done $0x0  }
0x204: {  	[sflag:s4] =	ssyncadd.s32 $0xFFFF8000  }
0x205: {  	_ =	swait.ge [sflag:s4], $0x8000  }
0x206: {  	[sflag:s4] =	ssyncset.done $0x0  }
0x207: {  	[sflag:s4] =	ssyncadd.s32 $0xFFFF8000  }
0x208: {  	_ =	swait.ge [sflag:s4], $0x8000  }
0x209: {  	[sflag:s4] =	ssyncset.done $0x0  }
0x20a: {  	[sflag:s4] =	ssyncadd.s32 $0xFFFF8000  }
0x20b: {  	[tilespmem:s2], [sflag:$0x1] =	stream.linear.gather [hbm4b:s22+s2], $0x8000, $0x38;
	[tilespmem:$0x18000] =	vst v63  }
0x20c: {  	_ =	swait.ge [sflag:s30], $0x8000  }
0x20d: {  	[sflag:s30] =	ssyncset.done $0x0  }
0x20e: {  	[sflag:s30] =	ssyncadd.s32 $0xFFFF8000  }
0x20f: {  	[hbm4b:s18+s2] =	stream.linear.scatter [tilespmem:s29], [sflag:$0x6], $0x8000, $0x38;
	[tilespmem:$0x18000] =	vst v63  }
0x210: {  	_ = 	snop  }
0x211: {  	[hbm4b:s19+s2] =	stream.linear.scatter [tilespmem:s29], [sflag:$0x6], $0x8000, $0x38;
	[tilespmem:$0x18000] =	vst v63  }
0x212: {  	_ = 	snop  }
0x213: {  	[hbm4b:s20+s2] =	stream.linear.scatter [tilespmem:s29], [sflag:$0x6], $0x8000, $0x38;
	[tilespmem:$0x18000] =	vst v63  }
0x214: {  	_ = 	snop  }
0x215: {  	[hbm4b:s21+s2] =	stream.linear.scatter [tilespmem:s29], [sflag:$0x6], $0x8000, $0x38;
	[tilespmem:$0x18000] =	vst v63  }
0x216: {  	_ =	swait.ge [sflag:s3], $0x8000  }
0x217: {  	[sflag:s3] =	ssyncset.done $0x0  }
0x218: {  	[sflag:s3] =	ssyncadd.s32 $0xFFFF8000  }
0x219: {  	_ =	swait.ge [sflag:s3], $0x8000  }
0x21a: {  	[sflag:s3] =	ssyncset.done $0x0  }
0x21b: {  	[sflag:s3] =	ssyncadd.s32 $0xFFFF8000  }
0x21c: {  	_ =	swait.ge [sflag:s3], $0x8000  }
0x21d: {  	[sflag:s3] =	ssyncset.done $0x0  }
0x21e: {  	[sflag:s3] =	ssyncadd.s32 $0xFFFF8000  }
0x21f: {  	_ =	swait.ge [sflag:s3], $0x8000  }
0x220: {  	[sflag:s3] =	ssyncset.done $0x0  }
0x221: {  	[sflag:s3] =	ssyncadd.s32 $0xFFFF8000  }
0x222: {  	[tilespmem:s9], [sflag:$0x2] =	stream.linear.gather [hbm4b:s15+s2], $0x8000, $0x38;
	[tilespmem:$0x18000] =	vst v63  }
0x223: {  	_ =	swait.ge [sflag:s17], $0x8000  }
0x224: {  	[sflag:s17] =	ssyncset.done $0x0  }
0x225: {  	[sflag:s17] =	ssyncadd.s32 $0xFFFF8000  }
0x226: {  	[hbm4b:s11+s2] =	stream.linear.scatter [tilespmem:s2], [sflag:$0x4], $0x8000, $0x38;
	[tilespmem:$0x18000] =	vst v63  }
0x227: {  	_ = 	snop  }
0x228: {  	[hbm4b:s12+s2] =	stream.linear.scatter [tilespmem:s2], [sflag:$0x4], $0x8000, $0x38;
	[tilespmem:$0x18000] =	vst v63  }
0x229: {  	_ = 	snop  }
0x22a: {  	[hbm4b:s13+s2] =	stream.linear.scatter [tilespmem:s2], [sflag:$0x4], $0x8000, $0x38;
	[tilespmem:$0x18000] =	vst v63  }
0x22b: {  	_ = 	snop  }
0x22c: {  	[hbm4b:s14+s2] =	stream.linear.scatter [tilespmem:s2], [sflag:$0x4], $0x8000, $0x38;
	[tilespmem:$0x18000] =	vst v63  }
0x22d: {  	_ =	swait.ge [sflag:s16], $0x8000  }
0x22e: {  	[sflag:s16] =	ssyncset.done $0x0  }
0x22f: {  	[sflag:s16] =	ssyncadd.s32 $0xFFFF8000  }
0x230: {  	_ =	swait.ge [sflag:s16], $0x8000  }
0x231: {  	[sflag:s16] =	ssyncset.done $0x0  }
0x232: {  	[sflag:s16] =	ssyncadd.s32 $0xFFFF8000  }
0x233: {  	_ =	swait.ge [sflag:s16], $0x8000  }
0x234: {  	[sflag:s16] =	ssyncset.done $0x0  }
0x235: {  	[sflag:s16] =	ssyncadd.s32 $0xFFFF8000  }
0x236: {  	_ =	swait.ge [sflag:s16], $0x8000  }
0x237: {  	[sflag:s16] =	ssyncset.done $0x0  }
0x238: {  	[sflag:s16] =	ssyncadd.s32 $0xFFFF8000  }
0x239: {  	_ =	swait.ge [sflag:s10], $0x8000  }
0x23a: {  	[sflag:s10] =	ssyncset.done $0x0  }
0x23b: {  	[sflag:s10] =	ssyncadd.s32 $0xFFFF8000  }
0x23c: {  	[hbm4b:s5+s2] =	stream.linear.scatter [tilespmem:s9], [sflag:$0x5], $0x8000, $0x38;
	[tilespmem:$0x18000] =	vst v63  }
0x23d: {  	_ = 	snop  }
0x23e: {  	[hbm4b:s6+s2] =	stream.linear.scatter [tilespmem:s9], [sflag:$0x5], $0x8000, $0x38;
	[tilespmem:$0x18000] =	vst v63  }
0x23f: {  	_ = 	snop  }
0x240: {  	[hbm4b:s7+s2] =	stream.linear.scatter [tilespmem:s9], [sflag:$0x5], $0x8000, $0x38;
	[tilespmem:$0x18000] =	vst v63  }
0x241: {  	_ = 	snop  }
0x242: {  	[hbm4b:s8+s2] =	stream.linear.scatter [tilespmem:s9], [sflag:$0x5], $0x8000, $0x38;
	[tilespmem:$0x18000] =	vst v63  }
0x243: {  	_ =	swait.ge [sflag:s4], $0x8000  }
0x244: {  	[sflag:s4] =	ssyncset.done $0x0  }
0x245: {  	[sflag:s4] =	ssyncadd.s32 $0xFFFF8000  }
0x246: {  	_ =	swait.ge [sflag:s4], $0x8000  }
0x247: {  	[sflag:s4] =	ssyncset.done $0x0  }
0x248: {  	[sflag:s4] =	ssyncadd.s32 $0xFFFF8000  }
0x249: {  	_ =	swait.ge [sflag:s4], $0x8000  }
0x24a: {  	[sflag:s4] =	ssyncset.done $0x0  }
0x24b: {  	[sflag:s4] =	ssyncadd.s32 $0xFFFF8000  }
0x24c: {  	_ =	swait.ge [sflag:s4], $0x8000  }
0x24d: {  	[sflag:s4] =	ssyncset.done $0x0  }
0x24e: {  	[sflag:s4] =	ssyncadd.s32 $0xFFFF8000  }
0x24f: {  	_ =	swait.ge [sflag:s3], $0x8000  }
0x250: {  	[sflag:s3] =	ssyncset.done $0x0  }
0x251: {  	[sflag:s3] =	ssyncadd.s32 $0xFFFF8000  }
0x252: {  	_ =	swait.ge [sflag:s3], $0x8000  }
0x253: {  	[sflag:s3] =	ssyncset.done $0x0  }
0x254: {  	[sflag:s3] =	ssyncadd.s32 $0xFFFF8000  }
0x255: {  	_ =	swait.ge [sflag:s3], $0x8000  }
0x256: {  	[sflag:s3] =	ssyncset.done $0x0  }
0x257: {  	[sflag:s3] =	ssyncadd.s32 $0xFFFF8000  }
0x258: {  	_ =	swait.ge [sflag:s3], $0x8000  }
0x259: {  	[sflag:s3] =	ssyncset.done $0x0  }
0x25a: {  	[sflag:s3] =	ssyncadd.s32 $0xFFFF8000  }
0x25b: {  	_ =	sfence.sel $0x180000  }
0x25c: {  	[bflag:$0x0] =	sbarrier.arrive $0xFFFF  }
0x25d: {  	_ =	strace $0x90000047  }
0x25e: {  	s31 =	stileid.u32;
	[bflag:$0x2] =	sbarrier.arrive $0xFFFF  }
0x25f: {  	p0 =	sne.s32 s31, $0x0;
	s0 =	rddreg [dreg:$0x2]  }
0x260: {  	s0 =	sadd.s32 @!p0 $0x100000, s0  }
0x261: {  	[sflag:s0] =	ssyncadd.tile.s32 @!p0 $0x1;
	_ =	shalt  }
.LBB2_2:
.Ltmp3:
0x262: {  	(pc) =	sbr.rel .LBB2_5-.Ltmp3, $2  }
0x263: {  	_ =	sdelay $0x2  }
0x264: {  	s31 =	rddreg [dreg:$0x17]  }
.Lfunc_end2:
_tile_overlayer_lowered:
.L_overlay_start_2:
0x265: {  	(tag) =	ssettag $0x2  }
0x266: {  	s0 =	rddreg [dreg:$0x0];
	s2 =	stileid.u32  }
0x267: {  	s1 =	rddreg [dreg:$0x1];
	p0 =	sne.s32 s2, $0x0  }
0x268: {  	s3 =	rddreg [dreg:$0x2];
	[bflag:$0x3] =	sbarrier.arrive $0xFFFF;
	s2 =	simm.s32 @!p0 $0x1C07  }
0x269: {  	[timem:s3], [sflag:s2] =	dma.local @!p0 [hbm:s0], s1  }
0x26a: {  	s0 =	simm.s32 @!p0 $0x7  }
0x26b: {  	_ =	swait.ge @!p0 [sflag:s0], s1  }
0x26c: {  	s1 =	ssub.s32 @!p0 $0x0, s1;
	[sflag:s0] =	ssyncset.done @!p0 $0x0  }
0x26d: {  	[sflag:s0] =	ssyncadd.s32 @!p0 s1  }
0x26e: {  	[bflag:$0x3] =	sbarrier.arrive $0xFFFF  }
0x26f: {  	_ =	shalt  }

</sc_bundles>
